<compile_context>
chip_gen: v7x
topology: tpu7x:2x2x1
jax: 0.10.2.dev20260603
libtpu: 0.0.44.dev20260713+nightly
codegen_flags: <defaults>
</compile_context>

<pallas_src>
import functools

import numpy as np

import jax
import jax.numpy as jnp
from jax import lax
from jax.experimental import pallas as pl
from jax.experimental.pallas import tpu as pltpu
from jax.experimental.pallas import tpu_sc as plsc

TEMP = 7.0
NROW = 128
NCOL = 100000
W = 1280
NBLK = 79
NCHUNK = 5
CW = 1280
TAIL0 = NCOL - CW


def _blocksum_body(x_ref, s_ref, t_ref):
    e = jnp.exp(x_ref[...] * TEMP)
    parts = [jnp.sum(e[:, j * W:min((j + 1) * W, NCOL)], axis=1, keepdims=True)
             for j in range(NBLK)]
    parts.append(jnp.zeros((8, 128 - NBLK), jnp.float32))
    s_ref[...] = jnp.concatenate(parts, axis=1)
    t_ref[...] = x_ref[:, TAIL0:NCOL]


def _block_sums(x):
    return pl.pallas_call(
        _blocksum_body,
        grid=(NROW // 8,),
        in_specs=[pl.BlockSpec((8, NCOL), lambda i: (i, 0))],
        out_specs=[
            pl.BlockSpec((8, 128), lambda i: (i, 0)),
            pl.BlockSpec((8, CW), lambda i: (i, 0)),
        ],
        out_shape=[
            jax.ShapeDtypeStruct((NROW, 128), jnp.float32),
            jax.ShapeDtypeStruct((NROW, CW), jnp.float32),
        ],
    )(x)


_MESH = plsc.VectorSubcoreMesh(core_axis_name="c", subcore_axis_name="s")


@functools.partial(
    pl.kernel,
    out_type=jax.ShapeDtypeStruct((32 * 16,), jnp.int32),
    mesh=_MESH,
    compiler_params=pltpu.CompilerParams(needs_layout_passes=False),
    scratch_types=[
        pltpu.VMEM((8, 128), jnp.float32),
        pltpu.VMEM((NROW,), jnp.float32),
        pltpu.VMEM((8, CW), jnp.float32),
        pltpu.VMEM((16,), jnp.int32),
    ],
)
def _sample_body(s_hbm, u_hbm, x_hbm, t_hbm, out_hbm, sv, uv, band, res):
    wid = lax.axis_index("s") * 2 + lax.axis_index("c")
    base = wid * 4
    grp8 = pl.multiple_of((base // 8) * 8, 8)
    pltpu.sync_copy(s_hbm.at[pl.ds(grp8, 8)], sv)
    pltpu.sync_copy(u_hbm, uv)
    lane = lax.broadcasted_iota(jnp.int32, (16,), 0)
    uv16 = uv[pl.ds((wid // 4) * 16, 16)]
    acts = jnp.zeros((16,), jnp.int32)
    for k in range(4):
        row = base + k
        row8 = pl.multiple_of((row // 8) * 8, 8)
        sub = row % 8

        srow = base % 8 + k

        def zbody(ci, acc, srow=srow):
            return acc + jnp.sum(sv[srow, pl.ds(ci * 16, 16)])

        z = lax.fori_loop(0, NCHUNK, zbody, jnp.float32(0.0))
        u_row = jnp.sum(jnp.where(lane == (wid % 4) * 4 + k, uv16, 0.0))
        t = u_row * z

        def bbody(ci, carry, srow=srow, t=t):
            prefix, b, cumbefore = carry
            v = sv[srow, pl.ds(ci * 16, 16)]
            pre = prefix + plsc.cumsum(v)
            m = pre < t
            b = b + jnp.sum(m.astype(jnp.int32))
            cumbefore = cumbefore + jnp.sum(jnp.where(m, v, 0.0))
            return prefix + jnp.sum(v), b, cumbefore

        _, b, cumbefore = lax.fori_loop(
            0, NCHUNK, bbody,
            (jnp.float32(0.0), jnp.int32(0), jnp.float32(0.0)))
        b = jnp.minimum(b, NBLK - 1)
        is_last = b == NBLK - 1
        col0 = pl.multiple_of(jnp.where(is_last, 0, b * W), 128)
        off = b * W - jnp.where(is_last, TAIL0, b * W)

        def _copy_tail():
            pltpu.sync_copy(t_hbm.at[pl.ds(row8, 8)], band)

        def _copy_mid():
            pltpu.sync_copy(x_hbm.at[pl.ds(row8, 8), pl.ds(col0, CW)], band)

        lax.cond(is_last, _copy_tail, _copy_mid)

        def cbody(ci, carry, t=t, cumbefore=cumbefore, off=off, sub=sub):
            cnt, pref = carry
            gl = ci * 16 + lane
            e = jnp.exp(band[sub, pl.ds(ci * 16, 16)] * TEMP)
            e = jnp.where(gl >= off, e, 0.0)
            pre = cumbefore + pref + plsc.cumsum(e)
            m = (pre < t) & (gl >= off)
            cnt = cnt + jnp.sum(m.astype(jnp.int32))
            return cnt, pref + jnp.sum(e)

        cnt, _ = lax.fori_loop(0, CW // 16, cbody,
                               (jnp.int32(0), jnp.float32(0.0)))
        action = jnp.minimum(b * W + cnt, NCOL - 1)
        acts = jnp.where(lane == k, action, acts)
    res[...] = acts
    pltpu.sync_copy(res, out_hbm.at[pl.ds(wid * 16, 16)])


_U_HEX = (
    "0001ef3b0024ab3c5ed8143fd442b93e0064643e704df43d1073003e92e81d3f"
    "3093c23d94c17b3f4882d93e6a1d553f90dcc53d2878683ed48ab53e5ec92b3f"
    "008bef3d80ddf13ef8962d3e0060cd3cd896093ecc58bf3e0886683f06ab4a3f"
    "d071fc3d4043963e0a584a3f9474733f04acae3e3c80053fac48843e80f51d3d"
    "fc1cd53ea264523f30a4c63de009733e806a053c80893f3dec72a33ea0d9303d"
    "0069bf3c20554a3d24a3c83ed8be713ed221273f807e313e6eec783fe00c363f"
    "34dbef3ea84a473fc2f5513fb0e0033e5249413f50a3ad3ddae2123f408e5e3d"
    "44a6a23ec207313fb869683e3261553f14ecc13e70f2013f2cc45a3fc421533f"
    "dcb2743f0419473f3a0f6c3ff0a7043e46b03a3ff2b73d3f3010df3d64e2653f"
    "c82cff3ef452ea3eacd0013f5486423f88f6363f2c9dd53e70c8ad3e6081433f"
    "005a523d50f6363f70ab2a3e74c1fe3ea46b8f3e124f6b3fa002413de65e5d3f"
    "e896733ed2f4243f3855683eea0d093ffcd1063f763c093f1068de3e1e2a413f"
    "04a6803ee003153f2080c53d2c6e4b3f3e16313f62ba393fd866323e3c30273f"
    "603d343ea448f53eec773b3fd212683f46cb3c3ff0def43d406e973c42da2c3f"
    "88fa283e7e90003fc09f8a3e4876db3ee897eb3e4a586e3fd0f8bd3e00f0da3d"
    "2879933e106beb3ef8f25f3f3065b63e3c979c3e3826543e1a4e443fb0000c3f"
)
_U = np.frombuffer(bytes.fromhex(_U_HEX), dtype=np.float32).copy()


def kernel(outputs):
    u = jnp.asarray(_U)
    s, tails = _block_sums(outputs)
    out2 = _sample_body(s, u.reshape(NROW), outputs, tails)
    return out2.reshape(32, 16)[:, :4].reshape(NROW, 1).astype(jnp.int32)

# --- scband reference (transcript-rebuilt; emitter-appended) ---
"""Pipeline reference for scband-softmax-body-893353197569 (READ-ONLY COPY).

The authoritative reference and input builder live on the scoring server;
editing this copy changes nothing except your own understanding.
"""

import jax, jax.numpy as jnp
import numpy as np

TEMPERATURE = 7.0

def setup_inputs(seed: int = 0) -> dict:
    key = jax.random.key(seed)
    outputs = jax.random.normal(key, (128, 100000), dtype=jnp.float32)
    return {"outputs": outputs}

def reference(outputs):
    # probabilities = F.softmax(outputs * temperature)
    probs = jax.nn.softmax(outputs * TEMPERATURE, axis=-1)
    # actions = probabilities.multinomial()  (num_samples=1 in the old API)
    # Implemented via inverse-CDF sampling with a fixed PRNG key.
    cum = jnp.cumsum(probs, axis=-1)
    u = jax.random.uniform(jax.random.fold_in(jax.random.key(0), 1),
                           (outputs.shape[0], 1), dtype=outputs.dtype)
    actions = jnp.sum(cum < u, axis=-1, keepdims=True)
    actions = jnp.clip(actions, 0, outputs.shape[1] - 1).astype(jnp.int64)
    return actions

if __name__ == "__main__":
    import jax
    _d = setup_inputs()
    print(jax.jit(kernel)(*tuple(_d.values())))

</pallas_src>

<mosaic_0001>
#map = affine_map<(d0, d1) -> (0, 0)>
#map1 = affine_map<(d0, d1) -> (0)>
module attributes {stable_mosaic.version = 14 : i64} {
  func.func @_sample_body(%arg0: i32, %arg1: i32, %arg2: memref<128x128xf32, #tpu.memory_space<hbm>>, %arg3: memref<128xf32, #tpu.memory_space<hbm>>, %arg4: memref<128x100000xf32, #tpu.memory_space<hbm>>, %arg5: memref<128x1280xf32, #tpu.memory_space<hbm>>, %arg6: memref<512xi32, #tpu.memory_space<hbm>>, %arg7: memref<8x128xf32, #tpu.memory_space<vmem>>, %arg8: memref<128xf32, #tpu.memory_space<vmem>>, %arg9: memref<8x1280xf32, #tpu.memory_space<vmem>>, %arg10: memref<16xi32, #tpu.memory_space<vmem>>) attributes {dimension_semantics = [#tpu.dimension_semantics<core_parallel>, #tpu.dimension_semantics<subcore_parallel>], iteration_bounds = array<i64: 2, 16>, scalar_prefetch = 0 : i64, scratch_operands = 4 : i64, tpu.core_type = #tpu.core_type<sc_vector_subcore>, window_params = [{transform_indices = #map}, {transform_indices = #map1}, {transform_indices = #map}, {transform_indices = #map}, {transform_indices = #map1}]} {
    %mul3A = arith.constant 2 : i32
    %mul3A_0 = arith.muli %arg1, %mul3A : i32
    %add3A = arith.addi %mul3A_0, %arg0 : i32
    %mul3A_1 = arith.constant 4 : i32
    %mul3A_2 = arith.muli %add3A, %mul3A_1 : i32
    %jit3A = arith.constant 8 : i32
    %div3A = arith.divsi %mul3A_2, %jit3A : i32
    %sign3A = arith.constant 0 : i32
    %sign3A_3 = arith.cmpi sgt, %mul3A_2, %sign3A : i32
    %sign3A_4 = arith.extui %sign3A_3 : i1 to i32
    %sign3A_5 = arith.constant 0 : i32
    %sign3A_6 = arith.cmpi slt, %mul3A_2, %sign3A_5 : i32
    %sign3A_7 = arith.extui %sign3A_6 : i1 to i32
    %sign3A_8 = arith.subi %sign3A_4, %sign3A_7 : i32
    %sign3A_9 = arith.constant 0 : i32
    %sign3A_10 = arith.cmpi sgt, %jit3A, %sign3A_9 : i32
    %sign3A_11 = arith.extui %sign3A_10 : i1 to i32
    %sign3A_12 = arith.constant 0 : i32
    %sign3A_13 = arith.cmpi slt, %jit3A, %sign3A_12 : i32
    %sign3A_14 = arith.extui %sign3A_13 : i1 to i32
    %sign3A_15 = arith.subi %sign3A_11, %sign3A_14 : i32
    %ne3A = arith.cmpi ne, %sign3A_8, %sign3A_15 : i32
    %rem3A = arith.remsi %mul3A_2, %jit3A : i32
    %ne3A_16 = arith.constant 0 : i32
    %ne3A_17 = arith.cmpi ne, %rem3A, %ne3A_16 : i32
    %and3A = arith.andi %ne3A, %ne3A_17 : i1
    %sub3A = arith.constant 1 : i32
    %sub3A_18 = arith.subi %div3A, %sub3A : i32
    %select_n3A = arith.select %and3A, %sub3A_18, %div3A : i32
    %mul3A_19 = arith.constant 8 : i32
    %mul3A_20 = arith.muli %select_n3A, %mul3A_19 : i32
    %multiple_of3A = tpu.assume_multiple %mul3A_20, 8 : i32
    "tpu.region"() ({
      %run_scoped3A = tpu.sem_alloc : memref<!tpu.dma_semaphore, #tpu.memory_space<semaphore_mem>>
      %dma_start3A = arith.constant 0 : i32
      %dma_start3A_629 = tpu.memref_slice %arg2[%multiple_of3A, %dma_start3A] : memref<128x128xf32, #tpu.memory_space<hbm>> -> memref<8x128xf32, #tpu.memory_space<hbm>>
      %dma_start3A_630 = arith.constant 0 : i32
      %dma_start3A_631 = tpu.memref_slice %arg2[%multiple_of3A, %dma_start3A_630] : memref<128x128xf32, #tpu.memory_space<hbm>> -> memref<8x128xf32, #tpu.memory_space<hbm>>
      tpu.enqueue_dma source(%dma_start3A_631 : memref<8x128xf32, #tpu.memory_space<hbm>>) target(%arg7 : memref<8x128xf32, #tpu.memory_space<vmem>>) target_semaphore(%run_scoped3A : memref<!tpu.dma_semaphore, #tpu.memory_space<semaphore_mem>>)
      %dma_wait3A = arith.constant 0 : i32
      %dma_wait3A_632 = tpu.memref_slice %arg2[%multiple_of3A, %dma_wait3A] : memref<128x128xf32, #tpu.memory_space<hbm>> -> memref<8x128xf32, #tpu.memory_space<hbm>>
      %dma_wait3A_633 = arith.constant 0 : i32
      %dma_wait3A_634 = tpu.memref_slice %arg2[%multiple_of3A, %dma_wait3A_633] : memref<128x128xf32, #tpu.memory_space<hbm>> -> memref<8x128xf32, #tpu.memory_space<hbm>>
      tpu.wait_dma2 semaphore(%run_scoped3A : memref<!tpu.dma_semaphore, #tpu.memory_space<semaphore_mem>>) src(%dma_wait3A_634 : memref<8x128xf32, #tpu.memory_space<hbm>>) dst(%arg7 : memref<8x128xf32, #tpu.memory_space<vmem>>)
      tpu.yield
    }) : () -> ()
    "tpu.region"() ({
      %run_scoped3A = tpu.sem_alloc : memref<!tpu.dma_semaphore, #tpu.memory_space<semaphore_mem>>
      tpu.enqueue_dma source(%arg3 : memref<128xf32, #tpu.memory_space<hbm>>) target(%arg8 : memref<128xf32, #tpu.memory_space<vmem>>) target_semaphore(%run_scoped3A : memref<!tpu.dma_semaphore, #tpu.memory_space<semaphore_mem>>)
      tpu.wait_dma2 semaphore(%run_scoped3A : memref<!tpu.dma_semaphore, #tpu.memory_space<semaphore_mem>>) src(%arg3 : memref<128xf32, #tpu.memory_space<hbm>>) dst(%arg8 : memref<128xf32, #tpu.memory_space<vmem>>)
      tpu.yield
    }) : () -> ()
    %iota3A = tpu.iota {dimensions = array<i32: 0>} : vector<16xi32>
    %jit3A_21 = arith.constant 4 : i32
    %div3A_22 = arith.divsi %add3A, %jit3A_21 : i32
    %sign3A_23 = arith.constant 0 : i32
    %sign3A_24 = arith.cmpi sgt, %add3A, %sign3A_23 : i32
    %sign3A_25 = arith.extui %sign3A_24 : i1 to i32
    %sign3A_26 = arith.constant 0 : i32
    %sign3A_27 = arith.cmpi slt, %add3A, %sign3A_26 : i32
    %sign3A_28 = arith.extui %sign3A_27 : i1 to i32
    %sign3A_29 = arith.subi %sign3A_25, %sign3A_28 : i32
    %sign3A_30 = arith.constant 0 : i32
    %sign3A_31 = arith.cmpi sgt, %jit3A_21, %sign3A_30 : i32
    %sign3A_32 = arith.extui %sign3A_31 : i1 to i32
    %sign3A_33 = arith.constant 0 : i32
    %sign3A_34 = arith.cmpi slt, %jit3A_21, %sign3A_33 : i32
    %sign3A_35 = arith.extui %sign3A_34 : i1 to i32
    %sign3A_36 = arith.subi %sign3A_32, %sign3A_35 : i32
    %ne3A_37 = arith.cmpi ne, %sign3A_29, %sign3A_36 : i32
    %rem3A_38 = arith.remsi %add3A, %jit3A_21 : i32
    %ne3A_39 = arith.constant 0 : i32
    %ne3A_40 = arith.cmpi ne, %rem3A_38, %ne3A_39 : i32
    %and3A_41 = arith.andi %ne3A_37, %ne3A_40 : i1
    %sub3A_42 = arith.constant 1 : i32
    %sub3A_43 = arith.subi %div3A_22, %sub3A_42 : i32
    %select_n3A_44 = arith.select %and3A_41, %sub3A_43, %div3A_22 : i32
    %mul3A_45 = arith.constant 16 : i32
    %mul3A_46 = arith.muli %select_n3A_44, %mul3A_45 : i32
    %get3A = arith.index_cast %mul3A_46 : i32 to index
    %get3A_47 = tpu.vector_load %arg8[%get3A] {strides = array<i32>} : memref<128xf32, #tpu.memory_space<vmem>>, vector<16xf32>,
    %broadcast_in_dim3A = arith.constant 0 : i32
    %broadcast_in_dim3A_48 = vector.broadcast %broadcast_in_dim3A : i32 to vector<16xi32>
    %add3A_49 = arith.constant 0 : i32
    %add3A_50 = arith.addi %mul3A_2, %add3A_49 : i32
    %jit3A_51 = arith.constant 8 : i32
    %div3A_52 = arith.divsi %add3A_50, %jit3A_51 : i32
    %sign3A_53 = arith.constant 0 : i32
    %sign3A_54 = arith.cmpi sgt, %add3A_50, %sign3A_53 : i32
    %sign3A_55 = arith.extui %sign3A_54 : i1 to i32
    %sign3A_56 = arith.constant 0 : i32
    %sign3A_57 = arith.cmpi slt, %add3A_50, %sign3A_56 : i32
    %sign3A_58 = arith.extui %sign3A_57 : i1 to i32
    %sign3A_59 = arith.subi %sign3A_55, %sign3A_58 : i32
    %sign3A_60 = arith.constant 0 : i32
    %sign3A_61 = arith.cmpi sgt, %jit3A_51, %sign3A_60 : i32
    %sign3A_62 = arith.extui %sign3A_61 : i1 to i32
    %sign3A_63 = arith.constant 0 : i32
    %sign3A_64 = arith.cmpi slt, %jit3A_51, %sign3A_63 : i32
    %sign3A_65 = arith.extui %sign3A_64 : i1 to i32
    %sign3A_66 = arith.subi %sign3A_62, %sign3A_65 : i32
    %ne3A_67 = arith.cmpi ne, %sign3A_59, %sign3A_66 : i32
    %rem3A_68 = arith.remsi %add3A_50, %jit3A_51 : i32
    %ne3A_69 = arith.constant 0 : i32
    %ne3A_70 = arith.cmpi ne, %rem3A_68, %ne3A_69 : i32
    %and3A_71 = arith.andi %ne3A_67, %ne3A_70 : i1
    %sub3A_72 = arith.constant 1 : i32
    %sub3A_73 = arith.subi %div3A_52, %sub3A_72 : i32
    %select_n3A_74 = arith.select %and3A_71, %sub3A_73, %div3A_52 : i32
    %mul3A_75 = arith.constant 8 : i32
    %mul3A_76 = arith.muli %select_n3A_74, %mul3A_75 : i32
    %multiple_of3A_77 = tpu.assume_multiple %mul3A_76, 8 : i32
    %jit3A_78 = arith.constant 8 : i32
    %eq3A = arith.constant 0 : i32
    %eq3A_79 = arith.cmpi eq, %jit3A_78, %eq3A : i32
    %jit3A_80 = arith.constant 1 : i32
    %select_n3A_81 = arith.select %eq3A_79, %jit3A_80, %jit3A_78 : i32
    %rem3A_82 = arith.remsi %add3A_50, %select_n3A_81 : i32
    %ne3A_83 = arith.constant 0 : i32
    %ne3A_84 = arith.cmpi ne, %rem3A_82, %ne3A_83 : i32
    %lt3A = arith.constant 0 : i32
    %lt3A_85 = arith.cmpi slt, %rem3A_82, %lt3A : i32
    %lt3A_86 = arith.constant 0 : i32
    %lt3A_87 = arith.cmpi slt, %select_n3A_81, %lt3A_86 : i32
    %ne3A_88 = arith.xori %lt3A_85, %lt3A_87 : i1
    %and3A_89 = arith.andi %ne3A_88, %ne3A_84 : i1
    %add3A_90 = arith.addi %rem3A_82, %select_n3A_81 : i32
    %select_n3A_91 = arith.select %and3A_89, %add3A_90, %rem3A_82 : i32
    %jit3A_92 = arith.constant 8 : i32
    %eq3A_93 = arith.constant 0 : i32
    %eq3A_94 = arith.cmpi eq, %jit3A_92, %eq3A_93 : i32
    %jit3A_95 = arith.constant 1 : i32
    %select_n3A_96 = arith.select %eq3A_94, %jit3A_95, %jit3A_92 : i32
    %rem3A_97 = arith.remsi %mul3A_2, %select_n3A_96 : i32
    %ne3A_98 = arith.constant 0 : i32
    %ne3A_99 = arith.cmpi ne, %rem3A_97, %ne3A_98 : i32
    %lt3A_100 = arith.constant 0 : i32
    %lt3A_101 = arith.cmpi slt, %rem3A_97, %lt3A_100 : i32
    %lt3A_102 = arith.constant 0 : i32
    %lt3A_103 = arith.cmpi slt, %select_n3A_96, %lt3A_102 : i32
    %ne3A_104 = arith.xori %lt3A_101, %lt3A_103 : i1
    %and3A_105 = arith.andi %ne3A_104, %ne3A_99 : i1
    %add3A_106 = arith.addi %rem3A_97, %select_n3A_96 : i32
    %select_n3A_107 = arith.select %and3A_105, %add3A_106, %rem3A_97 : i32
    %add3A_108 = arith.constant 0 : i32
    %add3A_109 = arith.addi %select_n3A_107, %add3A_108 : i32
    %scan3A = arith.constant 0.000000e+00 : f32
    %scan3A_110 = arith.constant 0 : i32
    %scan3A_111 = arith.constant 5 : i32
    %scan3A_112 = arith.addi %scan3A_110, %scan3A_111 : i32
    %scan3A_113 = arith.constant 1 : i32
    %scan3A_114 = scf.for %scan3A_629 = %scan3A_110 to %scan3A_112 step %scan3A_113 iter_args(%scan3A_630 = %scan3A) -> (f32)  : i32 {
      %mul3A_631 = arith.constant 16 : i32
      %mul3A_632 = arith.muli %scan3A_629, %mul3A_631 : i32
      %get3A_633 = arith.index_cast %add3A_109 : i32 to index
      %get3A_634 = arith.index_cast %mul3A_632 : i32 to index
      %get3A_635 = tpu.vector_load %arg7[%get3A_633, %get3A_634] {strides = array<i32>} : memref<8x128xf32, #tpu.memory_space<vmem>>, vector<16xf32>,
      %reduce_sum3A_636 = arith.constant true
      %reduce_sum3A_637 = vector.broadcast %reduce_sum3A_636 : i1 to vector<16xi1>
      %reduce_sum3A_638 = tpu.scan <sum>, %get3A_635 masked %reduce_sum3A_637 : vector<16xf32>, vector<16xi1> -> vector<16xf32>
      %reduce_sum3A_639 = vector.extract %reduce_sum3A_638[15] : f32 from vector<16xf32>
      %add3A_640 = arith.addf %scan3A_630, %reduce_sum3A_639 : f32
      scf.yield %add3A_640 : f32
    }
    %scan3A_115 = arith.constant 5 : i32
    %jit3A_116 = arith.constant 4 : i32
    %eq3A_117 = arith.constant 0 : i32
    %eq3A_118 = arith.cmpi eq, %jit3A_116, %eq3A_117 : i32
    %jit3A_119 = arith.constant 1 : i32
    %select_n3A_120 = arith.select %eq3A_118, %jit3A_119, %jit3A_116 : i32
    %rem3A_121 = arith.remsi %add3A, %select_n3A_120 : i32
    %ne3A_122 = arith.constant 0 : i32
    %ne3A_123 = arith.cmpi ne, %rem3A_121, %ne3A_122 : i32
    %lt3A_124 = arith.constant 0 : i32
    %lt3A_125 = arith.cmpi slt, %rem3A_121, %lt3A_124 : i32
    %lt3A_126 = arith.constant 0 : i32
    %lt3A_127 = arith.cmpi slt, %select_n3A_120, %lt3A_126 : i32
    %ne3A_128 = arith.xori %lt3A_125, %lt3A_127 : i1
    %and3A_129 = arith.andi %ne3A_128, %ne3A_123 : i1
    %add3A_130 = arith.addi %rem3A_121, %select_n3A_120 : i32
    %select_n3A_131 = arith.select %and3A_129, %add3A_130, %rem3A_121 : i32
    %mul3A_132 = arith.constant 4 : i32
    %mul3A_133 = arith.muli %select_n3A_131, %mul3A_132 : i32
    %add3A_134 = arith.constant 0 : i32
    %add3A_135 = arith.addi %mul3A_133, %add3A_134 : i32
    %eq3A_136 = vector.broadcast %add3A_135 : i32 to vector<16xi32>
    %eq3A_137 = arith.cmpi eq, %iota3A, %eq3A_136 : vector<16xi32>
    %jit3A_138 = arith.constant 0.000000e+00 : f32
    %broadcast_in_dim3A_139 = vector.broadcast %jit3A_138 : f32 to vector<16xf32>
    %select_n3A_140 = arith.select %eq3A_137, %get3A_47, %broadcast_in_dim3A_139 : vector<16xi1>, vector<16xf32>
    %reduce_sum3A = arith.constant true
    %reduce_sum3A_141 = vector.broadcast %reduce_sum3A : i1 to vector<16xi1>
    %reduce_sum3A_142 = tpu.scan <sum>, %select_n3A_140 masked %reduce_sum3A_141 : vector<16xf32>, vector<16xi1> -> vector<16xf32>
    %reduce_sum3A_143 = vector.extract %reduce_sum3A_142[15] : f32 from vector<16xf32>
    %mul3A_144 = arith.mulf %reduce_sum3A_143, %scan3A_114 : f32
    %scan3A_145 = arith.constant 0.000000e+00 : f32
    %scan3A_146 = arith.constant 0 : i32
    %scan3A_147 = arith.constant 0.000000e+00 : f32
    %scan3A_148 = arith.constant 0 : i32
    %scan3A_149 = arith.constant 5 : i32
    %scan3A_150 = arith.addi %scan3A_148, %scan3A_149 : i32
    %scan3A_151 = arith.constant 1 : i32
    %scan3A_152:3 = scf.for %scan3A_629 = %scan3A_148 to %scan3A_150 step %scan3A_151 iter_args(%scan3A_630 = %scan3A_145, %scan3A_631 = %scan3A_146, %scan3A_632 = %scan3A_147) -> (f32, i32, f32)  : i32 {
      %mul3A_633 = arith.constant 16 : i32
      %mul3A_634 = arith.muli %scan3A_629, %mul3A_633 : i32
      %get3A_635 = arith.index_cast %add3A_109 : i32 to index
      %get3A_636 = arith.index_cast %mul3A_634 : i32 to index
      %get3A_637 = tpu.vector_load %arg7[%get3A_635, %get3A_636] {strides = array<i32>} : memref<8x128xf32, #tpu.memory_space<vmem>>, vector<16xf32>,
      %broadcast_in_dim3A_638 = arith.constant true
      %broadcast_in_dim3A_639 = vector.broadcast %broadcast_in_dim3A_638 : i1 to vector<16xi1>
      %masked_cumsum3A = tpu.scan <sum>, %get3A_637 masked %broadcast_in_dim3A_639 : vector<16xf32>, vector<16xi1> -> vector<16xf32>
      %add3A_640 = vector.broadcast %scan3A_630 : f32 to vector<16xf32>
      %add3A_641 = arith.addf %add3A_640, %masked_cumsum3A : vector<16xf32>
      %lt3A_642 = vector.broadcast %mul3A_144 : f32 to vector<16xf32>
      %lt3A_643 = arith.cmpf olt, %add3A_641, %lt3A_642 : vector<16xf32>
      %convert_element_type3A_644 = arith.extui %lt3A_643 : vector<16xi1> to vector<16xi32>
      %reduce_sum3A_645 = arith.constant true
      %reduce_sum3A_646 = vector.broadcast %reduce_sum3A_645 : i1 to vector<16xi1>
      %reduce_sum3A_647 = tpu.scan <sum>, %convert_element_type3A_644 masked %reduce_sum3A_646 : vector<16xi32>, vector<16xi1> -> vector<16xi32>
      %reduce_sum3A_648 = vector.extract %reduce_sum3A_647[15] : i32 from vector<16xi32>
      %add3A_649 = arith.addi %scan3A_631, %reduce_sum3A_648 : i32
      %jit3A_650 = arith.constant 0.000000e+00 : f32
      %broadcast_in_dim3A_651 = vector.broadcast %jit3A_650 : f32 to vector<16xf32>
      %select_n3A_652 = arith.select %lt3A_643, %get3A_637, %broadcast_in_dim3A_651 : vector<16xi1>, vector<16xf32>
      %reduce_sum3A_653 = arith.constant true
      %reduce_sum3A_654 = vector.broadcast %reduce_sum3A_653 : i1 to vector<16xi1>
      %reduce_sum3A_655 = tpu.scan <sum>, %select_n3A_652 masked %reduce_sum3A_654 : vector<16xf32>, vector<16xi1> -> vector<16xf32>
      %reduce_sum3A_656 = vector.extract %reduce_sum3A_655[15] : f32 from vector<16xf32>
      %add3A_657 = arith.addf %scan3A_632, %reduce_sum3A_656 : f32
      %reduce_sum3A_658 = arith.constant true
      %reduce_sum3A_659 = vector.broadcast %reduce_sum3A_658 : i1 to vector<16xi1>
      %reduce_sum3A_660 = tpu.scan <sum>, %get3A_637 masked %reduce_sum3A_659 : vector<16xf32>, vector<16xi1> -> vector<16xf32>
      %reduce_sum3A_661 = vector.extract %reduce_sum3A_660[15] : f32 from vector<16xf32>
      %add3A_662 = arith.addf %scan3A_630, %reduce_sum3A_661 : f32
      scf.yield %add3A_662, %add3A_649, %add3A_657 : f32, i32, f32
    }
    %scan3A_153 = arith.constant 5 : i32
    %min3A = arith.constant 78 : i32
    %min3A_154 = arith.minsi %scan3A_152#1, %min3A : i32
    %eq3A_155 = arith.constant 78 : i32
    %eq3A_156 = arith.cmpi eq, %min3A_154, %eq3A_155 : i32
    %mul3A_157 = arith.constant 1280 : i32
    %mul3A_158 = arith.muli %min3A_154, %mul3A_157 : i32
    %jit3A_159 = arith.constant 0 : i32
    %select_n3A_160 = arith.select %eq3A_156, %jit3A_159, %mul3A_158 : i32
    %multiple_of3A_161 = tpu.assume_multiple %select_n3A_160, 128 : i32
    %mul3A_162 = arith.constant 1280 : i32
    %mul3A_163 = arith.muli %min3A_154, %mul3A_162 : i32
    %mul3A_164 = arith.constant 1280 : i32
    %mul3A_165 = arith.muli %min3A_154, %mul3A_164 : i32
    %jit3A_166 = arith.constant 98720 : i32
    %select_n3A_167 = arith.select %eq3A_156, %jit3A_166, %mul3A_165 : i32
    %sub3A_168 = arith.subi %mul3A_163, %select_n3A_167 : i32
    %convert_element_type3A = arith.extui %eq3A_156 : i1 to i32
    %cond3A = arith.constant 0 : i32
    %cond3A_169 = arith.cmpi ne, %convert_element_type3A, %cond3A : i32
    scf.if %cond3A_169 {
      "tpu.region"() ({
        %run_scoped3A = tpu.sem_alloc : memref<!tpu.dma_semaphore, #tpu.memory_space<semaphore_mem>>
        %dma_start3A = arith.constant 0 : i32
        %dma_start3A_629 = tpu.memref_slice %arg5[%multiple_of3A_77, %dma_start3A] : memref<128x1280xf32, #tpu.memory_space<hbm>> -> memref<8x1280xf32, #tpu.memory_space<hbm>>
        %dma_start3A_630 = arith.constant 0 : i32
        %dma_start3A_631 = tpu.memref_slice %arg5[%multiple_of3A_77, %dma_start3A_630] : memref<128x1280xf32, #tpu.memory_space<hbm>> -> memref<8x1280xf32, #tpu.memory_space<hbm>>
        tpu.enqueue_dma source(%dma_start3A_631 : memref<8x1280xf32, #tpu.memory_space<hbm>>) target(%arg9 : memref<8x1280xf32, #tpu.memory_space<vmem>>) target_semaphore(%run_scoped3A : memref<!tpu.dma_semaphore, #tpu.memory_space<semaphore_mem>>)
        %dma_wait3A = arith.constant 0 : i32
        %dma_wait3A_632 = tpu.memref_slice %arg5[%multiple_of3A_77, %dma_wait3A] : memref<128x1280xf32, #tpu.memory_space<hbm>> -> memref<8x1280xf32, #tpu.memory_space<hbm>>
        %dma_wait3A_633 = arith.constant 0 : i32
        %dma_wait3A_634 = tpu.memref_slice %arg5[%multiple_of3A_77, %dma_wait3A_633] : memref<128x1280xf32, #tpu.memory_space<hbm>> -> memref<8x1280xf32, #tpu.memory_space<hbm>>
        tpu.wait_dma2 semaphore(%run_scoped3A : memref<!tpu.dma_semaphore, #tpu.memory_space<semaphore_mem>>) src(%dma_wait3A_634 : memref<8x1280xf32, #tpu.memory_space<hbm>>) dst(%arg9 : memref<8x1280xf32, #tpu.memory_space<vmem>>)
        tpu.yield
      }) : () -> ()
    } else {
      "tpu.region"() ({
        %run_scoped3A = tpu.sem_alloc : memref<!tpu.dma_semaphore, #tpu.memory_space<semaphore_mem>>
        %dma_start3A = tpu.memref_slice %arg4[%multiple_of3A_77, %multiple_of3A_161] : memref<128x100000xf32, #tpu.memory_space<hbm>> -> memref<8x1280xf32, #tpu.memory_space<hbm>>
        %dma_start3A_629 = tpu.memref_slice %arg4[%multiple_of3A_77, %multiple_of3A_161] : memref<128x100000xf32, #tpu.memory_space<hbm>> -> memref<8x1280xf32, #tpu.memory_space<hbm>>
        tpu.enqueue_dma source(%dma_start3A_629 : memref<8x1280xf32, #tpu.memory_space<hbm>>) target(%arg9 : memref<8x1280xf32, #tpu.memory_space<vmem>>) target_semaphore(%run_scoped3A : memref<!tpu.dma_semaphore, #tpu.memory_space<semaphore_mem>>)
        %dma_wait3A = tpu.memref_slice %arg4[%multiple_of3A_77, %multiple_of3A_161] : memref<128x100000xf32, #tpu.memory_space<hbm>> -> memref<8x1280xf32, #tpu.memory_space<hbm>>
        %dma_wait3A_630 = tpu.memref_slice %arg4[%multiple_of3A_77, %multiple_of3A_161] : memref<128x100000xf32, #tpu.memory_space<hbm>> -> memref<8x1280xf32, #tpu.memory_space<hbm>>
        tpu.wait_dma2 semaphore(%run_scoped3A : memref<!tpu.dma_semaphore, #tpu.memory_space<semaphore_mem>>) src(%dma_wait3A_630 : memref<8x1280xf32, #tpu.memory_space<hbm>>) dst(%arg9 : memref<8x1280xf32, #tpu.memory_space<vmem>>)
        tpu.yield
      }) : () -> ()
    }
    %scan3A_170 = arith.constant 0 : i32
    %scan3A_171 = arith.constant 0.000000e+00 : f32
    %scan3A_172 = arith.constant 0 : i32
    %scan3A_173 = arith.constant 80 : i32
    %scan3A_174 = arith.addi %scan3A_172, %scan3A_173 : i32
    %scan3A_175 = arith.constant 1 : i32
    %scan3A_176:2 = scf.for %scan3A_629 = %scan3A_172 to %scan3A_174 step %scan3A_175 iter_args(%scan3A_630 = %scan3A_170, %scan3A_631 = %scan3A_171) -> (i32, f32)  : i32 {
      %mul3A_632 = arith.constant 16 : i32
      %mul3A_633 = arith.muli %scan3A_629, %mul3A_632 : i32
      %add3A_634 = vector.broadcast %mul3A_633 : i32 to vector<16xi32>
      %add3A_635 = arith.addi %add3A_634, %iota3A : vector<16xi32>
      %mul3A_636 = arith.constant 16 : i32
      %mul3A_637 = arith.muli %scan3A_629, %mul3A_636 : i32
      %get3A_638 = arith.index_cast %select_n3A_91 : i32 to index
      %get3A_639 = arith.index_cast %mul3A_637 : i32 to index
      %get3A_640 = tpu.vector_load %arg9[%get3A_638, %get3A_639] {strides = array<i32>} : memref<8x1280xf32, #tpu.memory_space<vmem>>, vector<16xf32>,
      %mul3A_641 = arith.constant 7.000000e+00 : f32
      %mul3A_642 = vector.broadcast %mul3A_641 : f32 to vector<16xf32>
      %mul3A_643 = arith.mulf %get3A_640, %mul3A_642 : vector<16xf32>
      %exp3A = math.exp %mul3A_643 : vector<16xf32>
      %ge3A = vector.broadcast %sub3A_168 : i32 to vector<16xi32>
      %ge3A_644 = arith.cmpi sge, %add3A_635, %ge3A : vector<16xi32>
      %jit3A_645 = arith.constant 0.000000e+00 : f32
      %broadcast_in_dim3A_646 = vector.broadcast %jit3A_645 : f32 to vector<16xf32>
      %select_n3A_647 = arith.select %ge3A_644, %exp3A, %broadcast_in_dim3A_646 : vector<16xi1>, vector<16xf32>
      %add3A_648 = arith.addf %scan3A_152#2, %scan3A_631 : f32
      %broadcast_in_dim3A_649 = arith.constant true
      %broadcast_in_dim3A_650 = vector.broadcast %broadcast_in_dim3A_649 : i1 to vector<16xi1>
      %masked_cumsum3A = tpu.scan <sum>, %select_n3A_647 masked %broadcast_in_dim3A_650 : vector<16xf32>, vector<16xi1> -> vector<16xf32>
      %add3A_651 = vector.broadcast %add3A_648 : f32 to vector<16xf32>
      %add3A_652 = arith.addf %add3A_651, %masked_cumsum3A : vector<16xf32>
      %lt3A_653 = vector.broadcast %mul3A_144 : f32 to vector<16xf32>
      %lt3A_654 = arith.cmpf olt, %add3A_652, %lt3A_653 : vector<16xf32>
      %ge3A_655 = vector.broadcast %sub3A_168 : i32 to vector<16xi32>
      %ge3A_656 = arith.cmpi sge, %add3A_635, %ge3A_655 : vector<16xi32>
      %and3A_657 = arith.andi %lt3A_654, %ge3A_656 : vector<16xi1>
      %convert_element_type3A_658 = arith.extui %and3A_657 : vector<16xi1> to vector<16xi32>
      %reduce_sum3A_659 = arith.constant true
      %reduce_sum3A_660 = vector.broadcast %reduce_sum3A_659 : i1 to vector<16xi1>
      %reduce_sum3A_661 = tpu.scan <sum>, %convert_element_type3A_658 masked %reduce_sum3A_660 : vector<16xi32>, vector<16xi1> -> vector<16xi32>
      %reduce_sum3A_662 = vector.extract %reduce_sum3A_661[15] : i32 from vector<16xi32>
      %add3A_663 = arith.addi %scan3A_630, %reduce_sum3A_662 : i32
      %reduce_sum3A_664 = arith.constant true
      %reduce_sum3A_665 = vector.broadcast %reduce_sum3A_664 : i1 to vector<16xi1>
      %reduce_sum3A_666 = tpu.scan <sum>, %select_n3A_647 masked %reduce_sum3A_665 : vector<16xf32>, vector<16xi1> -> vector<16xf32>
      %reduce_sum3A_667 = vector.extract %reduce_sum3A_666[15] : f32 from vector<16xf32>
      %add3A_668 = arith.addf %scan3A_631, %reduce_sum3A_667 : f32
      scf.yield %add3A_663, %add3A_668 : i32, f32
    }
    %scan3A_177 = arith.constant 80 : i32
    %mul3A_178 = arith.constant 1280 : i32
    %mul3A_179 = arith.muli %min3A_154, %mul3A_178 : i32
    %add3A_180 = arith.addi %mul3A_179, %scan3A_176#0 : i32
    %min3A_181 = arith.constant 99999 : i32
    %min3A_182 = arith.minsi %add3A_180, %min3A_181 : i32
    %eq3A_183 = arith.constant 0 : i32
    %eq3A_184 = vector.broadcast %eq3A_183 : i32 to vector<16xi32>
    %eq3A_185 = arith.cmpi eq, %iota3A, %eq3A_184 : vector<16xi32>
    %broadcast_in_dim3A_186 = vector.broadcast %min3A_182 : i32 to vector<16xi32>
    %select_n3A_187 = arith.select %eq3A_185, %broadcast_in_dim3A_186, %broadcast_in_dim3A_48 : vector<16xi1>, vector<16xi32>
    %add3A_188 = arith.constant 1 : i32
    %add3A_189 = arith.addi %mul3A_2, %add3A_188 : i32
    %jit3A_190 = arith.constant 8 : i32
    %div3A_191 = arith.divsi %add3A_189, %jit3A_190 : i32
    %sign3A_192 = arith.constant 0 : i32
    %sign3A_193 = arith.cmpi sgt, %add3A_189, %sign3A_192 : i32
    %sign3A_194 = arith.extui %sign3A_193 : i1 to i32
    %sign3A_195 = arith.constant 0 : i32
    %sign3A_196 = arith.cmpi slt, %add3A_189, %sign3A_195 : i32
    %sign3A_197 = arith.extui %sign3A_196 : i1 to i32
    %sign3A_198 = arith.subi %sign3A_194, %sign3A_197 : i32
    %sign3A_199 = arith.constant 0 : i32
    %sign3A_200 = arith.cmpi sgt, %jit3A_190, %sign3A_199 : i32
    %sign3A_201 = arith.extui %sign3A_200 : i1 to i32
    %sign3A_202 = arith.constant 0 : i32
    %sign3A_203 = arith.cmpi slt, %jit3A_190, %sign3A_202 : i32
    %sign3A_204 = arith.extui %sign3A_203 : i1 to i32
    %sign3A_205 = arith.subi %sign3A_201, %sign3A_204 : i32
    %ne3A_206 = arith.cmpi ne, %sign3A_198, %sign3A_205 : i32
    %rem3A_207 = arith.remsi %add3A_189, %jit3A_190 : i32
    %ne3A_208 = arith.constant 0 : i32
    %ne3A_209 = arith.cmpi ne, %rem3A_207, %ne3A_208 : i32
    %and3A_210 = arith.andi %ne3A_206, %ne3A_209 : i1
    %sub3A_211 = arith.constant 1 : i32
    %sub3A_212 = arith.subi %div3A_191, %sub3A_211 : i32
    %select_n3A_213 = arith.select %and3A_210, %sub3A_212, %div3A_191 : i32
    %mul3A_214 = arith.constant 8 : i32
    %mul3A_215 = arith.muli %select_n3A_213, %mul3A_214 : i32
    %multiple_of3A_216 = tpu.assume_multiple %mul3A_215, 8 : i32
    %jit3A_217 = arith.constant 8 : i32
    %eq3A_218 = arith.constant 0 : i32
    %eq3A_219 = arith.cmpi eq, %jit3A_217, %eq3A_218 : i32
    %jit3A_220 = arith.constant 1 : i32
    %select_n3A_221 = arith.select %eq3A_219, %jit3A_220, %jit3A_217 : i32
    %rem3A_222 = arith.remsi %add3A_189, %select_n3A_221 : i32
    %ne3A_223 = arith.constant 0 : i32
    %ne3A_224 = arith.cmpi ne, %rem3A_222, %ne3A_223 : i32
    %lt3A_225 = arith.constant 0 : i32
    %lt3A_226 = arith.cmpi slt, %rem3A_222, %lt3A_225 : i32
    %lt3A_227 = arith.constant 0 : i32
    %lt3A_228 = arith.cmpi slt, %select_n3A_221, %lt3A_227 : i32
    %ne3A_229 = arith.xori %lt3A_226, %lt3A_228 : i1
    %and3A_230 = arith.andi %ne3A_229, %ne3A_224 : i1
    %add3A_231 = arith.addi %rem3A_222, %select_n3A_221 : i32
    %select_n3A_232 = arith.select %and3A_230, %add3A_231, %rem3A_222 : i32
    %jit3A_233 = arith.constant 8 : i32
    %eq3A_234 = arith.constant 0 : i32
    %eq3A_235 = arith.cmpi eq, %jit3A_233, %eq3A_234 : i32
    %jit3A_236 = arith.constant 1 : i32
    %select_n3A_237 = arith.select %eq3A_235, %jit3A_236, %jit3A_233 : i32
    %rem3A_238 = arith.remsi %mul3A_2, %select_n3A_237 : i32
    %ne3A_239 = arith.constant 0 : i32
    %ne3A_240 = arith.cmpi ne, %rem3A_238, %ne3A_239 : i32
    %lt3A_241 = arith.constant 0 : i32
    %lt3A_242 = arith.cmpi slt, %rem3A_238, %lt3A_241 : i32
    %lt3A_243 = arith.constant 0 : i32
    %lt3A_244 = arith.cmpi slt, %select_n3A_237, %lt3A_243 : i32
    %ne3A_245 = arith.xori %lt3A_242, %lt3A_244 : i1
    %and3A_246 = arith.andi %ne3A_245, %ne3A_240 : i1
    %add3A_247 = arith.addi %rem3A_238, %select_n3A_237 : i32
    %select_n3A_248 = arith.select %and3A_246, %add3A_247, %rem3A_238 : i32
    %add3A_249 = arith.constant 1 : i32
    %add3A_250 = arith.addi %select_n3A_248, %add3A_249 : i32
    %scan3A_251 = arith.constant 0.000000e+00 : f32
    %scan3A_252 = arith.constant 0 : i32
    %scan3A_253 = arith.constant 5 : i32
    %scan3A_254 = arith.addi %scan3A_252, %scan3A_253 : i32
    %scan3A_255 = arith.constant 1 : i32
    %scan3A_256 = scf.for %scan3A_629 = %scan3A_252 to %scan3A_254 step %scan3A_255 iter_args(%scan3A_630 = %scan3A_251) -> (f32)  : i32 {
      %mul3A_631 = arith.constant 16 : i32
      %mul3A_632 = arith.muli %scan3A_629, %mul3A_631 : i32
      %get3A_633 = arith.index_cast %add3A_250 : i32 to index
      %get3A_634 = arith.index_cast %mul3A_632 : i32 to index
      %get3A_635 = tpu.vector_load %arg7[%get3A_633, %get3A_634] {strides = array<i32>} : memref<8x128xf32, #tpu.memory_space<vmem>>, vector<16xf32>,
      %reduce_sum3A_636 = arith.constant true
      %reduce_sum3A_637 = vector.broadcast %reduce_sum3A_636 : i1 to vector<16xi1>
      %reduce_sum3A_638 = tpu.scan <sum>, %get3A_635 masked %reduce_sum3A_637 : vector<16xf32>, vector<16xi1> -> vector<16xf32>
      %reduce_sum3A_639 = vector.extract %reduce_sum3A_638[15] : f32 from vector<16xf32>
      %add3A_640 = arith.addf %scan3A_630, %reduce_sum3A_639 : f32
      scf.yield %add3A_640 : f32
    }
    %scan3A_257 = arith.constant 5 : i32
    %jit3A_258 = arith.constant 4 : i32
    %eq3A_259 = arith.constant 0 : i32
    %eq3A_260 = arith.cmpi eq, %jit3A_258, %eq3A_259 : i32
    %jit3A_261 = arith.constant 1 : i32
    %select_n3A_262 = arith.select %eq3A_260, %jit3A_261, %jit3A_258 : i32
    %rem3A_263 = arith.remsi %add3A, %select_n3A_262 : i32
    %ne3A_264 = arith.constant 0 : i32
    %ne3A_265 = arith.cmpi ne, %rem3A_263, %ne3A_264 : i32
    %lt3A_266 = arith.constant 0 : i32
    %lt3A_267 = arith.cmpi slt, %rem3A_263, %lt3A_266 : i32
    %lt3A_268 = arith.constant 0 : i32
    %lt3A_269 = arith.cmpi slt, %select_n3A_262, %lt3A_268 : i32
    %ne3A_270 = arith.xori %lt3A_267, %lt3A_269 : i1
    %and3A_271 = arith.andi %ne3A_270, %ne3A_265 : i1
    %add3A_272 = arith.addi %rem3A_263, %select_n3A_262 : i32
    %select_n3A_273 = arith.select %and3A_271, %add3A_272, %rem3A_263 : i32
    %mul3A_274 = arith.constant 4 : i32
    %mul3A_275 = arith.muli %select_n3A_273, %mul3A_274 : i32
    %add3A_276 = arith.constant 1 : i32
    %add3A_277 = arith.addi %mul3A_275, %add3A_276 : i32
    %eq3A_278 = vector.broadcast %add3A_277 : i32 to vector<16xi32>
    %eq3A_279 = arith.cmpi eq, %iota3A, %eq3A_278 : vector<16xi32>
    %jit3A_280 = arith.constant 0.000000e+00 : f32
    %broadcast_in_dim3A_281 = vector.broadcast %jit3A_280 : f32 to vector<16xf32>
    %select_n3A_282 = arith.select %eq3A_279, %get3A_47, %broadcast_in_dim3A_281 : vector<16xi1>, vector<16xf32>
    %reduce_sum3A_283 = arith.constant true
    %reduce_sum3A_284 = vector.broadcast %reduce_sum3A_283 : i1 to vector<16xi1>
    %reduce_sum3A_285 = tpu.scan <sum>, %select_n3A_282 masked %reduce_sum3A_284 : vector<16xf32>, vector<16xi1> -> vector<16xf32>
    %reduce_sum3A_286 = vector.extract %reduce_sum3A_285[15] : f32 from vector<16xf32>
    %mul3A_287 = arith.mulf %reduce_sum3A_286, %scan3A_256 : f32
    %scan3A_288 = arith.constant 0.000000e+00 : f32
    %scan3A_289 = arith.constant 0 : i32
    %scan3A_290 = arith.constant 0.000000e+00 : f32
    %scan3A_291 = arith.constant 0 : i32
    %scan3A_292 = arith.constant 5 : i32
    %scan3A_293 = arith.addi %scan3A_291, %scan3A_292 : i32
    %scan3A_294 = arith.constant 1 : i32
    %scan3A_295:3 = scf.for %scan3A_629 = %scan3A_291 to %scan3A_293 step %scan3A_294 iter_args(%scan3A_630 = %scan3A_288, %scan3A_631 = %scan3A_289, %scan3A_632 = %scan3A_290) -> (f32, i32, f32)  : i32 {
      %mul3A_633 = arith.constant 16 : i32
      %mul3A_634 = arith.muli %scan3A_629, %mul3A_633 : i32
      %get3A_635 = arith.index_cast %add3A_250 : i32 to index
      %get3A_636 = arith.index_cast %mul3A_634 : i32 to index
      %get3A_637 = tpu.vector_load %arg7[%get3A_635, %get3A_636] {strides = array<i32>} : memref<8x128xf32, #tpu.memory_space<vmem>>, vector<16xf32>,
      %broadcast_in_dim3A_638 = arith.constant true
      %broadcast_in_dim3A_639 = vector.broadcast %broadcast_in_dim3A_638 : i1 to vector<16xi1>
      %masked_cumsum3A = tpu.scan <sum>, %get3A_637 masked %broadcast_in_dim3A_639 : vector<16xf32>, vector<16xi1> -> vector<16xf32>
      %add3A_640 = vector.broadcast %scan3A_630 : f32 to vector<16xf32>
      %add3A_641 = arith.addf %add3A_640, %masked_cumsum3A : vector<16xf32>
      %lt3A_642 = vector.broadcast %mul3A_287 : f32 to vector<16xf32>
      %lt3A_643 = arith.cmpf olt, %add3A_641, %lt3A_642 : vector<16xf32>
      %convert_element_type3A_644 = arith.extui %lt3A_643 : vector<16xi1> to vector<16xi32>
      %reduce_sum3A_645 = arith.constant true
      %reduce_sum3A_646 = vector.broadcast %reduce_sum3A_645 : i1 to vector<16xi1>
      %reduce_sum3A_647 = tpu.scan <sum>, %convert_element_type3A_644 masked %reduce_sum3A_646 : vector<16xi32>, vector<16xi1> -> vector<16xi32>
      %reduce_sum3A_648 = vector.extract %reduce_sum3A_647[15] : i32 from vector<16xi32>
      %add3A_649 = arith.addi %scan3A_631, %reduce_sum3A_648 : i32
      %jit3A_650 = arith.constant 0.000000e+00 : f32
      %broadcast_in_dim3A_651 = vector.broadcast %jit3A_650 : f32 to vector<16xf32>
      %select_n3A_652 = arith.select %lt3A_643, %get3A_637, %broadcast_in_dim3A_651 : vector<16xi1>, vector<16xf32>
      %reduce_sum3A_653 = arith.constant true
      %reduce_sum3A_654 = vector.broadcast %reduce_sum3A_653 : i1 to vector<16xi1>
      %reduce_sum3A_655 = tpu.scan <sum>, %select_n3A_652 masked %reduce_sum3A_654 : vector<16xf32>, vector<16xi1> -> vector<16xf32>
      %reduce_sum3A_656 = vector.extract %reduce_sum3A_655[15] : f32 from vector<16xf32>
      %add3A_657 = arith.addf %scan3A_632, %reduce_sum3A_656 : f32
      %reduce_sum3A_658 = arith.constant true
      %reduce_sum3A_659 = vector.broadcast %reduce_sum3A_658 : i1 to vector<16xi1>
      %reduce_sum3A_660 = tpu.scan <sum>, %get3A_637 masked %reduce_sum3A_659 : vector<16xf32>, vector<16xi1> -> vector<16xf32>
      %reduce_sum3A_661 = vector.extract %reduce_sum3A_660[15] : f32 from vector<16xf32>
      %add3A_662 = arith.addf %scan3A_630, %reduce_sum3A_661 : f32
      scf.yield %add3A_662, %add3A_649, %add3A_657 : f32, i32, f32
    }
    %scan3A_296 = arith.constant 5 : i32
    %min3A_297 = arith.constant 78 : i32
    %min3A_298 = arith.minsi %scan3A_295#1, %min3A_297 : i32
    %eq3A_299 = arith.constant 78 : i32
    %eq3A_300 = arith.cmpi eq, %min3A_298, %eq3A_299 : i32
    %mul3A_301 = arith.constant 1280 : i32
    %mul3A_302 = arith.muli %min3A_298, %mul3A_301 : i32
    %jit3A_303 = arith.constant 0 : i32
    %select_n3A_304 = arith.select %eq3A_300, %jit3A_303, %mul3A_302 : i32
    %multiple_of3A_305 = tpu.assume_multiple %select_n3A_304, 128 : i32
    %mul3A_306 = arith.constant 1280 : i32
    %mul3A_307 = arith.muli %min3A_298, %mul3A_306 : i32
    %mul3A_308 = arith.constant 1280 : i32
    %mul3A_309 = arith.muli %min3A_298, %mul3A_308 : i32
    %jit3A_310 = arith.constant 98720 : i32
    %select_n3A_311 = arith.select %eq3A_300, %jit3A_310, %mul3A_309 : i32
    %sub3A_312 = arith.subi %mul3A_307, %select_n3A_311 : i32
    %convert_element_type3A_313 = arith.extui %eq3A_300 : i1 to i32
    %cond3A_314 = arith.constant 0 : i32
    %cond3A_315 = arith.cmpi ne, %convert_element_type3A_313, %cond3A_314 : i32
    scf.if %cond3A_315 {
      "tpu.region"() ({
        %run_scoped3A = tpu.sem_alloc : memref<!tpu.dma_semaphore, #tpu.memory_space<semaphore_mem>>
        %dma_start3A = arith.constant 0 : i32
        %dma_start3A_629 = tpu.memref_slice %arg5[%multiple_of3A_216, %dma_start3A] : memref<128x1280xf32, #tpu.memory_space<hbm>> -> memref<8x1280xf32, #tpu.memory_space<hbm>>
        %dma_start3A_630 = arith.constant 0 : i32
        %dma_start3A_631 = tpu.memref_slice %arg5[%multiple_of3A_216, %dma_start3A_630] : memref<128x1280xf32, #tpu.memory_space<hbm>> -> memref<8x1280xf32, #tpu.memory_space<hbm>>
        tpu.enqueue_dma source(%dma_start3A_631 : memref<8x1280xf32, #tpu.memory_space<hbm>>) target(%arg9 : memref<8x1280xf32, #tpu.memory_space<vmem>>) target_semaphore(%run_scoped3A : memref<!tpu.dma_semaphore, #tpu.memory_space<semaphore_mem>>)
        %dma_wait3A = arith.constant 0 : i32
        %dma_wait3A_632 = tpu.memref_slice %arg5[%multiple_of3A_216, %dma_wait3A] : memref<128x1280xf32, #tpu.memory_space<hbm>> -> memref<8x1280xf32, #tpu.memory_space<hbm>>
        %dma_wait3A_633 = arith.constant 0 : i32
        %dma_wait3A_634 = tpu.memref_slice %arg5[%multiple_of3A_216, %dma_wait3A_633] : memref<128x1280xf32, #tpu.memory_space<hbm>> -> memref<8x1280xf32, #tpu.memory_space<hbm>>
        tpu.wait_dma2 semaphore(%run_scoped3A : memref<!tpu.dma_semaphore, #tpu.memory_space<semaphore_mem>>) src(%dma_wait3A_634 : memref<8x1280xf32, #tpu.memory_space<hbm>>) dst(%arg9 : memref<8x1280xf32, #tpu.memory_space<vmem>>)
        tpu.yield
      }) : () -> ()
    } else {
      "tpu.region"() ({
        %run_scoped3A = tpu.sem_alloc : memref<!tpu.dma_semaphore, #tpu.memory_space<semaphore_mem>>
        %dma_start3A = tpu.memref_slice %arg4[%multiple_of3A_216, %multiple_of3A_305] : memref<128x100000xf32, #tpu.memory_space<hbm>> -> memref<8x1280xf32, #tpu.memory_space<hbm>>
        %dma_start3A_629 = tpu.memref_slice %arg4[%multiple_of3A_216, %multiple_of3A_305] : memref<128x100000xf32, #tpu.memory_space<hbm>> -> memref<8x1280xf32, #tpu.memory_space<hbm>>
        tpu.enqueue_dma source(%dma_start3A_629 : memref<8x1280xf32, #tpu.memory_space<hbm>>) target(%arg9 : memref<8x1280xf32, #tpu.memory_space<vmem>>) target_semaphore(%run_scoped3A : memref<!tpu.dma_semaphore, #tpu.memory_space<semaphore_mem>>)
        %dma_wait3A = tpu.memref_slice %arg4[%multiple_of3A_216, %multiple_of3A_305] : memref<128x100000xf32, #tpu.memory_space<hbm>> -> memref<8x1280xf32, #tpu.memory_space<hbm>>
        %dma_wait3A_630 = tpu.memref_slice %arg4[%multiple_of3A_216, %multiple_of3A_305] : memref<128x100000xf32, #tpu.memory_space<hbm>> -> memref<8x1280xf32, #tpu.memory_space<hbm>>
        tpu.wait_dma2 semaphore(%run_scoped3A : memref<!tpu.dma_semaphore, #tpu.memory_space<semaphore_mem>>) src(%dma_wait3A_630 : memref<8x1280xf32, #tpu.memory_space<hbm>>) dst(%arg9 : memref<8x1280xf32, #tpu.memory_space<vmem>>)
        tpu.yield
      }) : () -> ()
    }
    %scan3A_316 = arith.constant 0 : i32
    %scan3A_317 = arith.constant 0.000000e+00 : f32
    %scan3A_318 = arith.constant 0 : i32
    %scan3A_319 = arith.constant 80 : i32
    %scan3A_320 = arith.addi %scan3A_318, %scan3A_319 : i32
    %scan3A_321 = arith.constant 1 : i32
    %scan3A_322:2 = scf.for %scan3A_629 = %scan3A_318 to %scan3A_320 step %scan3A_321 iter_args(%scan3A_630 = %scan3A_316, %scan3A_631 = %scan3A_317) -> (i32, f32)  : i32 {
      %mul3A_632 = arith.constant 16 : i32
      %mul3A_633 = arith.muli %scan3A_629, %mul3A_632 : i32
      %add3A_634 = vector.broadcast %mul3A_633 : i32 to vector<16xi32>
      %add3A_635 = arith.addi %add3A_634, %iota3A : vector<16xi32>
      %mul3A_636 = arith.constant 16 : i32
      %mul3A_637 = arith.muli %scan3A_629, %mul3A_636 : i32
      %get3A_638 = arith.index_cast %select_n3A_232 : i32 to index
      %get3A_639 = arith.index_cast %mul3A_637 : i32 to index
      %get3A_640 = tpu.vector_load %arg9[%get3A_638, %get3A_639] {strides = array<i32>} : memref<8x1280xf32, #tpu.memory_space<vmem>>, vector<16xf32>,
      %mul3A_641 = arith.constant 7.000000e+00 : f32
      %mul3A_642 = vector.broadcast %mul3A_641 : f32 to vector<16xf32>
      %mul3A_643 = arith.mulf %get3A_640, %mul3A_642 : vector<16xf32>
      %exp3A = math.exp %mul3A_643 : vector<16xf32>
      %ge3A = vector.broadcast %sub3A_312 : i32 to vector<16xi32>
      %ge3A_644 = arith.cmpi sge, %add3A_635, %ge3A : vector<16xi32>
      %jit3A_645 = arith.constant 0.000000e+00 : f32
      %broadcast_in_dim3A_646 = vector.broadcast %jit3A_645 : f32 to vector<16xf32>
      %select_n3A_647 = arith.select %ge3A_644, %exp3A, %broadcast_in_dim3A_646 : vector<16xi1>, vector<16xf32>
      %add3A_648 = arith.addf %scan3A_295#2, %scan3A_631 : f32
      %broadcast_in_dim3A_649 = arith.constant true
      %broadcast_in_dim3A_650 = vector.broadcast %broadcast_in_dim3A_649 : i1 to vector<16xi1>
      %masked_cumsum3A = tpu.scan <sum>, %select_n3A_647 masked %broadcast_in_dim3A_650 : vector<16xf32>, vector<16xi1> -> vector<16xf32>
      %add3A_651 = vector.broadcast %add3A_648 : f32 to vector<16xf32>
      %add3A_652 = arith.addf %add3A_651, %masked_cumsum3A : vector<16xf32>
      %lt3A_653 = vector.broadcast %mul3A_287 : f32 to vector<16xf32>
      %lt3A_654 = arith.cmpf olt, %add3A_652, %lt3A_653 : vector<16xf32>
      %ge3A_655 = vector.broadcast %sub3A_312 : i32 to vector<16xi32>
      %ge3A_656 = arith.cmpi sge, %add3A_635, %ge3A_655 : vector<16xi32>
      %and3A_657 = arith.andi %lt3A_654, %ge3A_656 : vector<16xi1>
      %convert_element_type3A_658 = arith.extui %and3A_657 : vector<16xi1> to vector<16xi32>
      %reduce_sum3A_659 = arith.constant true
      %reduce_sum3A_660 = vector.broadcast %reduce_sum3A_659 : i1 to vector<16xi1>
      %reduce_sum3A_661 = tpu.scan <sum>, %convert_element_type3A_658 masked %reduce_sum3A_660 : vector<16xi32>, vector<16xi1> -> vector<16xi32>
      %reduce_sum3A_662 = vector.extract %reduce_sum3A_661[15] : i32 from vector<16xi32>
      %add3A_663 = arith.addi %scan3A_630, %reduce_sum3A_662 : i32
      %reduce_sum3A_664 = arith.constant true
      %reduce_sum3A_665 = vector.broadcast %reduce_sum3A_664 : i1 to vector<16xi1>
      %reduce_sum3A_666 = tpu.scan <sum>, %select_n3A_647 masked %reduce_sum3A_665 : vector<16xf32>, vector<16xi1> -> vector<16xf32>
      %reduce_sum3A_667 = vector.extract %reduce_sum3A_666[15] : f32 from vector<16xf32>
      %add3A_668 = arith.addf %scan3A_631, %reduce_sum3A_667 : f32
      scf.yield %add3A_663, %add3A_668 : i32, f32
    }
    %scan3A_323 = arith.constant 80 : i32
    %mul3A_324 = arith.constant 1280 : i32
    %mul3A_325 = arith.muli %min3A_298, %mul3A_324 : i32
    %add3A_326 = arith.addi %mul3A_325, %scan3A_322#0 : i32
    %min3A_327 = arith.constant 99999 : i32
    %min3A_328 = arith.minsi %add3A_326, %min3A_327 : i32
    %eq3A_329 = arith.constant 1 : i32
    %eq3A_330 = vector.broadcast %eq3A_329 : i32 to vector<16xi32>
    %eq3A_331 = arith.cmpi eq, %iota3A, %eq3A_330 : vector<16xi32>
    %broadcast_in_dim3A_332 = vector.broadcast %min3A_328 : i32 to vector<16xi32>
    %select_n3A_333 = arith.select %eq3A_331, %broadcast_in_dim3A_332, %select_n3A_187 : vector<16xi1>, vector<16xi32>
    %add3A_334 = arith.constant 2 : i32
    %add3A_335 = arith.addi %mul3A_2, %add3A_334 : i32
    %jit3A_336 = arith.constant 8 : i32
    %div3A_337 = arith.divsi %add3A_335, %jit3A_336 : i32
    %sign3A_338 = arith.constant 0 : i32
    %sign3A_339 = arith.cmpi sgt, %add3A_335, %sign3A_338 : i32
    %sign3A_340 = arith.extui %sign3A_339 : i1 to i32
    %sign3A_341 = arith.constant 0 : i32
    %sign3A_342 = arith.cmpi slt, %add3A_335, %sign3A_341 : i32
    %sign3A_343 = arith.extui %sign3A_342 : i1 to i32
    %sign3A_344 = arith.subi %sign3A_340, %sign3A_343 : i32
    %sign3A_345 = arith.constant 0 : i32
    %sign3A_346 = arith.cmpi sgt, %jit3A_336, %sign3A_345 : i32
    %sign3A_347 = arith.extui %sign3A_346 : i1 to i32
    %sign3A_348 = arith.constant 0 : i32
    %sign3A_349 = arith.cmpi slt, %jit3A_336, %sign3A_348 : i32
    %sign3A_350 = arith.extui %sign3A_349 : i1 to i32
    %sign3A_351 = arith.subi %sign3A_347, %sign3A_350 : i32
    %ne3A_352 = arith.cmpi ne, %sign3A_344, %sign3A_351 : i32
    %rem3A_353 = arith.remsi %add3A_335, %jit3A_336 : i32
    %ne3A_354 = arith.constant 0 : i32
    %ne3A_355 = arith.cmpi ne, %rem3A_353, %ne3A_354 : i32
    %and3A_356 = arith.andi %ne3A_352, %ne3A_355 : i1
    %sub3A_357 = arith.constant 1 : i32
    %sub3A_358 = arith.subi %div3A_337, %sub3A_357 : i32
    %select_n3A_359 = arith.select %and3A_356, %sub3A_358, %div3A_337 : i32
    %mul3A_360 = arith.constant 8 : i32
    %mul3A_361 = arith.muli %select_n3A_359, %mul3A_360 : i32
    %multiple_of3A_362 = tpu.assume_multiple %mul3A_361, 8 : i32
    %jit3A_363 = arith.constant 8 : i32
    %eq3A_364 = arith.constant 0 : i32
    %eq3A_365 = arith.cmpi eq, %jit3A_363, %eq3A_364 : i32
    %jit3A_366 = arith.constant 1 : i32
    %select_n3A_367 = arith.select %eq3A_365, %jit3A_366, %jit3A_363 : i32
    %rem3A_368 = arith.remsi %add3A_335, %select_n3A_367 : i32
    %ne3A_369 = arith.constant 0 : i32
    %ne3A_370 = arith.cmpi ne, %rem3A_368, %ne3A_369 : i32
    %lt3A_371 = arith.constant 0 : i32
    %lt3A_372 = arith.cmpi slt, %rem3A_368, %lt3A_371 : i32
    %lt3A_373 = arith.constant 0 : i32
    %lt3A_374 = arith.cmpi slt, %select_n3A_367, %lt3A_373 : i32
    %ne3A_375 = arith.xori %lt3A_372, %lt3A_374 : i1
    %and3A_376 = arith.andi %ne3A_375, %ne3A_370 : i1
    %add3A_377 = arith.addi %rem3A_368, %select_n3A_367 : i32
    %select_n3A_378 = arith.select %and3A_376, %add3A_377, %rem3A_368 : i32
    %jit3A_379 = arith.constant 8 : i32
    %eq3A_380 = arith.constant 0 : i32
    %eq3A_381 = arith.cmpi eq, %jit3A_379, %eq3A_380 : i32
    %jit3A_382 = arith.constant 1 : i32
    %select_n3A_383 = arith.select %eq3A_381, %jit3A_382, %jit3A_379 : i32
    %rem3A_384 = arith.remsi %mul3A_2, %select_n3A_383 : i32
    %ne3A_385 = arith.constant 0 : i32
    %ne3A_386 = arith.cmpi ne, %rem3A_384, %ne3A_385 : i32
    %lt3A_387 = arith.constant 0 : i32
    %lt3A_388 = arith.cmpi slt, %rem3A_384, %lt3A_387 : i32
    %lt3A_389 = arith.constant 0 : i32
    %lt3A_390 = arith.cmpi slt, %select_n3A_383, %lt3A_389 : i32
    %ne3A_391 = arith.xori %lt3A_388, %lt3A_390 : i1
    %and3A_392 = arith.andi %ne3A_391, %ne3A_386 : i1
    %add3A_393 = arith.addi %rem3A_384, %select_n3A_383 : i32
    %select_n3A_394 = arith.select %and3A_392, %add3A_393, %rem3A_384 : i32
    %add3A_395 = arith.constant 2 : i32
    %add3A_396 = arith.addi %select_n3A_394, %add3A_395 : i32
    %scan3A_397 = arith.constant 0.000000e+00 : f32
    %scan3A_398 = arith.constant 0 : i32
    %scan3A_399 = arith.constant 5 : i32
    %scan3A_400 = arith.addi %scan3A_398, %scan3A_399 : i32
    %scan3A_401 = arith.constant 1 : i32
    %scan3A_402 = scf.for %scan3A_629 = %scan3A_398 to %scan3A_400 step %scan3A_401 iter_args(%scan3A_630 = %scan3A_397) -> (f32)  : i32 {
      %mul3A_631 = arith.constant 16 : i32
      %mul3A_632 = arith.muli %scan3A_629, %mul3A_631 : i32
      %get3A_633 = arith.index_cast %add3A_396 : i32 to index
      %get3A_634 = arith.index_cast %mul3A_632 : i32 to index
      %get3A_635 = tpu.vector_load %arg7[%get3A_633, %get3A_634] {strides = array<i32>} : memref<8x128xf32, #tpu.memory_space<vmem>>, vector<16xf32>,
      %reduce_sum3A_636 = arith.constant true
      %reduce_sum3A_637 = vector.broadcast %reduce_sum3A_636 : i1 to vector<16xi1>
      %reduce_sum3A_638 = tpu.scan <sum>, %get3A_635 masked %reduce_sum3A_637 : vector<16xf32>, vector<16xi1> -> vector<16xf32>
      %reduce_sum3A_639 = vector.extract %reduce_sum3A_638[15] : f32 from vector<16xf32>
      %add3A_640 = arith.addf %scan3A_630, %reduce_sum3A_639 : f32
      scf.yield %add3A_640 : f32
    }
    %scan3A_403 = arith.constant 5 : i32
    %jit3A_404 = arith.constant 4 : i32
    %eq3A_405 = arith.constant 0 : i32
    %eq3A_406 = arith.cmpi eq, %jit3A_404, %eq3A_405 : i32
    %jit3A_407 = arith.constant 1 : i32
    %select_n3A_408 = arith.select %eq3A_406, %jit3A_407, %jit3A_404 : i32
    %rem3A_409 = arith.remsi %add3A, %select_n3A_408 : i32
    %ne3A_410 = arith.constant 0 : i32
    %ne3A_411 = arith.cmpi ne, %rem3A_409, %ne3A_410 : i32
    %lt3A_412 = arith.constant 0 : i32
    %lt3A_413 = arith.cmpi slt, %rem3A_409, %lt3A_412 : i32
    %lt3A_414 = arith.constant 0 : i32
    %lt3A_415 = arith.cmpi slt, %select_n3A_408, %lt3A_414 : i32
    %ne3A_416 = arith.xori %lt3A_413, %lt3A_415 : i1
    %and3A_417 = arith.andi %ne3A_416, %ne3A_411 : i1
    %add3A_418 = arith.addi %rem3A_409, %select_n3A_408 : i32
    %select_n3A_419 = arith.select %and3A_417, %add3A_418, %rem3A_409 : i32
    %mul3A_420 = arith.constant 4 : i32
    %mul3A_421 = arith.muli %select_n3A_419, %mul3A_420 : i32
    %add3A_422 = arith.constant 2 : i32
    %add3A_423 = arith.addi %mul3A_421, %add3A_422 : i32
    %eq3A_424 = vector.broadcast %add3A_423 : i32 to vector<16xi32>
    %eq3A_425 = arith.cmpi eq, %iota3A, %eq3A_424 : vector<16xi32>
    %jit3A_426 = arith.constant 0.000000e+00 : f32
    %broadcast_in_dim3A_427 = vector.broadcast %jit3A_426 : f32 to vector<16xf32>
    %select_n3A_428 = arith.select %eq3A_425, %get3A_47, %broadcast_in_dim3A_427 : vector<16xi1>, vector<16xf32>
    %reduce_sum3A_429 = arith.constant true
    %reduce_sum3A_430 = vector.broadcast %reduce_sum3A_429 : i1 to vector<16xi1>
    %reduce_sum3A_431 = tpu.scan <sum>, %select_n3A_428 masked %reduce_sum3A_430 : vector<16xf32>, vector<16xi1> -> vector<16xf32>
    %reduce_sum3A_432 = vector.extract %reduce_sum3A_431[15] : f32 from vector<16xf32>
    %mul3A_433 = arith.mulf %reduce_sum3A_432, %scan3A_402 : f32
    %scan3A_434 = arith.constant 0.000000e+00 : f32
    %scan3A_435 = arith.constant 0 : i32
    %scan3A_436 = arith.constant 0.000000e+00 : f32
    %scan3A_437 = arith.constant 0 : i32
    %scan3A_438 = arith.constant 5 : i32
    %scan3A_439 = arith.addi %scan3A_437, %scan3A_438 : i32
    %scan3A_440 = arith.constant 1 : i32
    %scan3A_441:3 = scf.for %scan3A_629 = %scan3A_437 to %scan3A_439 step %scan3A_440 iter_args(%scan3A_630 = %scan3A_434, %scan3A_631 = %scan3A_435, %scan3A_632 = %scan3A_436) -> (f32, i32, f32)  : i32 {
      %mul3A_633 = arith.constant 16 : i32
      %mul3A_634 = arith.muli %scan3A_629, %mul3A_633 : i32
      %get3A_635 = arith.index_cast %add3A_396 : i32 to index
      %get3A_636 = arith.index_cast %mul3A_634 : i32 to index
      %get3A_637 = tpu.vector_load %arg7[%get3A_635, %get3A_636] {strides = array<i32>} : memref<8x128xf32, #tpu.memory_space<vmem>>, vector<16xf32>,
      %broadcast_in_dim3A_638 = arith.constant true
      %broadcast_in_dim3A_639 = vector.broadcast %broadcast_in_dim3A_638 : i1 to vector<16xi1>
      %masked_cumsum3A = tpu.scan <sum>, %get3A_637 masked %broadcast_in_dim3A_639 : vector<16xf32>, vector<16xi1> -> vector<16xf32>
      %add3A_640 = vector.broadcast %scan3A_630 : f32 to vector<16xf32>
      %add3A_641 = arith.addf %add3A_640, %masked_cumsum3A : vector<16xf32>
      %lt3A_642 = vector.broadcast %mul3A_433 : f32 to vector<16xf32>
      %lt3A_643 = arith.cmpf olt, %add3A_641, %lt3A_642 : vector<16xf32>
      %convert_element_type3A_644 = arith.extui %lt3A_643 : vector<16xi1> to vector<16xi32>
      %reduce_sum3A_645 = arith.constant true
      %reduce_sum3A_646 = vector.broadcast %reduce_sum3A_645 : i1 to vector<16xi1>
      %reduce_sum3A_647 = tpu.scan <sum>, %convert_element_type3A_644 masked %reduce_sum3A_646 : vector<16xi32>, vector<16xi1> -> vector<16xi32>
      %reduce_sum3A_648 = vector.extract %reduce_sum3A_647[15] : i32 from vector<16xi32>
      %add3A_649 = arith.addi %scan3A_631, %reduce_sum3A_648 : i32
      %jit3A_650 = arith.constant 0.000000e+00 : f32
      %broadcast_in_dim3A_651 = vector.broadcast %jit3A_650 : f32 to vector<16xf32>
      %select_n3A_652 = arith.select %lt3A_643, %get3A_637, %broadcast_in_dim3A_651 : vector<16xi1>, vector<16xf32>
      %reduce_sum3A_653 = arith.constant true
      %reduce_sum3A_654 = vector.broadcast %reduce_sum3A_653 : i1 to vector<16xi1>
      %reduce_sum3A_655 = tpu.scan <sum>, %select_n3A_652 masked %reduce_sum3A_654 : vector<16xf32>, vector<16xi1> -> vector<16xf32>
      %reduce_sum3A_656 = vector.extract %reduce_sum3A_655[15] : f32 from vector<16xf32>
      %add3A_657 = arith.addf %scan3A_632, %reduce_sum3A_656 : f32
      %reduce_sum3A_658 = arith.constant true
      %reduce_sum3A_659 = vector.broadcast %reduce_sum3A_658 : i1 to vector<16xi1>
      %reduce_sum3A_660 = tpu.scan <sum>, %get3A_637 masked %reduce_sum3A_659 : vector<16xf32>, vector<16xi1> -> vector<16xf32>
      %reduce_sum3A_661 = vector.extract %reduce_sum3A_660[15] : f32 from vector<16xf32>
      %add3A_662 = arith.addf %scan3A_630, %reduce_sum3A_661 : f32
      scf.yield %add3A_662, %add3A_649, %add3A_657 : f32, i32, f32
    }
    %scan3A_442 = arith.constant 5 : i32
    %min3A_443 = arith.constant 78 : i32
    %min3A_444 = arith.minsi %scan3A_441#1, %min3A_443 : i32
    %eq3A_445 = arith.constant 78 : i32
    %eq3A_446 = arith.cmpi eq, %min3A_444, %eq3A_445 : i32
    %mul3A_447 = arith.constant 1280 : i32
    %mul3A_448 = arith.muli %min3A_444, %mul3A_447 : i32
    %jit3A_449 = arith.constant 0 : i32
    %select_n3A_450 = arith.select %eq3A_446, %jit3A_449, %mul3A_448 : i32
    %multiple_of3A_451 = tpu.assume_multiple %select_n3A_450, 128 : i32
    %mul3A_452 = arith.constant 1280 : i32
    %mul3A_453 = arith.muli %min3A_444, %mul3A_452 : i32
    %mul3A_454 = arith.constant 1280 : i32
    %mul3A_455 = arith.muli %min3A_444, %mul3A_454 : i32
    %jit3A_456 = arith.constant 98720 : i32
    %select_n3A_457 = arith.select %eq3A_446, %jit3A_456, %mul3A_455 : i32
    %sub3A_458 = arith.subi %mul3A_453, %select_n3A_457 : i32
    %convert_element_type3A_459 = arith.extui %eq3A_446 : i1 to i32
    %cond3A_460 = arith.constant 0 : i32
    %cond3A_461 = arith.cmpi ne, %convert_element_type3A_459, %cond3A_460 : i32
    scf.if %cond3A_461 {
      "tpu.region"() ({
        %run_scoped3A = tpu.sem_alloc : memref<!tpu.dma_semaphore, #tpu.memory_space<semaphore_mem>>
        %dma_start3A = arith.constant 0 : i32
        %dma_start3A_629 = tpu.memref_slice %arg5[%multiple_of3A_362, %dma_start3A] : memref<128x1280xf32, #tpu.memory_space<hbm>> -> memref<8x1280xf32, #tpu.memory_space<hbm>>
        %dma_start3A_630 = arith.constant 0 : i32
        %dma_start3A_631 = tpu.memref_slice %arg5[%multiple_of3A_362, %dma_start3A_630] : memref<128x1280xf32, #tpu.memory_space<hbm>> -> memref<8x1280xf32, #tpu.memory_space<hbm>>
        tpu.enqueue_dma source(%dma_start3A_631 : memref<8x1280xf32, #tpu.memory_space<hbm>>) target(%arg9 : memref<8x1280xf32, #tpu.memory_space<vmem>>) target_semaphore(%run_scoped3A : memref<!tpu.dma_semaphore, #tpu.memory_space<semaphore_mem>>)
        %dma_wait3A = arith.constant 0 : i32
        %dma_wait3A_632 = tpu.memref_slice %arg5[%multiple_of3A_362, %dma_wait3A] : memref<128x1280xf32, #tpu.memory_space<hbm>> -> memref<8x1280xf32, #tpu.memory_space<hbm>>
        %dma_wait3A_633 = arith.constant 0 : i32
        %dma_wait3A_634 = tpu.memref_slice %arg5[%multiple_of3A_362, %dma_wait3A_633] : memref<128x1280xf32, #tpu.memory_space<hbm>> -> memref<8x1280xf32, #tpu.memory_space<hbm>>
        tpu.wait_dma2 semaphore(%run_scoped3A : memref<!tpu.dma_semaphore, #tpu.memory_space<semaphore_mem>>) src(%dma_wait3A_634 : memref<8x1280xf32, #tpu.memory_space<hbm>>) dst(%arg9 : memref<8x1280xf32, #tpu.memory_space<vmem>>)
        tpu.yield
      }) : () -> ()
    } else {
      "tpu.region"() ({
        %run_scoped3A = tpu.sem_alloc : memref<!tpu.dma_semaphore, #tpu.memory_space<semaphore_mem>>
        %dma_start3A = tpu.memref_slice %arg4[%multiple_of3A_362, %multiple_of3A_451] : memref<128x100000xf32, #tpu.memory_space<hbm>> -> memref<8x1280xf32, #tpu.memory_space<hbm>>
        %dma_start3A_629 = tpu.memref_slice %arg4[%multiple_of3A_362, %multiple_of3A_451] : memref<128x100000xf32, #tpu.memory_space<hbm>> -> memref<8x1280xf32, #tpu.memory_space<hbm>>
        tpu.enqueue_dma source(%dma_start3A_629 : memref<8x1280xf32, #tpu.memory_space<hbm>>) target(%arg9 : memref<8x1280xf32, #tpu.memory_space<vmem>>) target_semaphore(%run_scoped3A : memref<!tpu.dma_semaphore, #tpu.memory_space<semaphore_mem>>)
        %dma_wait3A = tpu.memref_slice %arg4[%multiple_of3A_362, %multiple_of3A_451] : memref<128x100000xf32, #tpu.memory_space<hbm>> -> memref<8x1280xf32, #tpu.memory_space<hbm>>
        %dma_wait3A_630 = tpu.memref_slice %arg4[%multiple_of3A_362, %multiple_of3A_451] : memref<128x100000xf32, #tpu.memory_space<hbm>> -> memref<8x1280xf32, #tpu.memory_space<hbm>>
        tpu.wait_dma2 semaphore(%run_scoped3A : memref<!tpu.dma_semaphore, #tpu.memory_space<semaphore_mem>>) src(%dma_wait3A_630 : memref<8x1280xf32, #tpu.memory_space<hbm>>) dst(%arg9 : memref<8x1280xf32, #tpu.memory_space<vmem>>)
        tpu.yield
      }) : () -> ()
    }
    %scan3A_462 = arith.constant 0 : i32
    %scan3A_463 = arith.constant 0.000000e+00 : f32
    %scan3A_464 = arith.constant 0 : i32
    %scan3A_465 = arith.constant 80 : i32
    %scan3A_466 = arith.addi %scan3A_464, %scan3A_465 : i32
    %scan3A_467 = arith.constant 1 : i32
    %scan3A_468:2 = scf.for %scan3A_629 = %scan3A_464 to %scan3A_466 step %scan3A_467 iter_args(%scan3A_630 = %scan3A_462, %scan3A_631 = %scan3A_463) -> (i32, f32)  : i32 {
      %mul3A_632 = arith.constant 16 : i32
      %mul3A_633 = arith.muli %scan3A_629, %mul3A_632 : i32
      %add3A_634 = vector.broadcast %mul3A_633 : i32 to vector<16xi32>
      %add3A_635 = arith.addi %add3A_634, %iota3A : vector<16xi32>
      %mul3A_636 = arith.constant 16 : i32
      %mul3A_637 = arith.muli %scan3A_629, %mul3A_636 : i32
      %get3A_638 = arith.index_cast %select_n3A_378 : i32 to index
      %get3A_639 = arith.index_cast %mul3A_637 : i32 to index
      %get3A_640 = tpu.vector_load %arg9[%get3A_638, %get3A_639] {strides = array<i32>} : memref<8x1280xf32, #tpu.memory_space<vmem>>, vector<16xf32>,
      %mul3A_641 = arith.constant 7.000000e+00 : f32
      %mul3A_642 = vector.broadcast %mul3A_641 : f32 to vector<16xf32>
      %mul3A_643 = arith.mulf %get3A_640, %mul3A_642 : vector<16xf32>
      %exp3A = math.exp %mul3A_643 : vector<16xf32>
      %ge3A = vector.broadcast %sub3A_458 : i32 to vector<16xi32>
      %ge3A_644 = arith.cmpi sge, %add3A_635, %ge3A : vector<16xi32>
      %jit3A_645 = arith.constant 0.000000e+00 : f32
      %broadcast_in_dim3A_646 = vector.broadcast %jit3A_645 : f32 to vector<16xf32>
      %select_n3A_647 = arith.select %ge3A_644, %exp3A, %broadcast_in_dim3A_646 : vector<16xi1>, vector<16xf32>
      %add3A_648 = arith.addf %scan3A_441#2, %scan3A_631 : f32
      %broadcast_in_dim3A_649 = arith.constant true
      %broadcast_in_dim3A_650 = vector.broadcast %broadcast_in_dim3A_649 : i1 to vector<16xi1>
      %masked_cumsum3A = tpu.scan <sum>, %select_n3A_647 masked %broadcast_in_dim3A_650 : vector<16xf32>, vector<16xi1> -> vector<16xf32>
      %add3A_651 = vector.broadcast %add3A_648 : f32 to vector<16xf32>
      %add3A_652 = arith.addf %add3A_651, %masked_cumsum3A : vector<16xf32>
      %lt3A_653 = vector.broadcast %mul3A_433 : f32 to vector<16xf32>
      %lt3A_654 = arith.cmpf olt, %add3A_652, %lt3A_653 : vector<16xf32>
      %ge3A_655 = vector.broadcast %sub3A_458 : i32 to vector<16xi32>
      %ge3A_656 = arith.cmpi sge, %add3A_635, %ge3A_655 : vector<16xi32>
      %and3A_657 = arith.andi %lt3A_654, %ge3A_656 : vector<16xi1>
      %convert_element_type3A_658 = arith.extui %and3A_657 : vector<16xi1> to vector<16xi32>
      %reduce_sum3A_659 = arith.constant true
      %reduce_sum3A_660 = vector.broadcast %reduce_sum3A_659 : i1 to vector<16xi1>
      %reduce_sum3A_661 = tpu.scan <sum>, %convert_element_type3A_658 masked %reduce_sum3A_660 : vector<16xi32>, vector<16xi1> -> vector<16xi32>
      %reduce_sum3A_662 = vector.extract %reduce_sum3A_661[15] : i32 from vector<16xi32>
      %add3A_663 = arith.addi %scan3A_630, %reduce_sum3A_662 : i32
      %reduce_sum3A_664 = arith.constant true
      %reduce_sum3A_665 = vector.broadcast %reduce_sum3A_664 : i1 to vector<16xi1>
      %reduce_sum3A_666 = tpu.scan <sum>, %select_n3A_647 masked %reduce_sum3A_665 : vector<16xf32>, vector<16xi1> -> vector<16xf32>
      %reduce_sum3A_667 = vector.extract %reduce_sum3A_666[15] : f32 from vector<16xf32>
      %add3A_668 = arith.addf %scan3A_631, %reduce_sum3A_667 : f32
      scf.yield %add3A_663, %add3A_668 : i32, f32
    }
    %scan3A_469 = arith.constant 80 : i32
    %mul3A_470 = arith.constant 1280 : i32
    %mul3A_471 = arith.muli %min3A_444, %mul3A_470 : i32
    %add3A_472 = arith.addi %mul3A_471, %scan3A_468#0 : i32
    %min3A_473 = arith.constant 99999 : i32
    %min3A_474 = arith.minsi %add3A_472, %min3A_473 : i32
    %eq3A_475 = arith.constant 2 : i32
    %eq3A_476 = vector.broadcast %eq3A_475 : i32 to vector<16xi32>
    %eq3A_477 = arith.cmpi eq, %iota3A, %eq3A_476 : vector<16xi32>
    %broadcast_in_dim3A_478 = vector.broadcast %min3A_474 : i32 to vector<16xi32>
    %select_n3A_479 = arith.select %eq3A_477, %broadcast_in_dim3A_478, %select_n3A_333 : vector<16xi1>, vector<16xi32>
    %add3A_480 = arith.constant 3 : i32
    %add3A_481 = arith.addi %mul3A_2, %add3A_480 : i32
    %jit3A_482 = arith.constant 8 : i32
    %div3A_483 = arith.divsi %add3A_481, %jit3A_482 : i32
    %sign3A_484 = arith.constant 0 : i32
    %sign3A_485 = arith.cmpi sgt, %add3A_481, %sign3A_484 : i32
    %sign3A_486 = arith.extui %sign3A_485 : i1 to i32
    %sign3A_487 = arith.constant 0 : i32
    %sign3A_488 = arith.cmpi slt, %add3A_481, %sign3A_487 : i32
    %sign3A_489 = arith.extui %sign3A_488 : i1 to i32
    %sign3A_490 = arith.subi %sign3A_486, %sign3A_489 : i32
    %sign3A_491 = arith.constant 0 : i32
    %sign3A_492 = arith.cmpi sgt, %jit3A_482, %sign3A_491 : i32
    %sign3A_493 = arith.extui %sign3A_492 : i1 to i32
    %sign3A_494 = arith.constant 0 : i32
    %sign3A_495 = arith.cmpi slt, %jit3A_482, %sign3A_494 : i32
    %sign3A_496 = arith.extui %sign3A_495 : i1 to i32
    %sign3A_497 = arith.subi %sign3A_493, %sign3A_496 : i32
    %ne3A_498 = arith.cmpi ne, %sign3A_490, %sign3A_497 : i32
    %rem3A_499 = arith.remsi %add3A_481, %jit3A_482 : i32
    %ne3A_500 = arith.constant 0 : i32
    %ne3A_501 = arith.cmpi ne, %rem3A_499, %ne3A_500 : i32
    %and3A_502 = arith.andi %ne3A_498, %ne3A_501 : i1
    %sub3A_503 = arith.constant 1 : i32
    %sub3A_504 = arith.subi %div3A_483, %sub3A_503 : i32
    %select_n3A_505 = arith.select %and3A_502, %sub3A_504, %div3A_483 : i32
    %mul3A_506 = arith.constant 8 : i32
    %mul3A_507 = arith.muli %select_n3A_505, %mul3A_506 : i32
    %multiple_of3A_508 = tpu.assume_multiple %mul3A_507, 8 : i32
    %jit3A_509 = arith.constant 8 : i32
    %eq3A_510 = arith.constant 0 : i32
    %eq3A_511 = arith.cmpi eq, %jit3A_509, %eq3A_510 : i32
    %jit3A_512 = arith.constant 1 : i32
    %select_n3A_513 = arith.select %eq3A_511, %jit3A_512, %jit3A_509 : i32
    %rem3A_514 = arith.remsi %add3A_481, %select_n3A_513 : i32
    %ne3A_515 = arith.constant 0 : i32
    %ne3A_516 = arith.cmpi ne, %rem3A_514, %ne3A_515 : i32
    %lt3A_517 = arith.constant 0 : i32
    %lt3A_518 = arith.cmpi slt, %rem3A_514, %lt3A_517 : i32
    %lt3A_519 = arith.constant 0 : i32
    %lt3A_520 = arith.cmpi slt, %select_n3A_513, %lt3A_519 : i32
    %ne3A_521 = arith.xori %lt3A_518, %lt3A_520 : i1
    %and3A_522 = arith.andi %ne3A_521, %ne3A_516 : i1
    %add3A_523 = arith.addi %rem3A_514, %select_n3A_513 : i32
    %select_n3A_524 = arith.select %and3A_522, %add3A_523, %rem3A_514 : i32
    %jit3A_525 = arith.constant 8 : i32
    %eq3A_526 = arith.constant 0 : i32
    %eq3A_527 = arith.cmpi eq, %jit3A_525, %eq3A_526 : i32
    %jit3A_528 = arith.constant 1 : i32
    %select_n3A_529 = arith.select %eq3A_527, %jit3A_528, %jit3A_525 : i32
    %rem3A_530 = arith.remsi %mul3A_2, %select_n3A_529 : i32
    %ne3A_531 = arith.constant 0 : i32
    %ne3A_532 = arith.cmpi ne, %rem3A_530, %ne3A_531 : i32
    %lt3A_533 = arith.constant 0 : i32
    %lt3A_534 = arith.cmpi slt, %rem3A_530, %lt3A_533 : i32
    %lt3A_535 = arith.constant 0 : i32
    %lt3A_536 = arith.cmpi slt, %select_n3A_529, %lt3A_535 : i32
    %ne3A_537 = arith.xori %lt3A_534, %lt3A_536 : i1
    %and3A_538 = arith.andi %ne3A_537, %ne3A_532 : i1
    %add3A_539 = arith.addi %rem3A_530, %select_n3A_529 : i32
    %select_n3A_540 = arith.select %and3A_538, %add3A_539, %rem3A_530 : i32
    %add3A_541 = arith.constant 3 : i32
    %add3A_542 = arith.addi %select_n3A_540, %add3A_541 : i32
    %scan3A_543 = arith.constant 0.000000e+00 : f32
    %scan3A_544 = arith.constant 0 : i32
    %scan3A_545 = arith.constant 5 : i32
    %scan3A_546 = arith.addi %scan3A_544, %scan3A_545 : i32
    %scan3A_547 = arith.constant 1 : i32
    %scan3A_548 = scf.for %scan3A_629 = %scan3A_544 to %scan3A_546 step %scan3A_547 iter_args(%scan3A_630 = %scan3A_543) -> (f32)  : i32 {
      %mul3A_631 = arith.constant 16 : i32
      %mul3A_632 = arith.muli %scan3A_629, %mul3A_631 : i32
      %get3A_633 = arith.index_cast %add3A_542 : i32 to index
      %get3A_634 = arith.index_cast %mul3A_632 : i32 to index
      %get3A_635 = tpu.vector_load %arg7[%get3A_633, %get3A_634] {strides = array<i32>} : memref<8x128xf32, #tpu.memory_space<vmem>>, vector<16xf32>,
      %reduce_sum3A_636 = arith.constant true
      %reduce_sum3A_637 = vector.broadcast %reduce_sum3A_636 : i1 to vector<16xi1>
      %reduce_sum3A_638 = tpu.scan <sum>, %get3A_635 masked %reduce_sum3A_637 : vector<16xf32>, vector<16xi1> -> vector<16xf32>
      %reduce_sum3A_639 = vector.extract %reduce_sum3A_638[15] : f32 from vector<16xf32>
      %add3A_640 = arith.addf %scan3A_630, %reduce_sum3A_639 : f32
      scf.yield %add3A_640 : f32
    }
    %scan3A_549 = arith.constant 5 : i32
    %jit3A_550 = arith.constant 4 : i32
    %eq3A_551 = arith.constant 0 : i32
    %eq3A_552 = arith.cmpi eq, %jit3A_550, %eq3A_551 : i32
    %jit3A_553 = arith.constant 1 : i32
    %select_n3A_554 = arith.select %eq3A_552, %jit3A_553, %jit3A_550 : i32
    %rem3A_555 = arith.remsi %add3A, %select_n3A_554 : i32
    %ne3A_556 = arith.constant 0 : i32
    %ne3A_557 = arith.cmpi ne, %rem3A_555, %ne3A_556 : i32
    %lt3A_558 = arith.constant 0 : i32
    %lt3A_559 = arith.cmpi slt, %rem3A_555, %lt3A_558 : i32
    %lt3A_560 = arith.constant 0 : i32
    %lt3A_561 = arith.cmpi slt, %select_n3A_554, %lt3A_560 : i32
    %ne3A_562 = arith.xori %lt3A_559, %lt3A_561 : i1
    %and3A_563 = arith.andi %ne3A_562, %ne3A_557 : i1
    %add3A_564 = arith.addi %rem3A_555, %select_n3A_554 : i32
    %select_n3A_565 = arith.select %and3A_563, %add3A_564, %rem3A_555 : i32
    %mul3A_566 = arith.constant 4 : i32
    %mul3A_567 = arith.muli %select_n3A_565, %mul3A_566 : i32
    %add3A_568 = arith.constant 3 : i32
    %add3A_569 = arith.addi %mul3A_567, %add3A_568 : i32
    %eq3A_570 = vector.broadcast %add3A_569 : i32 to vector<16xi32>
    %eq3A_571 = arith.cmpi eq, %iota3A, %eq3A_570 : vector<16xi32>
    %jit3A_572 = arith.constant 0.000000e+00 : f32
    %broadcast_in_dim3A_573 = vector.broadcast %jit3A_572 : f32 to vector<16xf32>
    %select_n3A_574 = arith.select %eq3A_571, %get3A_47, %broadcast_in_dim3A_573 : vector<16xi1>, vector<16xf32>
    %reduce_sum3A_575 = arith.constant true
    %reduce_sum3A_576 = vector.broadcast %reduce_sum3A_575 : i1 to vector<16xi1>
    %reduce_sum3A_577 = tpu.scan <sum>, %select_n3A_574 masked %reduce_sum3A_576 : vector<16xf32>, vector<16xi1> -> vector<16xf32>
    %reduce_sum3A_578 = vector.extract %reduce_sum3A_577[15] : f32 from vector<16xf32>
    %mul3A_579 = arith.mulf %reduce_sum3A_578, %scan3A_548 : f32
    %scan3A_580 = arith.constant 0.000000e+00 : f32
    %scan3A_581 = arith.constant 0 : i32
    %scan3A_582 = arith.constant 0.000000e+00 : f32
    %scan3A_583 = arith.constant 0 : i32
    %scan3A_584 = arith.constant 5 : i32
    %scan3A_585 = arith.addi %scan3A_583, %scan3A_584 : i32
    %scan3A_586 = arith.constant 1 : i32
    %scan3A_587:3 = scf.for %scan3A_629 = %scan3A_583 to %scan3A_585 step %scan3A_586 iter_args(%scan3A_630 = %scan3A_580, %scan3A_631 = %scan3A_581, %scan3A_632 = %scan3A_582) -> (f32, i32, f32)  : i32 {
      %mul3A_633 = arith.constant 16 : i32
      %mul3A_634 = arith.muli %scan3A_629, %mul3A_633 : i32
      %get3A_635 = arith.index_cast %add3A_542 : i32 to index
      %get3A_636 = arith.index_cast %mul3A_634 : i32 to index
      %get3A_637 = tpu.vector_load %arg7[%get3A_635, %get3A_636] {strides = array<i32>} : memref<8x128xf32, #tpu.memory_space<vmem>>, vector<16xf32>,
      %broadcast_in_dim3A_638 = arith.constant true
      %broadcast_in_dim3A_639 = vector.broadcast %broadcast_in_dim3A_638 : i1 to vector<16xi1>
      %masked_cumsum3A = tpu.scan <sum>, %get3A_637 masked %broadcast_in_dim3A_639 : vector<16xf32>, vector<16xi1> -> vector<16xf32>
      %add3A_640 = vector.broadcast %scan3A_630 : f32 to vector<16xf32>
      %add3A_641 = arith.addf %add3A_640, %masked_cumsum3A : vector<16xf32>
      %lt3A_642 = vector.broadcast %mul3A_579 : f32 to vector<16xf32>
      %lt3A_643 = arith.cmpf olt, %add3A_641, %lt3A_642 : vector<16xf32>
      %convert_element_type3A_644 = arith.extui %lt3A_643 : vector<16xi1> to vector<16xi32>
      %reduce_sum3A_645 = arith.constant true
      %reduce_sum3A_646 = vector.broadcast %reduce_sum3A_645 : i1 to vector<16xi1>
      %reduce_sum3A_647 = tpu.scan <sum>, %convert_element_type3A_644 masked %reduce_sum3A_646 : vector<16xi32>, vector<16xi1> -> vector<16xi32>
      %reduce_sum3A_648 = vector.extract %reduce_sum3A_647[15] : i32 from vector<16xi32>
      %add3A_649 = arith.addi %scan3A_631, %reduce_sum3A_648 : i32
      %jit3A_650 = arith.constant 0.000000e+00 : f32
      %broadcast_in_dim3A_651 = vector.broadcast %jit3A_650 : f32 to vector<16xf32>
      %select_n3A_652 = arith.select %lt3A_643, %get3A_637, %broadcast_in_dim3A_651 : vector<16xi1>, vector<16xf32>
      %reduce_sum3A_653 = arith.constant true
      %reduce_sum3A_654 = vector.broadcast %reduce_sum3A_653 : i1 to vector<16xi1>
      %reduce_sum3A_655 = tpu.scan <sum>, %select_n3A_652 masked %reduce_sum3A_654 : vector<16xf32>, vector<16xi1> -> vector<16xf32>
      %reduce_sum3A_656 = vector.extract %reduce_sum3A_655[15] : f32 from vector<16xf32>
      %add3A_657 = arith.addf %scan3A_632, %reduce_sum3A_656 : f32
      %reduce_sum3A_658 = arith.constant true
      %reduce_sum3A_659 = vector.broadcast %reduce_sum3A_658 : i1 to vector<16xi1>
      %reduce_sum3A_660 = tpu.scan <sum>, %get3A_637 masked %reduce_sum3A_659 : vector<16xf32>, vector<16xi1> -> vector<16xf32>
      %reduce_sum3A_661 = vector.extract %reduce_sum3A_660[15] : f32 from vector<16xf32>
      %add3A_662 = arith.addf %scan3A_630, %reduce_sum3A_661 : f32
      scf.yield %add3A_662, %add3A_649, %add3A_657 : f32, i32, f32
    }
    %scan3A_588 = arith.constant 5 : i32
    %min3A_589 = arith.constant 78 : i32
    %min3A_590 = arith.minsi %scan3A_587#1, %min3A_589 : i32
    %eq3A_591 = arith.constant 78 : i32
    %eq3A_592 = arith.cmpi eq, %min3A_590, %eq3A_591 : i32
    %mul3A_593 = arith.constant 1280 : i32
    %mul3A_594 = arith.muli %min3A_590, %mul3A_593 : i32
    %jit3A_595 = arith.constant 0 : i32
    %select_n3A_596 = arith.select %eq3A_592, %jit3A_595, %mul3A_594 : i32
    %multiple_of3A_597 = tpu.assume_multiple %select_n3A_596, 128 : i32
    %mul3A_598 = arith.constant 1280 : i32
    %mul3A_599 = arith.muli %min3A_590, %mul3A_598 : i32
    %mul3A_600 = arith.constant 1280 : i32
    %mul3A_601 = arith.muli %min3A_590, %mul3A_600 : i32
    %jit3A_602 = arith.constant 98720 : i32
    %select_n3A_603 = arith.select %eq3A_592, %jit3A_602, %mul3A_601 : i32
    %sub3A_604 = arith.subi %mul3A_599, %select_n3A_603 : i32
    %convert_element_type3A_605 = arith.extui %eq3A_592 : i1 to i32
    %cond3A_606 = arith.constant 0 : i32
    %cond3A_607 = arith.cmpi ne, %convert_element_type3A_605, %cond3A_606 : i32
    scf.if %cond3A_607 {
      "tpu.region"() ({
        %run_scoped3A = tpu.sem_alloc : memref<!tpu.dma_semaphore, #tpu.memory_space<semaphore_mem>>
        %dma_start3A = arith.constant 0 : i32
        %dma_start3A_629 = tpu.memref_slice %arg5[%multiple_of3A_508, %dma_start3A] : memref<128x1280xf32, #tpu.memory_space<hbm>> -> memref<8x1280xf32, #tpu.memory_space<hbm>>
        %dma_start3A_630 = arith.constant 0 : i32
        %dma_start3A_631 = tpu.memref_slice %arg5[%multiple_of3A_508, %dma_start3A_630] : memref<128x1280xf32, #tpu.memory_space<hbm>> -> memref<8x1280xf32, #tpu.memory_space<hbm>>
        tpu.enqueue_dma source(%dma_start3A_631 : memref<8x1280xf32, #tpu.memory_space<hbm>>) target(%arg9 : memref<8x1280xf32, #tpu.memory_space<vmem>>) target_semaphore(%run_scoped3A : memref<!tpu.dma_semaphore, #tpu.memory_space<semaphore_mem>>)
        %dma_wait3A = arith.constant 0 : i32
        %dma_wait3A_632 = tpu.memref_slice %arg5[%multiple_of3A_508, %dma_wait3A] : memref<128x1280xf32, #tpu.memory_space<hbm>> -> memref<8x1280xf32, #tpu.memory_space<hbm>>
        %dma_wait3A_633 = arith.constant 0 : i32
        %dma_wait3A_634 = tpu.memref_slice %arg5[%multiple_of3A_508, %dma_wait3A_633] : memref<128x1280xf32, #tpu.memory_space<hbm>> -> memref<8x1280xf32, #tpu.memory_space<hbm>>
        tpu.wait_dma2 semaphore(%run_scoped3A : memref<!tpu.dma_semaphore, #tpu.memory_space<semaphore_mem>>) src(%dma_wait3A_634 : memref<8x1280xf32, #tpu.memory_space<hbm>>) dst(%arg9 : memref<8x1280xf32, #tpu.memory_space<vmem>>)
        tpu.yield
      }) : () -> ()
    } else {
      "tpu.region"() ({
        %run_scoped3A = tpu.sem_alloc : memref<!tpu.dma_semaphore, #tpu.memory_space<semaphore_mem>>
        %dma_start3A = tpu.memref_slice %arg4[%multiple_of3A_508, %multiple_of3A_597] : memref<128x100000xf32, #tpu.memory_space<hbm>> -> memref<8x1280xf32, #tpu.memory_space<hbm>>
        %dma_start3A_629 = tpu.memref_slice %arg4[%multiple_of3A_508, %multiple_of3A_597] : memref<128x100000xf32, #tpu.memory_space<hbm>> -> memref<8x1280xf32, #tpu.memory_space<hbm>>
        tpu.enqueue_dma source(%dma_start3A_629 : memref<8x1280xf32, #tpu.memory_space<hbm>>) target(%arg9 : memref<8x1280xf32, #tpu.memory_space<vmem>>) target_semaphore(%run_scoped3A : memref<!tpu.dma_semaphore, #tpu.memory_space<semaphore_mem>>)
        %dma_wait3A = tpu.memref_slice %arg4[%multiple_of3A_508, %multiple_of3A_597] : memref<128x100000xf32, #tpu.memory_space<hbm>> -> memref<8x1280xf32, #tpu.memory_space<hbm>>
        %dma_wait3A_630 = tpu.memref_slice %arg4[%multiple_of3A_508, %multiple_of3A_597] : memref<128x100000xf32, #tpu.memory_space<hbm>> -> memref<8x1280xf32, #tpu.memory_space<hbm>>
        tpu.wait_dma2 semaphore(%run_scoped3A : memref<!tpu.dma_semaphore, #tpu.memory_space<semaphore_mem>>) src(%dma_wait3A_630 : memref<8x1280xf32, #tpu.memory_space<hbm>>) dst(%arg9 : memref<8x1280xf32, #tpu.memory_space<vmem>>)
        tpu.yield
      }) : () -> ()
    }
    %scan3A_608 = arith.constant 0 : i32
    %scan3A_609 = arith.constant 0.000000e+00 : f32
    %scan3A_610 = arith.constant 0 : i32
    %scan3A_611 = arith.constant 80 : i32
    %scan3A_612 = arith.addi %scan3A_610, %scan3A_611 : i32
    %scan3A_613 = arith.constant 1 : i32
    %scan3A_614:2 = scf.for %scan3A_629 = %scan3A_610 to %scan3A_612 step %scan3A_613 iter_args(%scan3A_630 = %scan3A_608, %scan3A_631 = %scan3A_609) -> (i32, f32)  : i32 {
      %mul3A_632 = arith.constant 16 : i32
      %mul3A_633 = arith.muli %scan3A_629, %mul3A_632 : i32
      %add3A_634 = vector.broadcast %mul3A_633 : i32 to vector<16xi32>
      %add3A_635 = arith.addi %add3A_634, %iota3A : vector<16xi32>
      %mul3A_636 = arith.constant 16 : i32
      %mul3A_637 = arith.muli %scan3A_629, %mul3A_636 : i32
      %get3A_638 = arith.index_cast %select_n3A_524 : i32 to index
      %get3A_639 = arith.index_cast %mul3A_637 : i32 to index
      %get3A_640 = tpu.vector_load %arg9[%get3A_638, %get3A_639] {strides = array<i32>} : memref<8x1280xf32, #tpu.memory_space<vmem>>, vector<16xf32>,
      %mul3A_641 = arith.constant 7.000000e+00 : f32
      %mul3A_642 = vector.broadcast %mul3A_641 : f32 to vector<16xf32>
      %mul3A_643 = arith.mulf %get3A_640, %mul3A_642 : vector<16xf32>
      %exp3A = math.exp %mul3A_643 : vector<16xf32>
      %ge3A = vector.broadcast %sub3A_604 : i32 to vector<16xi32>
      %ge3A_644 = arith.cmpi sge, %add3A_635, %ge3A : vector<16xi32>
      %jit3A_645 = arith.constant 0.000000e+00 : f32
      %broadcast_in_dim3A_646 = vector.broadcast %jit3A_645 : f32 to vector<16xf32>
      %select_n3A_647 = arith.select %ge3A_644, %exp3A, %broadcast_in_dim3A_646 : vector<16xi1>, vector<16xf32>
      %add3A_648 = arith.addf %scan3A_587#2, %scan3A_631 : f32
      %broadcast_in_dim3A_649 = arith.constant true
      %broadcast_in_dim3A_650 = vector.broadcast %broadcast_in_dim3A_649 : i1 to vector<16xi1>
      %masked_cumsum3A = tpu.scan <sum>, %select_n3A_647 masked %broadcast_in_dim3A_650 : vector<16xf32>, vector<16xi1> -> vector<16xf32>
      %add3A_651 = vector.broadcast %add3A_648 : f32 to vector<16xf32>
      %add3A_652 = arith.addf %add3A_651, %masked_cumsum3A : vector<16xf32>
      %lt3A_653 = vector.broadcast %mul3A_579 : f32 to vector<16xf32>
      %lt3A_654 = arith.cmpf olt, %add3A_652, %lt3A_653 : vector<16xf32>
      %ge3A_655 = vector.broadcast %sub3A_604 : i32 to vector<16xi32>
      %ge3A_656 = arith.cmpi sge, %add3A_635, %ge3A_655 : vector<16xi32>
      %and3A_657 = arith.andi %lt3A_654, %ge3A_656 : vector<16xi1>
      %convert_element_type3A_658 = arith.extui %and3A_657 : vector<16xi1> to vector<16xi32>
      %reduce_sum3A_659 = arith.constant true
      %reduce_sum3A_660 = vector.broadcast %reduce_sum3A_659 : i1 to vector<16xi1>
      %reduce_sum3A_661 = tpu.scan <sum>, %convert_element_type3A_658 masked %reduce_sum3A_660 : vector<16xi32>, vector<16xi1> -> vector<16xi32>
      %reduce_sum3A_662 = vector.extract %reduce_sum3A_661[15] : i32 from vector<16xi32>
      %add3A_663 = arith.addi %scan3A_630, %reduce_sum3A_662 : i32
      %reduce_sum3A_664 = arith.constant true
      %reduce_sum3A_665 = vector.broadcast %reduce_sum3A_664 : i1 to vector<16xi1>
      %reduce_sum3A_666 = tpu.scan <sum>, %select_n3A_647 masked %reduce_sum3A_665 : vector<16xf32>, vector<16xi1> -> vector<16xf32>
      %reduce_sum3A_667 = vector.extract %reduce_sum3A_666[15] : f32 from vector<16xf32>
      %add3A_668 = arith.addf %scan3A_631, %reduce_sum3A_667 : f32
      scf.yield %add3A_663, %add3A_668 : i32, f32
    }
    %scan3A_615 = arith.constant 80 : i32
    %mul3A_616 = arith.constant 1280 : i32
    %mul3A_617 = arith.muli %min3A_590, %mul3A_616 : i32
    %add3A_618 = arith.addi %mul3A_617, %scan3A_614#0 : i32
    %min3A_619 = arith.constant 99999 : i32
    %min3A_620 = arith.minsi %add3A_618, %min3A_619 : i32
    %eq3A_621 = arith.constant 3 : i32
    %eq3A_622 = vector.broadcast %eq3A_621 : i32 to vector<16xi32>
    %eq3A_623 = arith.cmpi eq, %iota3A, %eq3A_622 : vector<16xi32>
    %broadcast_in_dim3A_624 = vector.broadcast %min3A_620 : i32 to vector<16xi32>
    %select_n3A_625 = arith.select %eq3A_623, %broadcast_in_dim3A_624, %select_n3A_479 : vector<16xi1>, vector<16xi32>
    %swap3A = arith.constant 0 : index
    %swap3A_626 = tpu.vector_load %arg10[%swap3A] {strides = array<i32>} : memref<16xi32, #tpu.memory_space<vmem>>, vector<16xi32>,
    tpu.vector_store %arg10[%swap3A], %select_n3A_625 {strides = array<i32>} : memref<16xi32, #tpu.memory_space<vmem>>, vector<16xi32>,
    %mul3A_627 = arith.constant 16 : i32
    %mul3A_628 = arith.muli %add3A, %mul3A_627 : i32
    "tpu.region"() ({
      %run_scoped3A = tpu.sem_alloc : memref<!tpu.dma_semaphore, #tpu.memory_space<semaphore_mem>>
      %dma_start3A = tpu.memref_slice %arg6[%mul3A_628] : memref<512xi32, #tpu.memory_space<hbm>> -> memref<16xi32, #tpu.memory_space<hbm>>
      %dma_start3A_629 = tpu.memref_slice %arg6[%mul3A_628] : memref<512xi32, #tpu.memory_space<hbm>> -> memref<16xi32, #tpu.memory_space<hbm>>
      tpu.enqueue_dma source(%arg10 : memref<16xi32, #tpu.memory_space<vmem>>) target(%dma_start3A_629 : memref<16xi32, #tpu.memory_space<hbm>>) target_semaphore(%run_scoped3A : memref<!tpu.dma_semaphore, #tpu.memory_space<semaphore_mem>>)
      %dma_wait3A = tpu.memref_slice %arg6[%mul3A_628] : memref<512xi32, #tpu.memory_space<hbm>> -> memref<16xi32, #tpu.memory_space<hbm>>
      %dma_wait3A_630 = tpu.memref_slice %arg6[%mul3A_628] : memref<512xi32, #tpu.memory_space<hbm>> -> memref<16xi32, #tpu.memory_space<hbm>>
      tpu.wait_dma2 semaphore(%run_scoped3A : memref<!tpu.dma_semaphore, #tpu.memory_space<semaphore_mem>>) src(%arg10 : memref<16xi32, #tpu.memory_space<vmem>>) dst(%dma_wait3A_630 : memref<16xi32, #tpu.memory_space<hbm>>)
      tpu.yield
    }) : () -> ()
    return
  }
}

module attributes {stable_mosaic.version = 14 : i64} {
  func.func @_blocksum_body(%arg0: i32, %arg1: memref<8x100000xf32, #tpu.memory_space<vmem>>, %arg2: memref<8x128xf32, #tpu.memory_space<vmem>>, %arg3: memref<8x1280xf32, #tpu.memory_space<vmem>>) attributes {dimension_semantics = [#tpu.dimension_semantics<arbitrary>], iteration_bounds = array<i64: 16>, scalar_prefetch = 0 : i64, scratch_operands = 0 : i64, tpu.core_type = #tpu.core_type<tc>, window_params = [{transform_indices = @transform_0, window_bounds = array<i64: 8, 100000>}, {transform_indices = @transform_1, window_bounds = array<i64: 8, 128>}, {transform_indices = @transform_2, window_bounds = array<i64: 8, 1280>}]} {
    %get3A = arith.constant 0 : index
    %get3A_0 = arith.constant 0 : index
    %get3A_1 = vector.load %arg1[%get3A, %get3A_0] : memref<8x100000xf32, #tpu.memory_space<vmem>>, vector<8x100000xf32>
    %mul3A = arith.constant 7.000000e+00 : f32
    %mul3A_2 = vector.broadcast %mul3A : f32 to vector<8x100000xf32>
    %mul3A_3 = arith.mulf %get3A_1, %mul3A_2 : vector<8x100000xf32>
    %exp3A = math.exp %mul3A_3 : vector<8x100000xf32>
    %slice3A = vector.extract_strided_slice %exp3A {offsets = [0, 0], sizes = [8, 1280], strides = [1, 1]} : vector<8x100000xf32> to vector<8x1280xf32>
    %reduce_sum3A = arith.constant dense<0.000000e+00> : vector<8xf32>
    %reduce_sum3A_4 = vector.multi_reduction <add>, %slice3A, %reduce_sum3A [1] : vector<8x1280xf32> to vector<8xf32>
    %broadcast_in_dim3A = vector.shape_cast %reduce_sum3A_4 : vector<8xf32> to vector<8x1xf32>
    %slice3A_5 = vector.extract_strided_slice %exp3A {offsets = [0, 1280], sizes = [8, 1280], strides = [1, 1]} : vector<8x100000xf32> to vector<8x1280xf32>
    %reduce_sum3A_6 = arith.constant dense<0.000000e+00> : vector<8xf32>
    %reduce_sum3A_7 = vector.multi_reduction <add>, %slice3A_5, %reduce_sum3A_6 [1] : vector<8x1280xf32> to vector<8xf32>
    %broadcast_in_dim3A_8 = vector.shape_cast %reduce_sum3A_7 : vector<8xf32> to vector<8x1xf32>
    %slice3A_9 = vector.extract_strided_slice %exp3A {offsets = [0, 2560], sizes = [8, 1280], strides = [1, 1]} : vector<8x100000xf32> to vector<8x1280xf32>
    %reduce_sum3A_10 = arith.constant dense<0.000000e+00> : vector<8xf32>
    %reduce_sum3A_11 = vector.multi_reduction <add>, %slice3A_9, %reduce_sum3A_10 [1] : vector<8x1280xf32> to vector<8xf32>
    %broadcast_in_dim3A_12 = vector.shape_cast %reduce_sum3A_11 : vector<8xf32> to vector<8x1xf32>
    %slice3A_13 = vector.extract_strided_slice %exp3A {offsets = [0, 3840], sizes = [8, 1280], strides = [1, 1]} : vector<8x100000xf32> to vector<8x1280xf32>
    %reduce_sum3A_14 = arith.constant dense<0.000000e+00> : vector<8xf32>
    %reduce_sum3A_15 = vector.multi_reduction <add>, %slice3A_13, %reduce_sum3A_14 [1] : vector<8x1280xf32> to vector<8xf32>
    %broadcast_in_dim3A_16 = vector.shape_cast %reduce_sum3A_15 : vector<8xf32> to vector<8x1xf32>
    %slice3A_17 = vector.extract_strided_slice %exp3A {offsets = [0, 5120], sizes = [8, 1280], strides = [1, 1]} : vector<8x100000xf32> to vector<8x1280xf32>
    %reduce_sum3A_18 = arith.constant dense<0.000000e+00> : vector<8xf32>
    %reduce_sum3A_19 = vector.multi_reduction <add>, %slice3A_17, %reduce_sum3A_18 [1] : vector<8x1280xf32> to vector<8xf32>
    %broadcast_in_dim3A_20 = vector.shape_cast %reduce_sum3A_19 : vector<8xf32> to vector<8x1xf32>
    %slice3A_21 = vector.extract_strided_slice %exp3A {offsets = [0, 6400], sizes = [8, 1280], strides = [1, 1]} : vector<8x100000xf32> to vector<8x1280xf32>
    %reduce_sum3A_22 = arith.constant dense<0.000000e+00> : vector<8xf32>
    %reduce_sum3A_23 = vector.multi_reduction <add>, %slice3A_21, %reduce_sum3A_22 [1] : vector<8x1280xf32> to vector<8xf32>
    %broadcast_in_dim3A_24 = vector.shape_cast %reduce_sum3A_23 : vector<8xf32> to vector<8x1xf32>
    %slice3A_25 = vector.extract_strided_slice %exp3A {offsets = [0, 7680], sizes = [8, 1280], strides = [1, 1]} : vector<8x100000xf32> to vector<8x1280xf32>
    %reduce_sum3A_26 = arith.constant dense<0.000000e+00> : vector<8xf32>
    %reduce_sum3A_27 = vector.multi_reduction <add>, %slice3A_25, %reduce_sum3A_26 [1] : vector<8x1280xf32> to vector<8xf32>
    %broadcast_in_dim3A_28 = vector.shape_cast %reduce_sum3A_27 : vector<8xf32> to vector<8x1xf32>
    %slice3A_29 = vector.extract_strided_slice %exp3A {offsets = [0, 8960], sizes = [8, 1280], strides = [1, 1]} : vector<8x100000xf32> to vector<8x1280xf32>
    %reduce_sum3A_30 = arith.constant dense<0.000000e+00> : vector<8xf32>
    %reduce_sum3A_31 = vector.multi_reduction <add>, %slice3A_29, %reduce_sum3A_30 [1] : vector<8x1280xf32> to vector<8xf32>
    %broadcast_in_dim3A_32 = vector.shape_cast %reduce_sum3A_31 : vector<8xf32> to vector<8x1xf32>
    %slice3A_33 = vector.extract_strided_slice %exp3A {offsets = [0, 10240], sizes = [8, 1280], strides = [1, 1]} : vector<8x100000xf32> to vector<8x1280xf32>
    %reduce_sum3A_34 = arith.constant dense<0.000000e+00> : vector<8xf32>
    %reduce_sum3A_35 = vector.multi_reduction <add>, %slice3A_33, %reduce_sum3A_34 [1] : vector<8x1280xf32> to vector<8xf32>
    %broadcast_in_dim3A_36 = vector.shape_cast %reduce_sum3A_35 : vector<8xf32> to vector<8x1xf32>
    %slice3A_37 = vector.extract_strided_slice %exp3A {offsets = [0, 11520], sizes = [8, 1280], strides = [1, 1]} : vector<8x100000xf32> to vector<8x1280xf32>
    %reduce_sum3A_38 = arith.constant dense<0.000000e+00> : vector<8xf32>
    %reduce_sum3A_39 = vector.multi_reduction <add>, %slice3A_37, %reduce_sum3A_38 [1] : vector<8x1280xf32> to vector<8xf32>
    %broadcast_in_dim3A_40 = vector.shape_cast %reduce_sum3A_39 : vector<8xf32> to vector<8x1xf32>
    %slice3A_41 = vector.extract_strided_slice %exp3A {offsets = [0, 12800], sizes = [8, 1280], strides = [1, 1]} : vector<8x100000xf32> to vector<8x1280xf32>
    %reduce_sum3A_42 = arith.constant dense<0.000000e+00> : vector<8xf32>
    %reduce_sum3A_43 = vector.multi_reduction <add>, %slice3A_41, %reduce_sum3A_42 [1] : vector<8x1280xf32> to vector<8xf32>
    %broadcast_in_dim3A_44 = vector.shape_cast %reduce_sum3A_43 : vector<8xf32> to vector<8x1xf32>
    %slice3A_45 = vector.extract_strided_slice %exp3A {offsets = [0, 14080], sizes = [8, 1280], strides = [1, 1]} : vector<8x100000xf32> to vector<8x1280xf32>
    %reduce_sum3A_46 = arith.constant dense<0.000000e+00> : vector<8xf32>
    %reduce_sum3A_47 = vector.multi_reduction <add>, %slice3A_45, %reduce_sum3A_46 [1] : vector<8x1280xf32> to vector<8xf32>
    %broadcast_in_dim3A_48 = vector.shape_cast %reduce_sum3A_47 : vector<8xf32> to vector<8x1xf32>
    %slice3A_49 = vector.extract_strided_slice %exp3A {offsets = [0, 15360], sizes = [8, 1280], strides = [1, 1]} : vector<8x100000xf32> to vector<8x1280xf32>
    %reduce_sum3A_50 = arith.constant dense<0.000000e+00> : vector<8xf32>
    %reduce_sum3A_51 = vector.multi_reduction <add>, %slice3A_49, %reduce_sum3A_50 [1] : vector<8x1280xf32> to vector<8xf32>
    %broadcast_in_dim3A_52 = vector.shape_cast %reduce_sum3A_51 : vector<8xf32> to vector<8x1xf32>
    %slice3A_53 = vector.extract_strided_slice %exp3A {offsets = [0, 16640], sizes = [8, 1280], strides = [1, 1]} : vector<8x100000xf32> to vector<8x1280xf32>
    %reduce_sum3A_54 = arith.constant dense<0.000000e+00> : vector<8xf32>
    %reduce_sum3A_55 = vector.multi_reduction <add>, %slice3A_53, %reduce_sum3A_54 [1] : vector<8x1280xf32> to vector<8xf32>
    %broadcast_in_dim3A_56 = vector.shape_cast %reduce_sum3A_55 : vector<8xf32> to vector<8x1xf32>
    %slice3A_57 = vector.extract_strided_slice %exp3A {offsets = [0, 17920], sizes = [8, 1280], strides = [1, 1]} : vector<8x100000xf32> to vector<8x1280xf32>
    %reduce_sum3A_58 = arith.constant dense<0.000000e+00> : vector<8xf32>
    %reduce_sum3A_59 = vector.multi_reduction <add>, %slice3A_57, %reduce_sum3A_58 [1] : vector<8x1280xf32> to vector<8xf32>
    %broadcast_in_dim3A_60 = vector.shape_cast %reduce_sum3A_59 : vector<8xf32> to vector<8x1xf32>
    %slice3A_61 = vector.extract_strided_slice %exp3A {offsets = [0, 19200], sizes = [8, 1280], strides = [1, 1]} : vector<8x100000xf32> to vector<8x1280xf32>
    %reduce_sum3A_62 = arith.constant dense<0.000000e+00> : vector<8xf32>
    %reduce_sum3A_63 = vector.multi_reduction <add>, %slice3A_61, %reduce_sum3A_62 [1] : vector<8x1280xf32> to vector<8xf32>
    %broadcast_in_dim3A_64 = vector.shape_cast %reduce_sum3A_63 : vector<8xf32> to vector<8x1xf32>
    %slice3A_65 = vector.extract_strided_slice %exp3A {offsets = [0, 20480], sizes = [8, 1280], strides = [1, 1]} : vector<8x100000xf32> to vector<8x1280xf32>
    %reduce_sum3A_66 = arith.constant dense<0.000000e+00> : vector<8xf32>
    %reduce_sum3A_67 = vector.multi_reduction <add>, %slice3A_65, %reduce_sum3A_66 [1] : vector<8x1280xf32> to vector<8xf32>
    %broadcast_in_dim3A_68 = vector.shape_cast %reduce_sum3A_67 : vector<8xf32> to vector<8x1xf32>
    %slice3A_69 = vector.extract_strided_slice %exp3A {offsets = [0, 21760], sizes = [8, 1280], strides = [1, 1]} : vector<8x100000xf32> to vector<8x1280xf32>
    %reduce_sum3A_70 = arith.constant dense<0.000000e+00> : vector<8xf32>
    %reduce_sum3A_71 = vector.multi_reduction <add>, %slice3A_69, %reduce_sum3A_70 [1] : vector<8x1280xf32> to vector<8xf32>
    %broadcast_in_dim3A_72 = vector.shape_cast %reduce_sum3A_71 : vector<8xf32> to vector<8x1xf32>
    %slice3A_73 = vector.extract_strided_slice %exp3A {offsets = [0, 23040], sizes = [8, 1280], strides = [1, 1]} : vector<8x100000xf32> to vector<8x1280xf32>
    %reduce_sum3A_74 = arith.constant dense<0.000000e+00> : vector<8xf32>
    %reduce_sum3A_75 = vector.multi_reduction <add>, %slice3A_73, %reduce_sum3A_74 [1] : vector<8x1280xf32> to vector<8xf32>
    %broadcast_in_dim3A_76 = vector.shape_cast %reduce_sum3A_75 : vector<8xf32> to vector<8x1xf32>
    %slice3A_77 = vector.extract_strided_slice %exp3A {offsets = [0, 24320], sizes = [8, 1280], strides = [1, 1]} : vector<8x100000xf32> to vector<8x1280xf32>
    %reduce_sum3A_78 = arith.constant dense<0.000000e+00> : vector<8xf32>
    %reduce_sum3A_79 = vector.multi_reduction <add>, %slice3A_77, %reduce_sum3A_78 [1] : vector<8x1280xf32> to vector<8xf32>
    %broadcast_in_dim3A_80 = vector.shape_cast %reduce_sum3A_79 : vector<8xf32> to vector<8x1xf32>
    %slice3A_81 = vector.extract_strided_slice %exp3A {offsets = [0, 25600], sizes = [8, 1280], strides = [1, 1]} : vector<8x100000xf32> to vector<8x1280xf32>
    %reduce_sum3A_82 = arith.constant dense<0.000000e+00> : vector<8xf32>
    %reduce_sum3A_83 = vector.multi_reduction <add>, %slice3A_81, %reduce_sum3A_82 [1] : vector<8x1280xf32> to vector<8xf32>
    %broadcast_in_dim3A_84 = vector.shape_cast %reduce_sum3A_83 : vector<8xf32> to vector<8x1xf32>
    %slice3A_85 = vector.extract_strided_slice %exp3A {offsets = [0, 26880], sizes = [8, 1280], strides = [1, 1]} : vector<8x100000xf32> to vector<8x1280xf32>
    %reduce_sum3A_86 = arith.constant dense<0.000000e+00> : vector<8xf32>
    %reduce_sum3A_87 = vector.multi_reduction <add>, %slice3A_85, %reduce_sum3A_86 [1] : vector<8x1280xf32> to vector<8xf32>
    %broadcast_in_dim3A_88 = vector.shape_cast %reduce_sum3A_87 : vector<8xf32> to vector<8x1xf32>
    %slice3A_89 = vector.extract_strided_slice %exp3A {offsets = [0, 28160], sizes = [8, 1280], strides = [1, 1]} : vector<8x100000xf32> to vector<8x1280xf32>
    %reduce_sum3A_90 = arith.constant dense<0.000000e+00> : vector<8xf32>
    %reduce_sum3A_91 = vector.multi_reduction <add>, %slice3A_89, %reduce_sum3A_90 [1] : vector<8x1280xf32> to vector<8xf32>
    %broadcast_in_dim3A_92 = vector.shape_cast %reduce_sum3A_91 : vector<8xf32> to vector<8x1xf32>
    %slice3A_93 = vector.extract_strided_slice %exp3A {offsets = [0, 29440], sizes = [8, 1280], strides = [1, 1]} : vector<8x100000xf32> to vector<8x1280xf32>
    %reduce_sum3A_94 = arith.constant dense<0.000000e+00> : vector<8xf32>
    %reduce_sum3A_95 = vector.multi_reduction <add>, %slice3A_93, %reduce_sum3A_94 [1] : vector<8x1280xf32> to vector<8xf32>
    %broadcast_in_dim3A_96 = vector.shape_cast %reduce_sum3A_95 : vector<8xf32> to vector<8x1xf32>
    %slice3A_97 = vector.extract_strided_slice %exp3A {offsets = [0, 30720], sizes = [8, 1280], strides = [1, 1]} : vector<8x100000xf32> to vector<8x1280xf32>
    %reduce_sum3A_98 = arith.constant dense<0.000000e+00> : vector<8xf32>
    %reduce_sum3A_99 = vector.multi_reduction <add>, %slice3A_97, %reduce_sum3A_98 [1] : vector<8x1280xf32> to vector<8xf32>
    %broadcast_in_dim3A_100 = vector.shape_cast %reduce_sum3A_99 : vector<8xf32> to vector<8x1xf32>
    %slice3A_101 = vector.extract_strided_slice %exp3A {offsets = [0, 32000], sizes = [8, 1280], strides = [1, 1]} : vector<8x100000xf32> to vector<8x1280xf32>
    %reduce_sum3A_102 = arith.constant dense<0.000000e+00> : vector<8xf32>
    %reduce_sum3A_103 = vector.multi_reduction <add>, %slice3A_101, %reduce_sum3A_102 [1] : vector<8x1280xf32> to vector<8xf32>
    %broadcast_in_dim3A_104 = vector.shape_cast %reduce_sum3A_103 : vector<8xf32> to vector<8x1xf32>
    %slice3A_105 = vector.extract_strided_slice %exp3A {offsets = [0, 33280], sizes = [8, 1280], strides = [1, 1]} : vector<8x100000xf32> to vector<8x1280xf32>
    %reduce_sum3A_106 = arith.constant dense<0.000000e+00> : vector<8xf32>
    %reduce_sum3A_107 = vector.multi_reduction <add>, %slice3A_105, %reduce_sum3A_106 [1] : vector<8x1280xf32> to vector<8xf32>
    %broadcast_in_dim3A_108 = vector.shape_cast %reduce_sum3A_107 : vector<8xf32> to vector<8x1xf32>
    %slice3A_109 = vector.extract_strided_slice %exp3A {offsets = [0, 34560], sizes = [8, 1280], strides = [1, 1]} : vector<8x100000xf32> to vector<8x1280xf32>
    %reduce_sum3A_110 = arith.constant dense<0.000000e+00> : vector<8xf32>
    %reduce_sum3A_111 = vector.multi_reduction <add>, %slice3A_109, %reduce_sum3A_110 [1] : vector<8x1280xf32> to vector<8xf32>
    %broadcast_in_dim3A_112 = vector.shape_cast %reduce_sum3A_111 : vector<8xf32> to vector<8x1xf32>
    %slice3A_113 = vector.extract_strided_slice %exp3A {offsets = [0, 35840], sizes = [8, 1280], strides = [1, 1]} : vector<8x100000xf32> to vector<8x1280xf32>
    %reduce_sum3A_114 = arith.constant dense<0.000000e+00> : vector<8xf32>
    %reduce_sum3A_115 = vector.multi_reduction <add>, %slice3A_113, %reduce_sum3A_114 [1] : vector<8x1280xf32> to vector<8xf32>
    %broadcast_in_dim3A_116 = vector.shape_cast %reduce_sum3A_115 : vector<8xf32> to vector<8x1xf32>
    %slice3A_117 = vector.extract_strided_slice %exp3A {offsets = [0, 37120], sizes = [8, 1280], strides = [1, 1]} : vector<8x100000xf32> to vector<8x1280xf32>
    %reduce_sum3A_118 = arith.constant dense<0.000000e+00> : vector<8xf32>
    %reduce_sum3A_119 = vector.multi_reduction <add>, %slice3A_117, %reduce_sum3A_118 [1] : vector<8x1280xf32> to vector<8xf32>
    %broadcast_in_dim3A_120 = vector.shape_cast %reduce_sum3A_119 : vector<8xf32> to vector<8x1xf32>
    %slice3A_121 = vector.extract_strided_slice %exp3A {offsets = [0, 38400], sizes = [8, 1280], strides = [1, 1]} : vector<8x100000xf32> to vector<8x1280xf32>
    %reduce_sum3A_122 = arith.constant dense<0.000000e+00> : vector<8xf32>
    %reduce_sum3A_123 = vector.multi_reduction <add>, %slice3A_121, %reduce_sum3A_122 [1] : vector<8x1280xf32> to vector<8xf32>
    %broadcast_in_dim3A_124 = vector.shape_cast %reduce_sum3A_123 : vector<8xf32> to vector<8x1xf32>
    %slice3A_125 = vector.extract_strided_slice %exp3A {offsets = [0, 39680], sizes = [8, 1280], strides = [1, 1]} : vector<8x100000xf32> to vector<8x1280xf32>
    %reduce_sum3A_126 = arith.constant dense<0.000000e+00> : vector<8xf32>
    %reduce_sum3A_127 = vector.multi_reduction <add>, %slice3A_125, %reduce_sum3A_126 [1] : vector<8x1280xf32> to vector<8xf32>
    %broadcast_in_dim3A_128 = vector.shape_cast %reduce_sum3A_127 : vector<8xf32> to vector<8x1xf32>
    %slice3A_129 = vector.extract_strided_slice %exp3A {offsets = [0, 40960], sizes = [8, 1280], strides = [1, 1]} : vector<8x100000xf32> to vector<8x1280xf32>
    %reduce_sum3A_130 = arith.constant dense<0.000000e+00> : vector<8xf32>
    %reduce_sum3A_131 = vector.multi_reduction <add>, %slice3A_129, %reduce_sum3A_130 [1] : vector<8x1280xf32> to vector<8xf32>
    %broadcast_in_dim3A_132 = vector.shape_cast %reduce_sum3A_131 : vector<8xf32> to vector<8x1xf32>
    %slice3A_133 = vector.extract_strided_slice %exp3A {offsets = [0, 42240], sizes = [8, 1280], strides = [1, 1]} : vector<8x100000xf32> to vector<8x1280xf32>
    %reduce_sum3A_134 = arith.constant dense<0.000000e+00> : vector<8xf32>
    %reduce_sum3A_135 = vector.multi_reduction <add>, %slice3A_133, %reduce_sum3A_134 [1] : vector<8x1280xf32> to vector<8xf32>
    %broadcast_in_dim3A_136 = vector.shape_cast %reduce_sum3A_135 : vector<8xf32> to vector<8x1xf32>
    %slice3A_137 = vector.extract_strided_slice %exp3A {offsets = [0, 43520], sizes = [8, 1280], strides = [1, 1]} : vector<8x100000xf32> to vector<8x1280xf32>
    %reduce_sum3A_138 = arith.constant dense<0.000000e+00> : vector<8xf32>
    %reduce_sum3A_139 = vector.multi_reduction <add>, %slice3A_137, %reduce_sum3A_138 [1] : vector<8x1280xf32> to vector<8xf32>
    %broadcast_in_dim3A_140 = vector.shape_cast %reduce_sum3A_139 : vector<8xf32> to vector<8x1xf32>
    %slice3A_141 = vector.extract_strided_slice %exp3A {offsets = [0, 44800], sizes = [8, 1280], strides = [1, 1]} : vector<8x100000xf32> to vector<8x1280xf32>
    %reduce_sum3A_142 = arith.constant dense<0.000000e+00> : vector<8xf32>
    %reduce_sum3A_143 = vector.multi_reduction <add>, %slice3A_141, %reduce_sum3A_142 [1] : vector<8x1280xf32> to vector<8xf32>
    %broadcast_in_dim3A_144 = vector.shape_cast %reduce_sum3A_143 : vector<8xf32> to vector<8x1xf32>
    %slice3A_145 = vector.extract_strided_slice %exp3A {offsets = [0, 46080], sizes = [8, 1280], strides = [1, 1]} : vector<8x100000xf32> to vector<8x1280xf32>
    %reduce_sum3A_146 = arith.constant dense<0.000000e+00> : vector<8xf32>
    %reduce_sum3A_147 = vector.multi_reduction <add>, %slice3A_145, %reduce_sum3A_146 [1] : vector<8x1280xf32> to vector<8xf32>
    %broadcast_in_dim3A_148 = vector.shape_cast %reduce_sum3A_147 : vector<8xf32> to vector<8x1xf32>
    %slice3A_149 = vector.extract_strided_slice %exp3A {offsets = [0, 47360], sizes = [8, 1280], strides = [1, 1]} : vector<8x100000xf32> to vector<8x1280xf32>
    %reduce_sum3A_150 = arith.constant dense<0.000000e+00> : vector<8xf32>
    %reduce_sum3A_151 = vector.multi_reduction <add>, %slice3A_149, %reduce_sum3A_150 [1] : vector<8x1280xf32> to vector<8xf32>
    %broadcast_in_dim3A_152 = vector.shape_cast %reduce_sum3A_151 : vector<8xf32> to vector<8x1xf32>
    %slice3A_153 = vector.extract_strided_slice %exp3A {offsets = [0, 48640], sizes = [8, 1280], strides = [1, 1]} : vector<8x100000xf32> to vector<8x1280xf32>
    %reduce_sum3A_154 = arith.constant dense<0.000000e+00> : vector<8xf32>
    %reduce_sum3A_155 = vector.multi_reduction <add>, %slice3A_153, %reduce_sum3A_154 [1] : vector<8x1280xf32> to vector<8xf32>
    %broadcast_in_dim3A_156 = vector.shape_cast %reduce_sum3A_155 : vector<8xf32> to vector<8x1xf32>
    %slice3A_157 = vector.extract_strided_slice %exp3A {offsets = [0, 49920], sizes = [8, 1280], strides = [1, 1]} : vector<8x100000xf32> to vector<8x1280xf32>
    %reduce_sum3A_158 = arith.constant dense<0.000000e+00> : vector<8xf32>
    %reduce_sum3A_159 = vector.multi_reduction <add>, %slice3A_157, %reduce_sum3A_158 [1] : vector<8x1280xf32> to vector<8xf32>
    %broadcast_in_dim3A_160 = vector.shape_cast %reduce_sum3A_159 : vector<8xf32> to vector<8x1xf32>
    %slice3A_161 = vector.extract_strided_slice %exp3A {offsets = [0, 51200], sizes = [8, 1280], strides = [1, 1]} : vector<8x100000xf32> to vector<8x1280xf32>
    %reduce_sum3A_162 = arith.constant dense<0.000000e+00> : vector<8xf32>
    %reduce_sum3A_163 = vector.multi_reduction <add>, %slice3A_161, %reduce_sum3A_162 [1] : vector<8x1280xf32> to vector<8xf32>
    %broadcast_in_dim3A_164 = vector.shape_cast %reduce_sum3A_163 : vector<8xf32> to vector<8x1xf32>
    %slice3A_165 = vector.extract_strided_slice %exp3A {offsets = [0, 52480], sizes = [8, 1280], strides = [1, 1]} : vector<8x100000xf32> to vector<8x1280xf32>
    %reduce_sum3A_166 = arith.constant dense<0.000000e+00> : vector<8xf32>
    %reduce_sum3A_167 = vector.multi_reduction <add>, %slice3A_165, %reduce_sum3A_166 [1] : vector<8x1280xf32> to vector<8xf32>
    %broadcast_in_dim3A_168 = vector.shape_cast %reduce_sum3A_167 : vector<8xf32> to vector<8x1xf32>
    %slice3A_169 = vector.extract_strided_slice %exp3A {offsets = [0, 53760], sizes = [8, 1280], strides = [1, 1]} : vector<8x100000xf32> to vector<8x1280xf32>
    %reduce_sum3A_170 = arith.constant dense<0.000000e+00> : vector<8xf32>
    %reduce_sum3A_171 = vector.multi_reduction <add>, %slice3A_169, %reduce_sum3A_170 [1] : vector<8x1280xf32> to vector<8xf32>
    %broadcast_in_dim3A_172 = vector.shape_cast %reduce_sum3A_171 : vector<8xf32> to vector<8x1xf32>
    %slice3A_173 = vector.extract_strided_slice %exp3A {offsets = [0, 55040], sizes = [8, 1280], strides = [1, 1]} : vector<8x100000xf32> to vector<8x1280xf32>
    %reduce_sum3A_174 = arith.constant dense<0.000000e+00> : vector<8xf32>
    %reduce_sum3A_175 = vector.multi_reduction <add>, %slice3A_173, %reduce_sum3A_174 [1] : vector<8x1280xf32> to vector<8xf32>
    %broadcast_in_dim3A_176 = vector.shape_cast %reduce_sum3A_175 : vector<8xf32> to vector<8x1xf32>
    %slice3A_177 = vector.extract_strided_slice %exp3A {offsets = [0, 56320], sizes = [8, 1280], strides = [1, 1]} : vector<8x100000xf32> to vector<8x1280xf32>
    %reduce_sum3A_178 = arith.constant dense<0.000000e+00> : vector<8xf32>
    %reduce_sum3A_179 = vector.multi_reduction <add>, %slice3A_177, %reduce_sum3A_178 [1] : vector<8x1280xf32> to vector<8xf32>
    %broadcast_in_dim3A_180 = vector.shape_cast %reduce_sum3A_179 : vector<8xf32> to vector<8x1xf32>
    %slice3A_181 = vector.extract_strided_slice %exp3A {offsets = [0, 57600], sizes = [8, 1280], strides = [1, 1]} : vector<8x100000xf32> to vector<8x1280xf32>
    %reduce_sum3A_182 = arith.constant dense<0.000000e+00> : vector<8xf32>
    %reduce_sum3A_183 = vector.multi_reduction <add>, %slice3A_181, %reduce_sum3A_182 [1] : vector<8x1280xf32> to vector<8xf32>
    %broadcast_in_dim3A_184 = vector.shape_cast %reduce_sum3A_183 : vector<8xf32> to vector<8x1xf32>
    %slice3A_185 = vector.extract_strided_slice %exp3A {offsets = [0, 58880], sizes = [8, 1280], strides = [1, 1]} : vector<8x100000xf32> to vector<8x1280xf32>
    %reduce_sum3A_186 = arith.constant dense<0.000000e+00> : vector<8xf32>
    %reduce_sum3A_187 = vector.multi_reduction <add>, %slice3A_185, %reduce_sum3A_186 [1] : vector<8x1280xf32> to vector<8xf32>
    %broadcast_in_dim3A_188 = vector.shape_cast %reduce_sum3A_187 : vector<8xf32> to vector<8x1xf32>
    %slice3A_189 = vector.extract_strided_slice %exp3A {offsets = [0, 60160], sizes = [8, 1280], strides = [1, 1]} : vector<8x100000xf32> to vector<8x1280xf32>
    %reduce_sum3A_190 = arith.constant dense<0.000000e+00> : vector<8xf32>
    %reduce_sum3A_191 = vector.multi_reduction <add>, %slice3A_189, %reduce_sum3A_190 [1] : vector<8x1280xf32> to vector<8xf32>
    %broadcast_in_dim3A_192 = vector.shape_cast %reduce_sum3A_191 : vector<8xf32> to vector<8x1xf32>
    %slice3A_193 = vector.extract_strided_slice %exp3A {offsets = [0, 61440], sizes = [8, 1280], strides = [1, 1]} : vector<8x100000xf32> to vector<8x1280xf32>
    %reduce_sum3A_194 = arith.constant dense<0.000000e+00> : vector<8xf32>
    %reduce_sum3A_195 = vector.multi_reduction <add>, %slice3A_193, %reduce_sum3A_194 [1] : vector<8x1280xf32> to vector<8xf32>
    %broadcast_in_dim3A_196 = vector.shape_cast %reduce_sum3A_195 : vector<8xf32> to vector<8x1xf32>
    %slice3A_197 = vector.extract_strided_slice %exp3A {offsets = [0, 62720], sizes = [8, 1280], strides = [1, 1]} : vector<8x100000xf32> to vector<8x1280xf32>
    %reduce_sum3A_198 = arith.constant dense<0.000000e+00> : vector<8xf32>
    %reduce_sum3A_199 = vector.multi_reduction <add>, %slice3A_197, %reduce_sum3A_198 [1] : vector<8x1280xf32> to vector<8xf32>
    %broadcast_in_dim3A_200 = vector.shape_cast %reduce_sum3A_199 : vector<8xf32> to vector<8x1xf32>
    %slice3A_201 = vector.extract_strided_slice %exp3A {offsets = [0, 64000], sizes = [8, 1280], strides = [1, 1]} : vector<8x100000xf32> to vector<8x1280xf32>
    %reduce_sum3A_202 = arith.constant dense<0.000000e+00> : vector<8xf32>
    %reduce_sum3A_203 = vector.multi_reduction <add>, %slice3A_201, %reduce_sum3A_202 [1] : vector<8x1280xf32> to vector<8xf32>
    %broadcast_in_dim3A_204 = vector.shape_cast %reduce_sum3A_203 : vector<8xf32> to vector<8x1xf32>
    %slice3A_205 = vector.extract_strided_slice %exp3A {offsets = [0, 65280], sizes = [8, 1280], strides = [1, 1]} : vector<8x100000xf32> to vector<8x1280xf32>
    %reduce_sum3A_206 = arith.constant dense<0.000000e+00> : vector<8xf32>
    %reduce_sum3A_207 = vector.multi_reduction <add>, %slice3A_205, %reduce_sum3A_206 [1] : vector<8x1280xf32> to vector<8xf32>
    %broadcast_in_dim3A_208 = vector.shape_cast %reduce_sum3A_207 : vector<8xf32> to vector<8x1xf32>
    %slice3A_209 = vector.extract_strided_slice %exp3A {offsets = [0, 66560], sizes = [8, 1280], strides = [1, 1]} : vector<8x100000xf32> to vector<8x1280xf32>
    %reduce_sum3A_210 = arith.constant dense<0.000000e+00> : vector<8xf32>
    %reduce_sum3A_211 = vector.multi_reduction <add>, %slice3A_209, %reduce_sum3A_210 [1] : vector<8x1280xf32> to vector<8xf32>
    %broadcast_in_dim3A_212 = vector.shape_cast %reduce_sum3A_211 : vector<8xf32> to vector<8x1xf32>
    %slice3A_213 = vector.extract_strided_slice %exp3A {offsets = [0, 67840], sizes = [8, 1280], strides = [1, 1]} : vector<8x100000xf32> to vector<8x1280xf32>
    %reduce_sum3A_214 = arith.constant dense<0.000000e+00> : vector<8xf32>
    %reduce_sum3A_215 = vector.multi_reduction <add>, %slice3A_213, %reduce_sum3A_214 [1] : vector<8x1280xf32> to vector<8xf32>
    %broadcast_in_dim3A_216 = vector.shape_cast %reduce_sum3A_215 : vector<8xf32> to vector<8x1xf32>
    %slice3A_217 = vector.extract_strided_slice %exp3A {offsets = [0, 69120], sizes = [8, 1280], strides = [1, 1]} : vector<8x100000xf32> to vector<8x1280xf32>
    %reduce_sum3A_218 = arith.constant dense<0.000000e+00> : vector<8xf32>
    %reduce_sum3A_219 = vector.multi_reduction <add>, %slice3A_217, %reduce_sum3A_218 [1] : vector<8x1280xf32> to vector<8xf32>
    %broadcast_in_dim3A_220 = vector.shape_cast %reduce_sum3A_219 : vector<8xf32> to vector<8x1xf32>
    %slice3A_221 = vector.extract_strided_slice %exp3A {offsets = [0, 70400], sizes = [8, 1280], strides = [1, 1]} : vector<8x100000xf32> to vector<8x1280xf32>
    %reduce_sum3A_222 = arith.constant dense<0.000000e+00> : vector<8xf32>
    %reduce_sum3A_223 = vector.multi_reduction <add>, %slice3A_221, %reduce_sum3A_222 [1] : vector<8x1280xf32> to vector<8xf32>
    %broadcast_in_dim3A_224 = vector.shape_cast %reduce_sum3A_223 : vector<8xf32> to vector<8x1xf32>
    %slice3A_225 = vector.extract_strided_slice %exp3A {offsets = [0, 71680], sizes = [8, 1280], strides = [1, 1]} : vector<8x100000xf32> to vector<8x1280xf32>
    %reduce_sum3A_226 = arith.constant dense<0.000000e+00> : vector<8xf32>
    %reduce_sum3A_227 = vector.multi_reduction <add>, %slice3A_225, %reduce_sum3A_226 [1] : vector<8x1280xf32> to vector<8xf32>
    %broadcast_in_dim3A_228 = vector.shape_cast %reduce_sum3A_227 : vector<8xf32> to vector<8x1xf32>
    %slice3A_229 = vector.extract_strided_slice %exp3A {offsets = [0, 72960], sizes = [8, 1280], strides = [1, 1]} : vector<8x100000xf32> to vector<8x1280xf32>
    %reduce_sum3A_230 = arith.constant dense<0.000000e+00> : vector<8xf32>
    %reduce_sum3A_231 = vector.multi_reduction <add>, %slice3A_229, %reduce_sum3A_230 [1] : vector<8x1280xf32> to vector<8xf32>
    %broadcast_in_dim3A_232 = vector.shape_cast %reduce_sum3A_231 : vector<8xf32> to vector<8x1xf32>
    %slice3A_233 = vector.extract_strided_slice %exp3A {offsets = [0, 74240], sizes = [8, 1280], strides = [1, 1]} : vector<8x100000xf32> to vector<8x1280xf32>
    %reduce_sum3A_234 = arith.constant dense<0.000000e+00> : vector<8xf32>
    %reduce_sum3A_235 = vector.multi_reduction <add>, %slice3A_233, %reduce_sum3A_234 [1] : vector<8x1280xf32> to vector<8xf32>
    %broadcast_in_dim3A_236 = vector.shape_cast %reduce_sum3A_235 : vector<8xf32> to vector<8x1xf32>
    %slice3A_237 = vector.extract_strided_slice %exp3A {offsets = [0, 75520], sizes = [8, 1280], strides = [1, 1]} : vector<8x100000xf32> to vector<8x1280xf32>
    %reduce_sum3A_238 = arith.constant dense<0.000000e+00> : vector<8xf32>
    %reduce_sum3A_239 = vector.multi_reduction <add>, %slice3A_237, %reduce_sum3A_238 [1] : vector<8x1280xf32> to vector<8xf32>
    %broadcast_in_dim3A_240 = vector.shape_cast %reduce_sum3A_239 : vector<8xf32> to vector<8x1xf32>
    %slice3A_241 = vector.extract_strided_slice %exp3A {offsets = [0, 76800], sizes = [8, 1280], strides = [1, 1]} : vector<8x100000xf32> to vector<8x1280xf32>
    %reduce_sum3A_242 = arith.constant dense<0.000000e+00> : vector<8xf32>
    %reduce_sum3A_243 = vector.multi_reduction <add>, %slice3A_241, %reduce_sum3A_242 [1] : vector<8x1280xf32> to vector<8xf32>
    %broadcast_in_dim3A_244 = vector.shape_cast %reduce_sum3A_243 : vector<8xf32> to vector<8x1xf32>
    %slice3A_245 = vector.extract_strided_slice %exp3A {offsets = [0, 78080], sizes = [8, 1280], strides = [1, 1]} : vector<8x100000xf32> to vector<8x1280xf32>
    %reduce_sum3A_246 = arith.constant dense<0.000000e+00> : vector<8xf32>
    %reduce_sum3A_247 = vector.multi_reduction <add>, %slice3A_245, %reduce_sum3A_246 [1] : vector<8x1280xf32> to vector<8xf32>
    %broadcast_in_dim3A_248 = vector.shape_cast %reduce_sum3A_247 : vector<8xf32> to vector<8x1xf32>
    %slice3A_249 = vector.extract_strided_slice %exp3A {offsets = [0, 79360], sizes = [8, 1280], strides = [1, 1]} : vector<8x100000xf32> to vector<8x1280xf32>
    %reduce_sum3A_250 = arith.constant dense<0.000000e+00> : vector<8xf32>
    %reduce_sum3A_251 = vector.multi_reduction <add>, %slice3A_249, %reduce_sum3A_250 [1] : vector<8x1280xf32> to vector<8xf32>
    %broadcast_in_dim3A_252 = vector.shape_cast %reduce_sum3A_251 : vector<8xf32> to vector<8x1xf32>
    %slice3A_253 = vector.extract_strided_slice %exp3A {offsets = [0, 80640], sizes = [8, 1280], strides = [1, 1]} : vector<8x100000xf32> to vector<8x1280xf32>
    %reduce_sum3A_254 = arith.constant dense<0.000000e+00> : vector<8xf32>
    %reduce_sum3A_255 = vector.multi_reduction <add>, %slice3A_253, %reduce_sum3A_254 [1] : vector<8x1280xf32> to vector<8xf32>
    %broadcast_in_dim3A_256 = vector.shape_cast %reduce_sum3A_255 : vector<8xf32> to vector<8x1xf32>
    %slice3A_257 = vector.extract_strided_slice %exp3A {offsets = [0, 81920], sizes = [8, 1280], strides = [1, 1]} : vector<8x100000xf32> to vector<8x1280xf32>
    %reduce_sum3A_258 = arith.constant dense<0.000000e+00> : vector<8xf32>
    %reduce_sum3A_259 = vector.multi_reduction <add>, %slice3A_257, %reduce_sum3A_258 [1] : vector<8x1280xf32> to vector<8xf32>
    %broadcast_in_dim3A_260 = vector.shape_cast %reduce_sum3A_259 : vector<8xf32> to vector<8x1xf32>
    %slice3A_261 = vector.extract_strided_slice %exp3A {offsets = [0, 83200], sizes = [8, 1280], strides = [1, 1]} : vector<8x100000xf32> to vector<8x1280xf32>
    %reduce_sum3A_262 = arith.constant dense<0.000000e+00> : vector<8xf32>
    %reduce_sum3A_263 = vector.multi_reduction <add>, %slice3A_261, %reduce_sum3A_262 [1] : vector<8x1280xf32> to vector<8xf32>
    %broadcast_in_dim3A_264 = vector.shape_cast %reduce_sum3A_263 : vector<8xf32> to vector<8x1xf32>
    %slice3A_265 = vector.extract_strided_slice %exp3A {offsets = [0, 84480], sizes = [8, 1280], strides = [1, 1]} : vector<8x100000xf32> to vector<8x1280xf32>
    %reduce_sum3A_266 = arith.constant dense<0.000000e+00> : vector<8xf32>
    %reduce_sum3A_267 = vector.multi_reduction <add>, %slice3A_265, %reduce_sum3A_266 [1] : vector<8x1280xf32> to vector<8xf32>
    %broadcast_in_dim3A_268 = vector.shape_cast %reduce_sum3A_267 : vector<8xf32> to vector<8x1xf32>
    %slice3A_269 = vector.extract_strided_slice %exp3A {offsets = [0, 85760], sizes = [8, 1280], strides = [1, 1]} : vector<8x100000xf32> to vector<8x1280xf32>
    %reduce_sum3A_270 = arith.constant dense<0.000000e+00> : vector<8xf32>
    %reduce_sum3A_271 = vector.multi_reduction <add>, %slice3A_269, %reduce_sum3A_270 [1] : vector<8x1280xf32> to vector<8xf32>
    %broadcast_in_dim3A_272 = vector.shape_cast %reduce_sum3A_271 : vector<8xf32> to vector<8x1xf32>
    %slice3A_273 = vector.extract_strided_slice %exp3A {offsets = [0, 87040], sizes = [8, 1280], strides = [1, 1]} : vector<8x100000xf32> to vector<8x1280xf32>
    %reduce_sum3A_274 = arith.constant dense<0.000000e+00> : vector<8xf32>
    %reduce_sum3A_275 = vector.multi_reduction <add>, %slice3A_273, %reduce_sum3A_274 [1] : vector<8x1280xf32> to vector<8xf32>
    %broadcast_in_dim3A_276 = vector.shape_cast %reduce_sum3A_275 : vector<8xf32> to vector<8x1xf32>
    %slice3A_277 = vector.extract_strided_slice %exp3A {offsets = [0, 88320], sizes = [8, 1280], strides = [1, 1]} : vector<8x100000xf32> to vector<8x1280xf32>
    %reduce_sum3A_278 = arith.constant dense<0.000000e+00> : vector<8xf32>
    %reduce_sum3A_279 = vector.multi_reduction <add>, %slice3A_277, %reduce_sum3A_278 [1] : vector<8x1280xf32> to vector<8xf32>
    %broadcast_in_dim3A_280 = vector.shape_cast %reduce_sum3A_279 : vector<8xf32> to vector<8x1xf32>
    %slice3A_281 = vector.extract_strided_slice %exp3A {offsets = [0, 89600], sizes = [8, 1280], strides = [1, 1]} : vector<8x100000xf32> to vector<8x1280xf32>
    %reduce_sum3A_282 = arith.constant dense<0.000000e+00> : vector<8xf32>
    %reduce_sum3A_283 = vector.multi_reduction <add>, %slice3A_281, %reduce_sum3A_282 [1] : vector<8x1280xf32> to vector<8xf32>
    %broadcast_in_dim3A_284 = vector.shape_cast %reduce_sum3A_283 : vector<8xf32> to vector<8x1xf32>
    %slice3A_285 = vector.extract_strided_slice %exp3A {offsets = [0, 90880], sizes = [8, 1280], strides = [1, 1]} : vector<8x100000xf32> to vector<8x1280xf32>
    %reduce_sum3A_286 = arith.constant dense<0.000000e+00> : vector<8xf32>
    %reduce_sum3A_287 = vector.multi_reduction <add>, %slice3A_285, %reduce_sum3A_286 [1] : vector<8x1280xf32> to vector<8xf32>
    %broadcast_in_dim3A_288 = vector.shape_cast %reduce_sum3A_287 : vector<8xf32> to vector<8x1xf32>
    %slice3A_289 = vector.extract_strided_slice %exp3A {offsets = [0, 92160], sizes = [8, 1280], strides = [1, 1]} : vector<8x100000xf32> to vector<8x1280xf32>
    %reduce_sum3A_290 = arith.constant dense<0.000000e+00> : vector<8xf32>
    %reduce_sum3A_291 = vector.multi_reduction <add>, %slice3A_289, %reduce_sum3A_290 [1] : vector<8x1280xf32> to vector<8xf32>
    %broadcast_in_dim3A_292 = vector.shape_cast %reduce_sum3A_291 : vector<8xf32> to vector<8x1xf32>
    %slice3A_293 = vector.extract_strided_slice %exp3A {offsets = [0, 93440], sizes = [8, 1280], strides = [1, 1]} : vector<8x100000xf32> to vector<8x1280xf32>
    %reduce_sum3A_294 = arith.constant dense<0.000000e+00> : vector<8xf32>
    %reduce_sum3A_295 = vector.multi_reduction <add>, %slice3A_293, %reduce_sum3A_294 [1] : vector<8x1280xf32> to vector<8xf32>
    %broadcast_in_dim3A_296 = vector.shape_cast %reduce_sum3A_295 : vector<8xf32> to vector<8x1xf32>
    %slice3A_297 = vector.extract_strided_slice %exp3A {offsets = [0, 94720], sizes = [8, 1280], strides = [1, 1]} : vector<8x100000xf32> to vector<8x1280xf32>
    %reduce_sum3A_298 = arith.constant dense<0.000000e+00> : vector<8xf32>
    %reduce_sum3A_299 = vector.multi_reduction <add>, %slice3A_297, %reduce_sum3A_298 [1] : vector<8x1280xf32> to vector<8xf32>
    %broadcast_in_dim3A_300 = vector.shape_cast %reduce_sum3A_299 : vector<8xf32> to vector<8x1xf32>
    %slice3A_301 = vector.extract_strided_slice %exp3A {offsets = [0, 96000], sizes = [8, 1280], strides = [1, 1]} : vector<8x100000xf32> to vector<8x1280xf32>
    %reduce_sum3A_302 = arith.constant dense<0.000000e+00> : vector<8xf32>
    %reduce_sum3A_303 = vector.multi_reduction <add>, %slice3A_301, %reduce_sum3A_302 [1] : vector<8x1280xf32> to vector<8xf32>
    %broadcast_in_dim3A_304 = vector.shape_cast %reduce_sum3A_303 : vector<8xf32> to vector<8x1xf32>
    %slice3A_305 = vector.extract_strided_slice %exp3A {offsets = [0, 97280], sizes = [8, 1280], strides = [1, 1]} : vector<8x100000xf32> to vector<8x1280xf32>
    %reduce_sum3A_306 = arith.constant dense<0.000000e+00> : vector<8xf32>
    %reduce_sum3A_307 = vector.multi_reduction <add>, %slice3A_305, %reduce_sum3A_306 [1] : vector<8x1280xf32> to vector<8xf32>
    %broadcast_in_dim3A_308 = vector.shape_cast %reduce_sum3A_307 : vector<8xf32> to vector<8x1xf32>
    %slice3A_309 = vector.extract_strided_slice %exp3A {offsets = [0, 98560], sizes = [8, 1280], strides = [1, 1]} : vector<8x100000xf32> to vector<8x1280xf32>
    %reduce_sum3A_310 = arith.constant dense<0.000000e+00> : vector<8xf32>
    %reduce_sum3A_311 = vector.multi_reduction <add>, %slice3A_309, %reduce_sum3A_310 [1] : vector<8x1280xf32> to vector<8xf32>
    %broadcast_in_dim3A_312 = vector.shape_cast %reduce_sum3A_311 : vector<8xf32> to vector<8x1xf32>
    %slice3A_313 = vector.extract_strided_slice %exp3A {offsets = [0, 99840], sizes = [8, 160], strides = [1, 1]} : vector<8x100000xf32> to vector<8x160xf32>
    %reduce_sum3A_314 = arith.constant dense<0.000000e+00> : vector<8xf32>
    %reduce_sum3A_315 = vector.multi_reduction <add>, %slice3A_313, %reduce_sum3A_314 [1] : vector<8x160xf32> to vector<8xf32>
    %broadcast_in_dim3A_316 = vector.shape_cast %reduce_sum3A_315 : vector<8xf32> to vector<8x1xf32>
    %broadcast_in_dim3A_317 = arith.constant 0.000000e+00 : f32
    %broadcast_in_dim3A_318 = vector.broadcast %broadcast_in_dim3A_317 : f32 to vector<8x49xf32>
    %concatenate3A = tpu.concatenate %broadcast_in_dim3A, %broadcast_in_dim3A_8, %broadcast_in_dim3A_12, %broadcast_in_dim3A_16, %broadcast_in_dim3A_20, %broadcast_in_dim3A_24, %broadcast_in_dim3A_28, %broadcast_in_dim3A_32, %broadcast_in_dim3A_36, %broadcast_in_dim3A_40, %broadcast_in_dim3A_44, %broadcast_in_dim3A_48, %broadcast_in_dim3A_52, %broadcast_in_dim3A_56, %broadcast_in_dim3A_60, %broadcast_in_dim3A_64, %broadcast_in_dim3A_68, %broadcast_in_dim3A_72, %broadcast_in_dim3A_76, %broadcast_in_dim3A_80, %broadcast_in_dim3A_84, %broadcast_in_dim3A_88, %broadcast_in_dim3A_92, %broadcast_in_dim3A_96, %broadcast_in_dim3A_100, %broadcast_in_dim3A_104, %broadcast_in_dim3A_108, %broadcast_in_dim3A_112, %broadcast_in_dim3A_116, %broadcast_in_dim3A_120, %broadcast_in_dim3A_124, %broadcast_in_dim3A_128, %broadcast_in_dim3A_132, %broadcast_in_dim3A_136, %broadcast_in_dim3A_140, %broadcast_in_dim3A_144, %broadcast_in_dim3A_148, %broadcast_in_dim3A_152, %broadcast_in_dim3A_156, %broadcast_in_dim3A_160, %broadcast_in_dim3A_164, %broadcast_in_dim3A_168, %broadcast_in_dim3A_172, %broadcast_in_dim3A_176, %broadcast_in_dim3A_180, %broadcast_in_dim3A_184, %broadcast_in_dim3A_188, %broadcast_in_dim3A_192, %broadcast_in_dim3A_196, %broadcast_in_dim3A_200, %broadcast_in_dim3A_204, %broadcast_in_dim3A_208, %broadcast_in_dim3A_212, %broadcast_in_dim3A_216, %broadcast_in_dim3A_220, %broadcast_in_dim3A_224, %broadcast_in_dim3A_228, %broadcast_in_dim3A_232, %broadcast_in_dim3A_236, %broadcast_in_dim3A_240, %broadcast_in_dim3A_244, %broadcast_in_dim3A_248, %broadcast_in_dim3A_252, %broadcast_in_dim3A_256, %broadcast_in_dim3A_260, %broadcast_in_dim3A_264, %broadcast_in_dim3A_268, %broadcast_in_dim3A_272, %broadcast_in_dim3A_276, %broadcast_in_dim3A_280, %broadcast_in_dim3A_284, %broadcast_in_dim3A_288, %broadcast_in_dim3A_292, %broadcast_in_dim3A_296, %broadcast_in_dim3A_300, %broadcast_in_dim3A_304, %broadcast_in_dim3A_308, %broadcast_in_dim3A_312, %broadcast_in_dim3A_316, %broadcast_in_dim3A_318 in 1 : vector<8x1xf32>, vector<8x1xf32>, vector<8x1xf32>, vector<8x1xf32>, vector<8x1xf32>, vector<8x1xf32>, vector<8x1xf32>, vector<8x1xf32>, vector<8x1xf32>, vector<8x1xf32>, vector<8x1xf32>, vector<8x1xf32>, vector<8x1xf32>, vector<8x1xf32>, vector<8x1xf32>, vector<8x1xf32>, vector<8x1xf32>, vector<8x1xf32>, vector<8x1xf32>, vector<8x1xf32>, vector<8x1xf32>, vector<8x1xf32>, vector<8x1xf32>, vector<8x1xf32>, vector<8x1xf32>, vector<8x1xf32>, vector<8x1xf32>, vector<8x1xf32>, vector<8x1xf32>, vector<8x1xf32>, vector<8x1xf32>, vector<8x1xf32>, vector<8x1xf32>, vector<8x1xf32>, vector<8x1xf32>, vector<8x1xf32>, vector<8x1xf32>, vector<8x1xf32>, vector<8x1xf32>, vector<8x1xf32>, vector<8x1xf32>, vector<8x1xf32>, vector<8x1xf32>, vector<8x1xf32>, vector<8x1xf32>, vector<8x1xf32>, vector<8x1xf32>, vector<8x1xf32>, vector<8x1xf32>, vector<8x1xf32>, vector<8x1xf32>, vector<8x1xf32>, vector<8x1xf32>, vector<8x1xf32>, vector<8x1xf32>, vector<8x1xf32>, vector<8x1xf32>, vector<8x1xf32>, vector<8x1xf32>, vector<8x1xf32>, vector<8x1xf32>, vector<8x1xf32>, vector<8x1xf32>, vector<8x1xf32>, vector<8x1xf32>, vector<8x1xf32>, vector<8x1xf32>, vector<8x1xf32>, vector<8x1xf32>, vector<8x1xf32>, vector<8x1xf32>, vector<8x1xf32>, vector<8x1xf32>, vector<8x1xf32>, vector<8x1xf32>, vector<8x1xf32>, vector<8x1xf32>, vector<8x1xf32>, vector<8x1xf32>, vector<8x49xf32> -> vector<8x128xf32>
    %swap3A = arith.constant 0 : index
    %swap3A_319 = arith.constant 0 : index
    %swap3A_320 = vector.load %arg2[%swap3A, %swap3A_319] : memref<8x128xf32, #tpu.memory_space<vmem>>, vector<8x128xf32>
    tpu.vector_store %arg2[%swap3A, %swap3A_319], %concatenate3A {strides = array<i32>} : memref<8x128xf32, #tpu.memory_space<vmem>>, vector<8x128xf32>,
    %get3A_321 = arith.constant 0 : index
    %get3A_322 = arith.constant 98720 : index
    %get3A_323 = vector.load %arg1[%get3A_321, %get3A_322] : memref<8x100000xf32, #tpu.memory_space<vmem>>, vector<8x1280xf32>
    %swap3A_324 = arith.constant 0 : index
    %swap3A_325 = arith.constant 0 : index
    %swap3A_326 = vector.load %arg3[%swap3A_324, %swap3A_325] : memref<8x1280xf32, #tpu.memory_space<vmem>>, vector<8x1280xf32>
    tpu.vector_store %arg3[%swap3A_324, %swap3A_325], %get3A_323 {strides = array<i32>} : memref<8x1280xf32, #tpu.memory_space<vmem>>, vector<8x1280xf32>,
    return
  }
  func.func @transform_0(%arg0: i32) -> (i32, i32) {
    %c0_i32 = arith.constant 0 : i32
    %c0_i32_0 = arith.constant 0 : i32
    return %arg0, %c0_i32 : i32, i32
  }
  func.func @transform_1(%arg0: i32) -> (i32, i32) {
    %c0_i32 = arith.constant 0 : i32
    %c0_i32_0 = arith.constant 0 : i32
    return %arg0, %c0_i32 : i32, i32
  }
  func.func @transform_2(%arg0: i32) -> (i32, i32) {
    %c0_i32 = arith.constant 0 : i32
    %c0_i32_0 = arith.constant 0 : i32
    return %arg0, %c0_i32 : i32, i32
  }
}

</mosaic_0001>

<sc_bundles>
// kernel: kernel.4.cloned.1.call-start
scs
__scs_entry_jumppad:
0x0: {  	(pc) =	sbr.rel $0x88, $3  }
0x1: {  	(tag) =	ssettag $0x0;
	lr =	simm.s32 $0x1  }
0x2: {  	[smem:$0x3FA0] =	sst lr;
	_ =	strace $0xD0000000  }
0x3: {  	_ = 	snop  }
0x4: {  	_ = 	snop  }
0x5: {  	_ = 	snop  }
0x6: {  	_ = 	snop  }
0x7: {  	_ = 	snop  }
__scs_overlays_trampoline_lowered:
0x8: {  	[smem:$0x3FAF] =	sst s0  }
0x9: {  	[smem:$0x3FB0] =	sst s1  }
0xa: {  	[smem:$0x3FB1] =	sst s2  }
0xb: {  	[smem:$0x3FB2] =	sst s3  }
0xc: {  	[smem:$0x3FB3] =	sst s4  }
0xd: {  	[smem:$0x3FB4] =	sst s5  }
0xe: {  	[smem:$0x3FB5] =	sst s6  }
0xf: {  	[smem:$0x3FB6] =	sst s7  }
0x10: {  	[smem:$0x3FB7] =	sst s8  }
0x11: {  	[smem:$0x3FB8] =	sst s9;
	s0 =	simm.s32 @!p0 $0x0  }
0x12: {  	s1 =	sld [smem:$0x3F9E];
	s0 =	simm.s32 @p0 $0x1  }
0x13: {  	[smem:$0x3FB9] =	sst s0;
	s0 =	simm.s32 @!p1 $0x0  }
0x14: {  	s2 =	sld [smem:$0x3F9D];
	s0 =	simm.s32 @p1 $0x1  }
0x15: {  	[smem:$0x3FBA] =	sst s0;
	s0 =	simm.s32 @!p2 $0x0  }
0x16: {  	s3 =	sld [smem:$0x3FDB];
	s0 =	simm.s32 @p2 $0x1  }
0x17: {  	s4 =	simm.s32 $0x1BF5;
	[smem:$0x3FBC] =	sst s0  }
0x18: {  	s0 =	sld [smem:$0x3F9F];
	_ =	swait.ge [sflag:s4], $0x0  }
0x19: {  	s7 =	sld [smem:$0x3FA0]  }
0x1a: {  	s8 =	sadd.s32 $0xFFFFE003, lr  }
0x1b: {  	s9 =	sadd.s32 $0xFFFFFEF7, lr;
	s5 =	simm.s32 $0xFFFFFFFF;
	p2 =	slt.u32 s8, $0xFFFFF086  }
0x1c: {  	p1 =	slt.u32 s9, $0xF7A;
	s5 =	simm.s32 @!p2 $0x0  }
0x1d: {  	s5 =	simm.s32 @p1 $0x1;
	p0 =	seq.s32 s7, s2  }
0x1e: {  	s7 =	smul.u32 @!p0 $0xF7A, s2;
	p2 =	seq.s32 @!p0 s5, $0x0  }
0x1f: {  	s9 =	smul.u32 $0xF7A, s1;
	s8 =	simm.s32 @!p0 $0x1BF5;
	p2 =	por !p2, p0  }
0x20: {  	[sflag:s8] =	ssyncset.s32 @!p0 $0xFFFFF086;
	s6 =	sadd.s32 @!p0 s3, s7;
	s7 =	simm.s32 @!p0 $0x108  }
0x21: {  	s3 =	sadd.s32 s3, s9;
	s6 =	sadd.s32 @!p0 $0x88, s6;
	s7 =	simm.s32 @p2 $0x1082  }
0x22: {  	[simem:s7], [sflag:s8] =	dma.local @!p0 [hbm:s6], $0xF7A  }
0x23: {  	s9 =	sor.u32 $0xD0000000, s2;
	s6 =	simm.s32 $0x108;
	_ =	swait.ge @!p0 [sflag:s8], $0x0  }
0x24: {  	s3 =	sadd.s32 $0x88, s3;
	s6 =	simm.s32 @!p1 $0x1082;
	[sflag:s4] =	ssyncset.s32 $0xFFFFF086  }
0x25: {  	[simem:s6], [sflag:s4] =	dma.local [hbm:s3], $0xF7A  }
0x26: {  	[smem:$0x3FA0] =	sst s1;
	(tag) =	ssettag s2;
	_ =	strace s9  }
0x27: {  	s1 =	sld [smem:$0x3FB0]  }
0x28: {  	s2 =	sld [smem:$0x3FB1]  }
0x29: {  	s4 =	sld [smem:$0x3FB3]  }
0x2a: {  	p0 =	seq.s32 s5, $0x0;
	s5 =	sld [smem:$0x3FB4]  }
0x2b: {  	s6 =	sld [smem:$0x3FB5]  }
0x2c: {  	s7 =	sld [smem:$0x3FB6]  }
0x2d: {  	s3 =	simm.s32 $0x108;
	s8 =	sld [smem:$0x3FB7]  }
0x2e: {  	s3 =	simm.s32 @!p0 $0x1082;
	s9 =	sld [smem:$0x3FB8]  }
0x2f: {  	lr =	sadd.s32 s0, s3;
	s0 =	sld [smem:$0x3FAF]  }
0x30: {  	s3 =	sld [smem:$0x3FB2]  }
0x31: {  	[smem:$0x3FBB] =	sst s10  }
0x32: {  	s10 =	sld [smem:$0x3FB9];
	_ =	sdelay $0x3  }
0x33: {  	p0 =	seq.s32 s10, $0x1;
	s10 =	sld [smem:$0x3FBB];
	_ =	sdelay $0x3  }
0x34: {  	[smem:$0x3FBB] =	sst s10  }
0x35: {  	s10 =	sld [smem:$0x3FBA];
	_ =	sdelay $0x3  }
0x36: {  	p1 =	seq.s32 s10, $0x1;
	s10 =	sld [smem:$0x3FBB];
	_ =	sdelay $0x3  }
0x37: {  	[smem:$0x3FBB] =	sst s10  }
0x38: {  	s10 =	sld [smem:$0x3FBC]  }
0x39: {  	_ = 	snop;
	(pc) =	sbr.ind lr, $3  }
0x3a: {  	_ = 	snop  }
0x3b: {  	_ = 	snop  }
0x3c: {  	p2 =	seq.s32 s10, $0x1;
	s10 =	sld [smem:$0x3FBB]  }
0x3d: {  	_ =	shalt  }
0x3e: {  	_ =	shalt  }
0x3f: {  	_ =	shalt  }
0x40: {  	_ =	shalt  }
0x41: {  	_ =	shalt  }
0x42: {  	_ =	shalt  }
0x43: {  	_ =	shalt  }
0x44: {  	_ =	shalt  }
0x45: {  	_ =	shalt  }
0x46: {  	_ =	shalt  }
0x47: {  	_ =	shalt  }
0x48: {  	_ =	shalt  }
0x49: {  	_ =	shalt  }
0x4a: {  	_ =	shalt  }
0x4b: {  	_ =	shalt  }
0x4c: {  	_ =	shalt  }
0x4d: {  	_ =	shalt  }
0x4e: {  	_ =	shalt  }
0x4f: {  	_ =	shalt  }
0x50: {  	_ =	shalt  }
0x51: {  	_ =	shalt  }
0x52: {  	_ =	shalt  }
0x53: {  	_ =	shalt  }
0x54: {  	_ =	shalt  }
0x55: {  	_ =	shalt  }
0x56: {  	_ =	shalt  }
0x57: {  	_ =	shalt  }
0x58: {  	_ =	shalt  }
0x59: {  	_ =	shalt  }
0x5a: {  	_ =	shalt  }
0x5b: {  	_ =	shalt  }
0x5c: {  	_ =	shalt  }
0x5d: {  	_ =	shalt  }
0x5e: {  	_ =	shalt  }
0x5f: {  	_ =	shalt  }
0x60: {  	_ =	shalt  }
0x61: {  	_ =	shalt  }
0x62: {  	_ =	shalt  }
0x63: {  	_ =	shalt  }
0x64: {  	_ =	shalt  }
0x65: {  	_ =	shalt  }
0x66: {  	_ =	shalt  }
0x67: {  	_ =	shalt  }
0x68: {  	_ =	shalt  }
0x69: {  	_ =	shalt  }
0x6a: {  	_ =	shalt  }
0x6b: {  	_ =	shalt  }
0x6c: {  	_ =	shalt  }
0x6d: {  	_ =	shalt  }
0x6e: {  	_ =	shalt  }
0x6f: {  	_ =	shalt  }
0x70: {  	_ =	shalt  }
0x71: {  	_ =	shalt  }
0x72: {  	_ =	shalt  }
0x73: {  	_ =	shalt  }
0x74: {  	_ =	shalt  }
0x75: {  	_ =	shalt  }
0x76: {  	_ =	shalt  }
0x77: {  	_ =	shalt  }
0x78: {  	_ =	shalt  }
0x79: {  	_ =	shalt  }
0x7a: {  	_ =	shalt  }
0x7b: {  	_ =	shalt  }
0x7c: {  	_ =	shalt  }
0x7d: {  	_ =	shalt  }
0x7e: {  	_ =	shalt  }
0x7f: {  	_ =	shalt  }
0x80: {  	_ =	shalt  }
0x81: {  	_ =	shalt  }
0x82: {  	_ =	shalt  }
0x83: {  	_ =	shalt  }
0x84: {  	_ =	shalt  }
0x85: {  	_ =	shalt  }
0x86: {  	_ =	shalt  }
0x87: {  	_ =	shalt  }
.Lfunc_end0:
.L_simem_size_0:
called_computation_lowered:
.L_overlay_start_0:
0x88: {  	s2 =	sld [smem:$0x3FD9]  }
0x89: {  	s3 =	sld [smem:$0x3FFE];
	_ =	sdelay $0x1  }
0x8a: {  	s1 =	srdreg.scid  }
0x8b: {  	s0 =	sand.u32 $0x1, s1  }
0x8c: {  	s17 =	sshll.u32 s0, $0xA;
	s2 =	sadd.s32 s3, s2  }
0x8d: {  	s2 =	sadd.s32 s2, s17  }
0x8e: {  	[smem:$0x3FC7] =	sst s2  }
0x8f: {  	_ = 	snop  }
0x90: {  	s2 =	sld [smem:$0x3FD0];
	(tm) =	ssettm $0x1  }
0x91: {  	s18 =	sld [smem:$0x3FFB];
	_ =	sdelay $0x3  }
0x92: {  	_ =	strace s18  }
0x93: {  	s3 =	sld [smem:$0x3FFC];
	_ =	sdelay $0x3  }
0x94: {  	_ =	strace s3  }
0x95: {  	s3 =	sld [smem:$0x3FFD];
	_ =	sdelay $0x3  }
0x96: {  	_ =	strace s3  }
0x97: {  	_ =	strace $0x8FFFFFFF  }
0x98: {  	s19 =	sld [smem:$0x3FDB];
	_ =	sdelay $0x1  }
0x99: {  	s4 =	simm.s32 $_scs_section_size  }
0x9a: {  	s5 =	simm.s32 $_size__tile_overlayer_lowered;
	s6 =	simm.s32 $_tile_overlayer_lowered  }
0x9b: {  	s22 =	simm.s32 $0x1BFF;
	s21 =	sshll.u32 s6, $0x1;
	s3 =	sadd.s32 s4, s19  }
0x9c: {  	s7 =	simm.s32 $0x0;
	s20 =	sshll.u32 s5, $0x1;
	s5 =	sadd.s32 s21, s3  }
0x9d: {  	[timem:s7], [sflag:s22] =	dma.local [hbm:s5], s20  }
0x9e: {  	_ =	swait.ge [sflag:s22], s20  }
0x9f: {  	s4 =	ssub.s32 $0x0, s20;
	[sflag:s22] =	ssyncset.done $0x0  }
0xa0: {  	[sflag:s22] =	ssyncadd.s32 s4;
	_ =	sdelay $0x1  }
0xa1: {  	s23 =	simm.s32 $0x1B8B  }
0xa2: {  	_ =	swait.ge [sflag:s23], $0x1  }
0xa3: {  	[sflag:s23] =	ssyncset.done $0x0  }
0xa4: {  	s25 =	simm.s32 $0x1B8E;
	s24 =	sld [smem:$0x3FFE];
	[sflag:s23] =	ssyncadd.s32 $0xFFFFFFFF  }
0xa5: {  	s26 =	simm.s32 $execute0_lowered;
	[smem:$0x3FD2] =	sst s25  }
0xa6: {  	s5 =	sshll.u32 s26, $0x1;
	_ =	strace $0x80000046;
	[dreg:$0x1] =	wrdreg $0xFFFFFFFF  }
0xa7: {  	s28 =	simm.s32 $_size_execute0_lowered;
	s3 =	sadd.s32 s3, s5;
	[dreg:$0x0] =	wrdreg $0x0  }
0xa8: {  	s5 =	sshll.u32 s28, $0x1;
	[dreg:$0x2] =	wrdreg s3  }
0xa9: {  	[dreg:$0x3] =	wrdreg s5  }
0xaa: {  	[dreg:$0x4] =	wrdreg $0xC0  }
0xab: {  	_ =	task [dreg:s7], $0x5FFFF  }
0xac: {  	[dreg:$0x1] =	wrdreg $0xFFFFFFFF  }
0xad: {  	[dreg:$0x0] =	wrdreg $0x60  }
0xae: {  	[dreg:$0x2] =	wrdreg s24  }
0xaf: {  	[dreg:$0x3] =	wrdreg s2  }
0xb0: {  	[dreg:$0x4] =	wrdreg $0x9  }
0xb1: {  	_ =	task.clear_ibuf [dreg:s7], $0x5FFFF;
	_ =	strace $0x90000046  }
0xb2: {  	s29 =	simm.s32 $0x9;
	_ =	strace $0x80000048  }
0xb3: {  	_ =	swait.ge [sflag:s29], $0x1  }
0xb4: {  	[sflag:s29] =	ssyncadd.s32 $0xFFFFFFFF  }
0xb5: {  	_ =	strace $0x90000048  }
0xb6: {  	_ =	sfence  }
0xb7: {  	s30 =	sld [smem:$0x0];
	_ =	sdelay $0x2  }
0xb8: {  	s31 =	sshll.u32 s1, $0xD;
	s1 =	sshrl.u32 s1, $0x2  }
0xb9: {  	s3 =	sand.u32 $0x4000, s31;
	s1 =	sadd.s32 s1, s30  }
0xba: {  	s0 =	sor.u32 s3, s0;
	s1 =	sshll.u32 s1, $0x11  }
0xbb: {  	s0 =	sor.u32 s1, s0  }
0xbc: {  	s0 =	sadd.s32 $0x8F2B, s0  }
0xbd: {  	[sflag:s0] =	ssyncadd.remote.s32 $0x1  }
0xbe: {  	_ =	sfence.sel $0xFFFF  }
0xbf: {  	[dreg:$0x0] =	wrdreg $0xFFFFFFFF;
	(pc) =	sbr.abs _section_cstart, $3  }
0xc0: {  	[dreg:$0x1] =	wrdreg $0xFFFFFFFF  }
0xc1: {  	_ =	task.clear_ibuf [dreg:s7], $0x2FFFF;
	_ =	strace $0x9FFFFFFF  }
0xc2: {  	(tm) =	ssettm $0x7FFFFFFF  }
0xc3: {  	_ =	shalt  }
tec
execute0_lowered:
.L_overlay_start_1:
0x0: {  	(tag) =	ssettag $0x1  }
0x1: {  	s0 =	rddreg [dreg:$0x0]  }
0x2: {  	s8 =	simm.s32 $0x0;
	s7 =	stileid.u32;
	s1 =	srdreg.scid  }
0x3: {  	[smem:$0x7FF] =	sst s8;
	s2 =	sshll.u32 s7, $0x7;
	s1 =	sand.u32 $0x1, s1  }
0x4: {  	s3 =	sshll.u32 s7, $0x1;
	s4 =	smul.u32 $0x500, s7;
	s17 =	sadd.s32 $0xC00, s0  }
0x5: {  	s23 =	sshll.u32 s7, $0x5;
	s25 =	smul.u32 $0xC3800, s7;
	_ =	strace $0x80000047  }
0x6: {  	s2 =	sadd.s32 s2, s0;
	s3 =	sor.u32 s1, s3;
	s6 =	ssub.s32 $0x2, s1  }
0x7: {  	[dreg:$0x3] =	wrdreg s17;
	s5 =	sshll.u32 s3, $0x1;
	s4 =	sadd.s32 s4, s0  }
0x8: {  	s22 =	sshrl.u32 s6, $0x1;
	s2 =	sadd.s32 $0x18CC00, s2;
	s24 =	sshll.u32 s3, $0x2  }
0x9: {  	[dreg:$0x5] =	wrdreg s25;
	s0 =	sadd.s32 s5, s0;
	s5 =	ssub.s32 s6, s22  }
0xa: {  	[dreg:$0x4] =	wrdreg s2;
	s2 =	sand.u32 $0x1C0, s23;
	s26 =	sadd.s32 $0x187C00, s4  }
0xb: {  	s6 =	sshll.u32 s1, $0x9;
	s1 =	sand.u32 $0xC, s24;
	[dreg:$0x6] =	wrdreg s26  }
0xc: {  	s28 =	sor.u32 $0x1, s1;
	s29 =	sor.u32 $0x2, s1;
	s0 =	sadd.s32 $0x18D400, s0  }
0xd: {  	v0 =	vlaneseq.u32;
	vm2 =	vcmask $0x300;
	v3 =	vmov s1;
	s1 =	sor.u32 $0x3, s1;
	s30 =	smax.u32 s5, $0x1;
	[dreg:$0x7] =	wrdreg s0  }
0xe: {  	s12 =	simm.s32 $0x1;
	s31 =	sshrl.u32 s2, $0x2;
	v4 =	vmov s28;
	[dreg:$0x8] =	wrdreg s30;
	v1 =	vmov s29;
	v2 =	vmov s1  }
0xf: {  	s9 =	sor.u32 $0x480, s6;
	vm0 =	veq.s32 v3, v0;
	[dreg:$0x9] =	wrdreg s31;
	v3 =	vimm.s32 $0x0;
	s1 =	simm.s32 $0x0;
	vm1 =	veq.s32 v4, v0  }
.LBB2_1:
0x10: {  	[dreg:$0xa] =	wrdreg s1  }
0x11: {  	s0 =	rddreg [dreg:$0x4]  }
0x12: {  	[tilespmem:s8], [sflag:$0x1] =	stream.linear.gather [hbm4b:s0+s8], $0x400, $0x38;
	[tilespmem:$0x2D00] =	vst v63  }
0x13: {  	_ =	swait.ge [sflag:s12], $0x400  }
0x14: {  	[sflag:s12] =	ssyncset.done $0x0  }
0x15: {  	[sflag:s12] =	ssyncadd.s32 $0xFFFFFC00  }
0x16: {  	s28 =	simm.s32 $0x400;
	s26 =	rddreg [dreg:$0x1]  }
0x17: {  	[tilespmem:s28], [sflag:$0x1] =	stream.linear.gather [hbm4b:s26+s8], $0x80, $0x38;
	[tilespmem:$0x2D00] =	vst v63  }
0x18: {  	_ =	swait.ge [sflag:s12], $0x80  }
0x19: {  	[sflag:s12] =	ssyncset.done $0x0  }
0x1a: {  	[sflag:s12] =	ssyncadd.s32 $0xFFFFFF80  }
0x1b: {  	v5 =	vld [tilespmem:s6+$0x0];
	_ =	sdelay $0x1  }
0x1c: {  	v6 =	vld [tilespmem:s6+$0x10];
	_ =	sdelay $0x1  }
0x1d: {  	v7 =	vld [tilespmem:s6+$0x20]  }
0x1e: {  	(xrf2) =	vadd.scan.msk.f32 $0xffff, v5  }
0x1f: {  	v8 =	vld [tilespmem:s6+$0x30]  }
0x20: {  	(xrf2) =	vadd.scan.msk.f32 $0xffff, v6  }
0x21: {  	s29 =	rddreg [dreg:$0x9];
	v9 =	vld [tilespmem:s6+$0x40]  }
0x22: {  	v4 =	vld [tilespmem:s29+$0x400];
	(xrf2) =	vadd.scan.msk.f32 $0xffff, v7;
	_ =	sdelay $0x1  }
0x23: {  	(xrf2) =	vadd.scan.msk.f32 $0xffff, v8;
	_ =	sdelay $0x1  }
0x24: {  	(xrf2) =	vadd.scan.msk.f32 $0xffff, v9  }
0x25: {  	v10 =	vnsel vm0, $0x0, v4  }
0x26: {  	v11, _, _ =	vpop (xrf2);
	(xrf2) =	vadd.scan.msk.f32 $0xffff, v10  }
0x27: {  	(v2sf) =	vpush v11, $0xF  }
0x28: {  	v10, _, _ =	vpop (xrf2)  }
0x29: {  	(v2sf) =	vpush v10, $0xF  }
0x2a: {  	v12, _, _ =	vpop (xrf2)  }
0x2b: {  	(v2sf) =	vpush v12, $0xF  }
0x2c: {  	v13, _, _ =	vpop (xrf2)  }
0x2d: {  	(v2sf) =	vpush v13, $0xF  }
0x2e: {  	v14, _, _ =	vpop (xrf2)  }
0x2f: {  	(v2sf) =	vpush v14, $0xF  }
0x30: {  	v15, _, _ =	vpop (xrf2)  }
0x31: {  	(v2sf) =	vpush v15, $0xF;
	_ =	sdelay $0x4  }
0x32: {  	s30 =	spop (v2sf)  }
0x33: {  	s31 =	sadd.f32 $0.0e+00, s30  }
0x34: {  	s4 =	spop (v2sf)  }
0x35: {  	s2 =	sadd.f32 s4, s31  }
0x36: {  	s5 =	spop (v2sf)  }
0x37: {  	s3 =	sadd.f32 s5, s2  }
0x38: {  	s7 =	spop (v2sf)  }
0x39: {  	s4 =	sadd.f32 s7, s3  }
0x3a: {  	s10 =	spop (v2sf)  }
0x3b: {  	s0 =	sadd.f32 s10, s4  }
0x3c: {  	s5 =	spop (v2sf)  }
0x3d: {  	s0 =	smul.f32 s0, s5;
	_ =	sdelay $0x1  }
0x3e: {  	v10 =	vadd.f32 s31, v10;
	vm3 =	vlt.f32 v11, s0  }
0x3f: {  	v5 =	vnsel vm3, $0x0, v5  }
0x40: {  	vm4 =	vlt.f32 v10, s0;
	(xrf2) =	vadd.scan.msk.f32 $0xffff, v5;
	v5 =	vadd.f32 s2, v12  }
0x41: {  	v6 =	vnsel vm4, $0x0, v6  }
0x42: {  	v10 =	vsel vm3, $0x1, v3;
	(xrf2) =	vadd.scan.msk.f32 $0xffff, v6;
	vm3 =	vlt.f32 v5, s0;
	v5 =	vadd.f32 s3, v13  }
0x43: {  	(xrf0) =	vadd.scan.msk.s32 $0xffff, v10;
	v6 =	vnsel vm3, $0x0, v7  }
0x44: {  	v7 =	vsel vm4, $0x1, v3;
	(xrf2) =	vadd.scan.msk.f32 $0xffff, v6;
	vm4 =	vlt.f32 v5, s0  }
0x45: {  	(xrf0) =	vadd.scan.msk.s32 $0xffff, v7;
	v5 =	vnsel vm4, $0x0, v8  }
0x46: {  	v6 =	vsel vm3, $0x1, v3;
	(xrf2) =	vadd.scan.msk.f32 $0xffff, v5;
	v5 =	vadd.f32 s4, v14  }
0x47: {  	(xrf0) =	vadd.scan.msk.s32 $0xffff, v6  }
0x48: {  	v6 =	vsel vm4, $0x1, v3;
	vm3 =	vlt.f32 v5, s0  }
0x49: {  	v7, _, _ =	vpop (xrf0);
	(xrf0) =	vadd.scan.msk.s32 $0xffff, v6;
	v6 =	vsel vm3, $0x1, v3  }
0x4a: {  	(v2sf) =	vpush v7, $0xF;
	v5, _, _ =	vpop (xrf2)  }
0x4b: {  	(v2sf) =	vpush v5, $0xF;
	v5, _, _ =	vpop (xrf0);
	(xrf0) =	vadd.scan.msk.s32 $0xffff, v6  }
0x4c: {  	v6, _, _ =	vpop (xrf2);
	(v2sf) =	vpush v5, $0xF  }
0x4d: {  	v5, _, _ =	vpop (xrf0);
	(v2sf) =	vpush v6, $0xF  }
0x4e: {  	(v2sf) =	vpush v5, $0xF;
	v5, _, _ =	vpop (xrf2)  }
0x4f: {  	v6 =	vnsel vm3, $0x0, v9;
	(v2sf) =	vpush v5, $0xF;
	v5, _, _ =	vpop (xrf0)  }
0x50: {  	(xrf2) =	vadd.scan.msk.f32 $0xffff, v6;
	(v2sf) =	vpush v5, $0xF;
	v5, _, _ =	vpop (xrf2)  }
0x51: {  	(v2sf) =	vpush v5, $0xF;
	v5, _, _ =	vpop (xrf0)  }
0x52: {  	(v2sf) =	vpush v5, $0xF;
	_ =	sdelay $0x6  }
0x53: {  	s11 =	spop (v2sf)  }
0x54: {  	v5, _, _ =	vpop (xrf2);
	s10 =	spop (v2sf)  }
0x55: {  	s13 =	spop (v2sf);
	(v2sf) =	vpush v5, $0xF  }
0x56: {  	s5 =	spop (v2sf)  }
0x57: {  	s14 =	spop (v2sf)  }
0x58: {  	s1 =	spop (v2sf)  }
0x59: {  	s2 =	sadd.s32 s11, s13;
	s15 =	spop (v2sf)  }
0x5a: {  	s4 =	sadd.s32 s2, s14;
	s2 =	spop (v2sf)  }
0x5b: {  	s3 =	sadd.s32 s4, s15;
	s16 =	spop (v2sf)  }
0x5c: {  	s3 =	sadd.s32 s3, s16  }
0x5d: {  	p1 =	slt.s32 s3, $0x4E  }
0x5e: {  	p0 =	sgt.s32 s3, $0x4D;
	s3 =	simm.s32 @!p1 $0x4E  }
0x5f: {  	s18 =	smul.u32 $0x2800, s3  }
0x60: {  	s7 =	rddreg [dreg:$0x5]  }
0x61: {  	s4 =	sadd.s32 s7, s18  }
0x62: {  	s4 =	sshrl.u32 s4, $0x3  }
0x63: {  	s19 =	simm.s32 $0x480;
	s7 =	rddreg [dreg:$0x6];
	s4 =	sadd.s32 s17, s4  }
0x64: {  	s20 =	sand.u32 $0xF000, s8;
	s4 =	smov.u32 @p0 s7;
	s11 =	spop (v2sf)  }
0x65: {  	[tilespmem:s19], [sflag:$0x1] =	stream.linear.gather [hbm4b:s4+s8], $0x2800, $0x38;
	[tilespmem:$0x2D00] =	vst v63  }
0x66: {  	s4 =	sshrl.u32 s20, $0x2;
	_ =	swait.ge [sflag:s12], $0x2800  }
0x67: {  	s13 =	sand.u32 $0x70, s8;
	s4 =	sadd.s32 s4, s9;
	[sflag:s12] =	ssyncset.done $0x0  }
0x68: {  	s4 =	sadd.s32 s13, s4;
	[sflag:s12] =	ssyncadd.s32 $0xFFFFD800  }
0x69: {  	s21 =	simm.s32 $0x200;
	v5 =	vld [tilespmem:s4+$0x0]  }
0x6a: {  	s4 =	sand.u32 $0xF000, s21  }
0x6b: {  	s22 =	simm.s32 $0x10;
	s4 =	sshrl.u32 s4, $0x2  }
0x6c: {  	s14 =	sand.u32 $0x70, s22;
	s4 =	sadd.s32 s4, s9  }
0x6d: {  	s4 =	sadd.s32 s14, s4  }
0x6e: {  	v6 =	vld [tilespmem:s4+$0x0];
	v5 =	vmul.f32 $7.000000000e+00, v5  }
0x6f: {  	s23 =	simm.s32 $0x400  }
0x70: {  	s4 =	sand.u32 $0xF000, s23;
	v5 =	vmul.f32 $1.442695020e+00, v5  }
0x71: {  	s24 =	simm.s32 $0x20;
	s4 =	sshrl.u32 s4, $0x2  }
0x72: {  	s15 =	sand.u32 $0x70, s24;
	s4 =	sadd.s32 s4, s9;
	(erf) = vpow2.f32 v5  }
0x73: {  	s4 =	sadd.s32 s15, s4;
	v5 =	vmul.f32 $7.000000000e+00, v6  }
0x74: {  	v6 =	vld [tilespmem:s4+$0x0]  }
0x75: {  	v5 =	vmul.f32 $1.442695020e+00, v5  }
0x76: {  	s18 =	smul.u32 $0x500, s3  }
0x77: {  	(erf) = vpow2.f32 v5  }
0x78: {  	s25 =	simm.s32 $0x600;
	v7 =	vor.u32 s8, v0;
	s3 =	sadd.s32 $0xFFFE7E60, s18  }
0x79: {  	s26 =	sand.u32 $0xF000, s25;
	s3 =	simm.s32 @!p0 $0x0;
	v6 =	vmul.f32 $7.000000000e+00, v6  }
0x7a: {  	s28 =	simm.s32 $0x30;
	v5 =	vmov s3;
	s3 =	sshrl.u32 s26, $0x2  }
0x7b: {  	s29 =	sand.u32 $0x70, s28;
	vm6 =	vge.s32 v7, v5;
	s3 =	sadd.s32 s3, s9;
	v6 =	vmul.f32 $1.442695020e+00, v6;
	v7 =	vpop (erf)  }
0x7c: {  	s3 =	sadd.s32 s29, s3;
	v7 =	vnsel vm6, $0x0, v7  }
0x7d: {  	(erf) = vpow2.f32 v6;
	v6 =	vor.u32 s22, v0;
	(xrf2) =	vadd.scan.msk.f32 $0xffff, v7;
	v7 =	vld [tilespmem:s3+$0x0];
	_ =	sdelay $0x2  }
0x7e: {  	vm3 =	vge.s32 v6, v5;
	v6 =	vpop (erf)  }
0x7f: {  	s30 =	simm.s32 $0x800;
	v6 =	vnsel vm3, $0x0, v6  }
0x80: {  	s3 =	sand.u32 $0xF000, s30;
	(xrf2) =	vadd.scan.msk.f32 $0xffff, v6;
	v7 =	vmul.f32 $7.000000000e+00, v7  }
0x81: {  	s31 =	sshrl.u32 s3, $0x2;
	s3 =	simm.s32 $0x40  }
0x82: {  	s7 =	sand.u32 $0x70, s3;
	s13 =	sadd.s32 s31, s9;
	v6 =	vmul.f32 $1.442695020e+00, v7  }
0x83: {  	s10 =	sadd.f32 $0.0e+00, s10;
	s13 =	sadd.s32 s7, s13  }
0x84: {  	s8 =	simm.s32 $0xA00;
	v7 =	vor.u32 s24, v0;
	(erf) = vpow2.f32 v6;
	v6 =	vld [tilespmem:s13+$0x0]  }
0x85: {  	s5 =	sadd.f32 s5, s10;
	s15 =	sand.u32 $0xF000, s8;
	v8, _, _ =	vpop (xrf2)  }
0x86: {  	s16 =	simm.s32 $0x50;
	s13 =	sshrl.u32 s15, $0x2;
	(v2sf) =	vpush v8, $0xF  }
0x87: {  	s1 =	sadd.f32 s1, s5;
	s20 =	sand.u32 $0x70, s16;
	vm5 =	vge.s32 v7, v5;
	v7 =	vpop (erf);
	s13 =	sadd.s32 s13, s9  }
0x88: {  	v7 =	vnsel vm5, $0x0, v7;
	s10 =	sadd.s32 s20, s13  }
0x89: {  	s1 =	sadd.f32 s2, s1;
	(xrf2) =	vadd.scan.msk.f32 $0xffff, v7;
	v7 =	vld [tilespmem:s10+$0x0];
	v6 =	vmul.f32 $7.000000000e+00, v6  }
0x8a: {  	v9, _, _ =	vpop (xrf2)  }
0x8b: {  	v10 =	vor.u32 s28, v0;
	s19 =	sadd.f32 s11, s1;
	(v2sf) =	vpush v9, $0xF;
	v6 =	vmul.f32 $1.442695020e+00, v6  }
0x8c: {  	s21 =	simm.s32 $0xC00;
	s22 =	simm.f32 $0.0e+00  }
0x8d: {  	s1 =	sand.u32 $0xF000, s21;
	s24 =	sadd.f32 s22, s19;
	(erf) = vpow2.f32 v6  }
0x8e: {  	s1 =	sshrl.u32 s1, $0x2;
	s23 =	simm.s32 $0x60;
	vm4 =	vge.s32 v10, v5;
	vm6 =	vmmov vm6;
	v10 =	vpop (erf);
	v6 =	vmul.f32 $7.000000000e+00, v7  }
0x8f: {  	s1 =	sadd.s32 s1, s9;
	s25 =	sand.u32 $0x70, s23;
	vm6 =	vmmov vm6;
	v8 =	vadd.f32 s24, v8;
	v7 =	vnsel vm4, $0x0, v10  }
0x90: {  	s26 =	sadd.s32 s25, s1;
	vm6 =	vmmov vm6;
	(xrf2) =	vadd.scan.msk.f32 $0xffff, v7;
	v7 =	vmul.f32 $1.442695020e+00, v6;
	v6 =	vmov s0  }
0x91: {  	v11 =	vld [tilespmem:s26+$0x0];
	vm6 =	vmmov vm6;
	vm7 =	vlt.f32 v8, v6  }
0x92: {  	vm6 =	vmand vm6, vm7  }
0x93: {  	(erf) = vpow2.f32 v7;
	v7 =	vsel vm6, $0x1, v3;
	_ =	sdelay $0x1  }
0x94: {  	v8 =	vor.u32 s3, v0;
	v10, _, _ =	vpop (xrf2);
	s31 =	spop (v2sf)  }
0x95: {  	s28 =	simm.s32 $0xE00;
	(v2sf) =	vpush v10, $0xF;
	vm6 =	vge.s32 v8, v5;
	v8 =	vmul.f32 $7.000000000e+00, v11;
	(xrf0) =	vadd.scan.msk.s32 $0xffff, v7;
	s2 =	sadd.f32 s31, s22;
	v7 =	vpop (erf)  }
0x96: {  	s29 =	sand.u32 $0xF000, s28;
	v7 =	vnsel vm6, $0x0, v7  }
0x97: {  	s30 =	simm.s32 $0x70;
	vm3 =	vmmov vm3;
	s0 =	sshrl.u32 s29, $0x2;
	s8 =	sadd.f32 s2, s19;
	(xrf2) =	vadd.scan.msk.f32 $0xffff, v7;
	v7 =	vmul.f32 $1.442695020e+00, v8  }
0x98: {  	s7 =	sand.u32 $0x70, s30;
	vm3 =	vmmov vm3;
	s0 =	sadd.s32 s0, s9  }
0x99: {  	v12 =	vor.u32 s16, v0;
	vm3 =	vmmov vm3;
	s0 =	sadd.s32 s7, s0;
	s11 =	spop (v2sf);
	v8 =	vadd.f32 s8, v9  }
0x9a: {  	s10 =	simm.s32 $0x1000;
	vm7 =	vmmov vm3;
	vm3 =	vge.s32 v12, v5;
	v11 =	vld [tilespmem:s0+$0x0];
	v13, _, _ =	vpop (xrf2);
	s0 =	sadd.f32 s11, s2  }
0x9b: {  	s3 =	sand.u32 $0xF000, s10;
	(v2sf) =	vpush v13, $0xF;
	(erf) = vpow2.f32 v7;
	v7 =	vpop (erf);
	vm8 =	vlt.f32 v8, v6  }
0x9c: {  	s14 =	simm.s32 $0x80;
	s13 =	sshrl.u32 s3, $0x2;
	s16 =	sadd.f32 s0, s19;
	v7 =	vnsel vm3, $0x0, v7;
	vm7 =	vmand vm7, vm8  }
0x9d: {  	s15 =	sand.u32 $0x70, s14;
	vm5 =	vmmov vm5;
	s2 =	sadd.s32 s13, s9;
	(xrf2) =	vadd.scan.msk.f32 $0xffff, v7;
	v7 =	vsel vm7, $0x1, v3  }
0x9e: {  	vm5 =	vmmov vm5;
	s2 =	sadd.s32 s15, s2;
	(xrf0) =	vadd.scan.msk.s32 $0xffff, v7;
	v7 =	vadd.f32 s16, v10  }
0x9f: {  	vm5 =	vmmov vm5;
	v14 =	vld [tilespmem:s2+$0x0]  }
0xa0: {  	vm5 =	vmmov vm5;
	v8 =	vmul.f32 $7.000000000e+00, v11;
	vm7 =	vlt.f32 v7, v6  }
0xa1: {  	v9, _, _ =	vpop (xrf0);
	vm5 =	vmand vm5, vm7  }
0xa2: {  	(v2sf) =	vpush v9, $0xF;
	v8 =	vmul.f32 $1.442695020e+00, v8;
	v7 =	vsel vm5, $0x1, v3  }
0xa3: {  	v11 =	vor.u32 s23, v0;
	(xrf0) =	vadd.scan.msk.s32 $0xffff, v7  }
0xa4: {  	(erf) = vpow2.f32 v8;
	s22 =	spop (v2sf);
	v9, _, _ =	vpop (xrf2);
	vm5 =	vge.s32 v11, v5;
	v11 =	vmul.f32 $7.000000000e+00, v14  }
0xa5: {  	s20 =	simm.s32 $0x1200;
	s4 =	sadd.f32 s22, s0;
	v10 =	vpop (erf)  }
0xa6: {  	s1 =	sand.u32 $0xF000, s20;
	(v2sf) =	vpush v9, $0xF;
	v15 =	vnsel vm5, $0x0, v10  }
0xa7: {  	s21 =	simm.s32 $0x90;
	s1 =	sshrl.u32 s1, $0x2;
	vm4 =	vmmov vm4;
	s25 =	sadd.f32 s4, s19;
	v7, _, _ =	vpop (xrf0)  }
0xa8: {  	s1 =	sadd.s32 s1, s9;
	vm4 =	vmmov vm4;
	s23 =	sand.u32 $0x70, s21;
	v16 =	vmul.f32 $1.442695020e+00, v11;
	(v2sf) =	vpush v7, $0xF;
	v11, _, _ =	vpop (xrf2)  }
0xa9: {  	vm6 =	vmmov vm6;
	s24 =	sadd.s32 s23, s1;
	(xrf2) =	vadd.scan.msk.f32 $0xffff, v15;
	v7 =	vadd.f32 s25, v13;
	(v2sf) =	vpush v11, $0xF;
	v15, _, _ =	vpop (xrf0)  }
0xaa: {  	vm4 =	vmmov vm4;
	vm6 =	vmmov vm6;
	v14 =	vld [tilespmem:s24+$0x0];
	s29 =	spop (v2sf);
	(v2sf) =	vpush v15, $0xF  }
0xab: {  	v12 =	vor.u32 s30, v0;
	vm4 =	vmmov vm4;
	vm6 =	vmmov vm6  }
0xac: {  	s26 =	simm.s32 $0x1400;
	vm6 =	vmmov vm6;
	vm3 =	vmmov vm3;
	(erf) = vpow2.f32 v16  }
0xad: {  	vm8 =	vge.s32 v12, v5;
	s0 =	sand.u32 $0xF000, s26;
	vm7 =	vmmov vm5;
	vm5 =	vlt.f32 v7, v6;
	v7 =	vpop (erf)  }
0xae: {  	vm3 =	vmmov vm3;
	v8 =	vor.u32 s14, v0;
	s28 =	sshrl.u32 s0, $0x2;
	s0 =	simm.s32 $0xA0;
	v13 =	vnsel vm8, $0x0, v7  }
0xaf: {  	v10 =	vor.u32 s21, v0;
	s30 =	sand.u32 $0x70, s0;
	s31 =	sadd.s32 s28, s9;
	v12 =	vmul.f32 $7.000000000e+00, v14;
	vm4 =	vmand vm4, vm5;
	s1 =	sadd.f32 s29, s4;
	(xrf2) =	vadd.scan.msk.f32 $0xffff, v13  }
0xb0: {  	s20 =	simm.s32 $0x0;
	s3 =	sadd.s32 s30, s31;
	vm5 =	vmmov vm3;
	vm3 =	vmmov vm8;
	v14 =	vsel vm4, $0x1, v3  }
0xb1: {  	s2 =	simm.s32 $0x1600;
	s22 =	spop (v2sf);
	vm4 =	vmmov vm7;
	v7 =	vor.u32 s0, v0;
	(xrf0) =	vadd.scan.msk.s32 $0xffff, v14;
	v13 =	vmul.f32 $1.442695020e+00, v12;
	v12 =	vld [tilespmem:s3+$0x0];
	s3 =	sadd.f32 s1, s19  }
.LBB2_2:
0xb2: {  	p0 =	sne.s32 s2, $0x9E00  }
0xb3: {  	(erf) = vpow2.f32 v13;
	v13 =	vadd.f32 s3, v9;
	s20 =	sadd.s32 s20, s22;
	v9 =	vmov v11;
	v11, _, _ =	vpop (xrf2);
	s3 =	smov.u32 s2;
	s2 =	sadd.s32 $0x200, s2  }
0xb4: {  	s0 =	sadd.s32 $0x10, s0;
	s3 =	sand.u32 $0xF000, s3;
	(v2sf) =	vpush v11, $0xF  }
.Ltmp0:
0xb5: {  	vm7 =	vge.s32 v8, v5;
	s3 =	sshrl.u32 s3, $0x2;
	v8 =	vpop (erf);
	vm8 =	vlt.f32 v13, v6;
	s4 =	spop (v2sf);
	(pc) =	sbr.rel @p0 .LBB2_2-.Ltmp0, $4  }
0xb6: {  	s5 =	sand.u32 $0x70, s0;
	s3 =	sadd.s32 s3, s9;
	v13 =	vmul.f32 $7.000000000e+00, v12;
	v12 =	vnsel vm7, $0x0, v8;
	vm6 =	vmand vm6, vm8;
	s1 =	sadd.f32 s4, s1;
	v8 =	vmovc v10;
	v10 =	vmovc v7  }
0xb7: {  	v7 =	vor.u32 s0, v0;
	s3 =	sadd.s32 s5, s3;
	(xrf2) =	vadd.scan.msk.f32 $0xffff, v12;
	v14 =	vsel vm6, $0x1, v3;
	v15, _, _ =	vpop (xrf0);
	vm6 =	vmmov vm5  }
0xb8: {  	vm5 =	vmmov vm4;
	v12 =	vld [tilespmem:s3+$0x0];
	v13 =	vmul.f32 $1.442695020e+00, v13;
	s3 =	sadd.f32 s1, s19;
	(xrf0) =	vadd.scan.msk.s32 $0xffff, v14;
	(v2sf) =	vpush v15, $0xF  }
0xb9: {  	vm4 =	vmmov vm3;
	vm3 =	vmmov vm7;
	s22 =	spop (v2sf)  }
0xba: {  	(erf) = vpow2.f32 v13;
	_ =	sdelay $0x3  }
0xbb: {  	s0 =	spop (v2sf)  }
0xbc: {  	v9 =	vadd.f32 s3, v9;
	s0 =	sadd.f32 s0, s1;
	_ =	sdelay $0x1  }
0xbd: {  	vm7 =	vge.s32 v8, v5;
	v8 =	vpop (erf);
	vm8 =	vlt.f32 v9, v6;
	s1 =	sadd.f32 s0, s19  }
0xbe: {  	v8 =	vnsel vm7, $0x0, v8;
	vm6 =	vmand vm6, vm8  }
0xbf: {  	(xrf2) =	vadd.scan.msk.f32 $0xffff, v8;
	v8 =	vsel vm6, $0x1, v3;
	vm6 =	vge.s32 v10, v5;
	v9 =	vadd.f32 s1, v11;
	v10 =	vpop (erf)  }
0xc0: {  	(xrf0) =	vadd.scan.msk.s32 $0xffff, v8;
	v8 =	vnsel vm6, $0x0, v10  }
0xc1: {  	vm5 =	vmmov vm5;
	vm8 =	vlt.f32 v9, v6  }
0xc2: {  	vm5 =	vmand vm5, vm8;
	(xrf2) =	vadd.scan.msk.f32 $0xffff, v8  }
0xc3: {  	v9 =	vsel vm5, $0x1, v3;
	v8, _, _ =	vpop (xrf2)  }
0xc4: {  	v10, _, _ =	vpop (xrf0);
	(v2sf) =	vpush v8, $0xF  }
0xc5: {  	(xrf0) =	vadd.scan.msk.s32 $0xffff, v9;
	(v2sf) =	vpush v10, $0xF;
	v10 =	vmul.f32 $7.000000000e+00, v12  }
0xc6: {  	v9, _, _ =	vpop (xrf2)  }
0xc7: {  	(v2sf) =	vpush v9, $0xF;
	v10 =	vmul.f32 $1.442695020e+00, v10  }
0xc8: {  	v11, _, _ =	vpop (xrf0)  }
0xc9: {  	(v2sf) =	vpush v11, $0xF;
	v11, _, _ =	vpop (xrf2)  }
0xca: {  	(v2sf) =	vpush v11, $0xF  }
0xcb: {  	(erf) = vpow2.f32 v10;
	v10, _, _ =	vpop (xrf0)  }
0xcc: {  	(v2sf) =	vpush v10, $0xF;
	v10, _, _ =	vpop (xrf2)  }
0xcd: {  	(v2sf) =	vpush v10, $0xF;
	_ =	sdelay $0x2  }
0xce: {  	s24 =	spop (v2sf)  }
0xcf: {  	s5 =	spop (v2sf)  }
0xd0: {  	s0 =	sadd.f32 s5, s0  }
0xd1: {  	s23 =	spop (v2sf)  }
0xd2: {  	vm5 =	vge.s32 v7, v5;
	s1 =	sadd.f32 s0, s19;
	v5 =	vpop (erf);
	s2 =	spop (v2sf)  }
0xd3: {  	v5 =	vnsel vm5, $0x0, v5;
	s0 =	sadd.f32 s2, s0;
	s25 =	spop (v2sf)  }
0xd4: {  	(xrf2) =	vadd.scan.msk.f32 $0xffff, v5;
	s7 =	spop (v2sf)  }
0xd5: {  	vm4 =	vmmov vm4;
	s8 =	sadd.f32 s7, s0  }
0xd6: {  	vm3 =	vmmov vm3;
	vm4 =	vmmov vm4;
	s0 =	sadd.f32 s0, s19;
	s26 =	spop (v2sf)  }
0xd7: {  	vm3 =	vmmov vm3;
	vm7 =	vmmov vm7;
	v5 =	vadd.f32 s1, v8;
	s10 =	spop (v2sf);
	s2 =	sadd.f32 s8, s19  }
0xd8: {  	vm3 =	vmmov vm3;
	vm7 =	vmmov vm7;
	vm6 =	vmmov vm6;
	s1 =	sadd.f32 s10, s8  }
0xd9: {  	vm6 =	vmmov vm6;
	vm8 =	vlt.f32 v5, v6;
	v7 =	vadd.f32 s0, v9;
	s28 =	spop (v2sf)  }
0xda: {  	vm5 =	vmmov vm5;
	vm4 =	vmand vm4, vm8;
	v8 =	vadd.f32 s2, v11;
	s11 =	sadd.f32 s1, s19;
	s13 =	spop (v2sf)  }
0xdb: {  	v5 =	vsel vm4, $0x1, v3;
	vm4 =	vmmov vm7;
	vm7 =	vlt.f32 v7, v6;
	s1 =	sadd.f32 s13, s1  }
0xdc: {  	vm4 =	vmmov vm4;
	v7 =	vld [tilespmem:s6+$0x80];
	vm3 =	vmand vm3, vm7;
	vm7 =	vlt.f32 v8, v6  }
0xdd: {  	v11 =	vld [tilespmem:s6+$0x90];
	v8 =	vsel vm3, $0x1, v3;
	v9 =	vadd.f32 s11, v10;
	vm3 =	vmand vm4, vm7;
	s14 =	sadd.f32 s1, s19  }
0xde: {  	vm5 =	vmmov vm5;
	(xrf0) =	vadd.scan.msk.s32 $0xffff, v5;
	vm4 =	vmmov vm6;
	v5, _, _ =	vpop (xrf2);
	v10 =	vsel vm3, $0x1, v3  }
0xdf: {  	(xrf0) =	vadd.scan.msk.s32 $0xffff, v8;
	vm3 =	vmmov vm4;
	vm4 =	vlt.f32 v9, v6;
	v8 =	vadd.f32 s14, v5  }
0xe0: {  	vm5 =	vmmov vm5;
	v9 =	vld [tilespmem:s6+$0xA0];
	(xrf0) =	vadd.scan.msk.s32 $0xffff, v10;
	vm3 =	vmand vm3, vm4  }
0xe1: {  	(xrf2) =	vadd.scan.msk.f32 $0xffff, v7;
	v10 =	vsel vm3, $0x1, v3;
	vm3 =	vmmov vm5;
	vm4 =	vlt.f32 v8, v6  }
0xe2: {  	(xrf2) =	vadd.scan.msk.f32 $0xffff, v11;
	v6 =	vld [tilespmem:s6+$0xB0];
	vm3 =	vmand vm3, vm4  }
0xe3: {  	(xrf0) =	vadd.scan.msk.s32 $0xffff, v10;
	v8 =	vsel vm3, $0x1, v3  }
0xe4: {  	(xrf0) =	vadd.scan.msk.s32 $0xffff, v8;
	v8 =	vld [tilespmem:s6+$0xC0]  }
0xe5: {  	v10, _, _ =	vpop (xrf0);
	(xrf2) =	vadd.scan.msk.f32 $0xffff, v9  }
0xe6: {  	(v2sf) =	vpush v10, $0xF  }
0xe7: {  	v10, _, _ =	vpop (xrf0);
	(v2sf) =	vpush v5, $0xF;
	(xrf2) =	vadd.scan.msk.f32 $0xffff, v6  }
0xe8: {  	v5, _, _ =	vpop (xrf0);
	(v2sf) =	vpush v10, $0xF  }
0xe9: {  	(v2sf) =	vpush v5, $0xF;
	v5, _, _ =	vpop (xrf0);
	(xrf2) =	vadd.scan.msk.f32 $0xffff, v8  }
0xea: {  	v10 =	vnsel vm1, $0x0, v4;
	(v2sf) =	vpush v5, $0xF;
	v5, _, _ =	vpop (xrf0)  }
0xeb: {  	(v2sf) =	vpush v5, $0xF;
	v5, _, _ =	vpop (xrf2);
	(xrf2) =	vadd.scan.msk.f32 $0xffff, v10  }
0xec: {  	(v2sf) =	vpush v5, $0xF  }
0xed: {  	v10, _, _ =	vpop (xrf2)  }
0xee: {  	(v2sf) =	vpush v10, $0xF  }
0xef: {  	v12, _, _ =	vpop (xrf2)  }
0xf0: {  	(v2sf) =	vpush v12, $0xF  }
0xf1: {  	v13, _, _ =	vpop (xrf2)  }
0xf2: {  	(v2sf) =	vpush v13, $0xF  }
0xf3: {  	v14, _, _ =	vpop (xrf2)  }
0xf4: {  	(v2sf) =	vpush v14, $0xF  }
0xf5: {  	s16 =	spop (v2sf);
	v15, _, _ =	vpop (xrf2)  }
0xf6: {  	s15 =	spop (v2sf);
	(v2sf) =	vpush v15, $0xF  }
0xf7: {  	s13 =	spop (v2sf)  }
0xf8: {  	s1 =	spop (v2sf)  }
0xf9: {  	s2 =	spop (v2sf)  }
0xfa: {  	s0 =	spop (v2sf)  }
0xfb: {  	s19 =	spop (v2sf)  }
0xfc: {  	s3 =	sadd.f32 $0.0e+00, s19  }
0xfd: {  	s4 =	spop (v2sf)  }
0xfe: {  	s4 =	sadd.f32 s4, s3  }
0xff: {  	s5 =	spop (v2sf)  }
0x100: {  	s5 =	sadd.f32 s5, s4  }
0x101: {  	s10 =	spop (v2sf)  }
0x102: {  	s10 =	sadd.f32 s10, s5  }
0x103: {  	s11 =	spop (v2sf)  }
0x104: {  	s11 =	sadd.f32 s11, s10  }
0x105: {  	s14 =	spop (v2sf)  }
0x106: {  	s29 =	smul.f32 s11, s14;
	_ =	sdelay $0x1  }
0x107: {  	vm3 =	vlt.f32 v5, s29;
	v5 =	vadd.f32 s3, v10  }
0x108: {  	v7 =	vnsel vm3, $0x0, v7  }
0x109: {  	(xrf2) =	vadd.scan.msk.f32 $0xffff, v7;
	vm4 =	vlt.f32 v5, s29;
	v5 =	vadd.f32 s4, v12  }
0x10a: {  	v7 =	vnsel vm4, $0x0, v11  }
0x10b: {  	v10 =	vsel vm3, $0x1, v3;
	(xrf2) =	vadd.scan.msk.f32 $0xffff, v7;
	vm3 =	vlt.f32 v5, s29;
	v5 =	vadd.f32 s5, v13  }
0x10c: {  	(xrf0) =	vadd.scan.msk.s32 $0xffff, v10;
	v7 =	vnsel vm3, $0x0, v9  }
0x10d: {  	v9 =	vsel vm4, $0x1, v3;
	(xrf2) =	vadd.scan.msk.f32 $0xffff, v7;
	vm4 =	vlt.f32 v5, s29  }
0x10e: {  	(xrf0) =	vadd.scan.msk.s32 $0xffff, v9;
	v5 =	vnsel vm4, $0x0, v6  }
0x10f: {  	v6 =	vsel vm3, $0x1, v3;
	(xrf2) =	vadd.scan.msk.f32 $0xffff, v5;
	v5 =	vadd.f32 s10, v14  }
0x110: {  	(xrf0) =	vadd.scan.msk.s32 $0xffff, v6  }
0x111: {  	v6 =	vsel vm4, $0x1, v3;
	vm3 =	vlt.f32 v5, s29  }
0x112: {  	v7, _, _ =	vpop (xrf0);
	(xrf0) =	vadd.scan.msk.s32 $0xffff, v6;
	v6 =	vsel vm3, $0x1, v3  }
0x113: {  	(v2sf) =	vpush v7, $0xF;
	v5, _, _ =	vpop (xrf2)  }
0x114: {  	(v2sf) =	vpush v5, $0xF;
	v5, _, _ =	vpop (xrf0);
	(xrf0) =	vadd.scan.msk.s32 $0xffff, v6  }
0x115: {  	v6, _, _ =	vpop (xrf2);
	(v2sf) =	vpush v5, $0xF  }
0x116: {  	v5, _, _ =	vpop (xrf0);
	(v2sf) =	vpush v6, $0xF  }
0x117: {  	(v2sf) =	vpush v5, $0xF;
	v5, _, _ =	vpop (xrf2)  }
0x118: {  	v6 =	vnsel vm3, $0x0, v8;
	(v2sf) =	vpush v5, $0xF;
	v5, _, _ =	vpop (xrf0)  }
0x119: {  	(xrf2) =	vadd.scan.msk.f32 $0xffff, v6;
	(v2sf) =	vpush v5, $0xF;
	v5, _, _ =	vpop (xrf2)  }
0x11a: {  	(v2sf) =	vpush v5, $0xF;
	v5, _, _ =	vpop (xrf0)  }
0x11b: {  	(v2sf) =	vpush v5, $0xF;
	_ =	sdelay $0x6  }
0x11c: {  	s21 =	spop (v2sf)  }
0x11d: {  	v5, _, _ =	vpop (xrf2);
	s15 =	spop (v2sf)  }
0x11e: {  	s30 =	spop (v2sf);
	(v2sf) =	vpush v5, $0xF  }
0x11f: {  	s14 =	spop (v2sf)  }
0x120: {  	s31 =	spop (v2sf)  }
0x121: {  	s11 =	spop (v2sf)  }
0x122: {  	s3 =	sadd.s32 s21, s30;
	s7 =	spop (v2sf)  }
0x123: {  	s3 =	sadd.s32 s3, s31;
	s5 =	spop (v2sf)  }
0x124: {  	s3 =	sadd.s32 s3, s7;
	s8 =	spop (v2sf)  }
0x125: {  	s3 =	sadd.s32 s3, s8  }
0x126: {  	p1 =	slt.s32 s3, $0x4E  }
0x127: {  	p0 =	sgt.s32 s3, $0x4D;
	s3 =	simm.s32 @!p1 $0x4E  }
0x128: {  	s10 =	smul.u32 $0x2800, s3  }
0x129: {  	s7 =	rddreg [dreg:$0x5]  }
0x12a: {  	s4 =	sadd.s32 s7, s10  }
0x12b: {  	s4 =	sshrl.u32 s4, $0x3  }
0x12c: {  	s19 =	simm.s32 $0x480;
	s7 =	rddreg [dreg:$0x6];
	s4 =	sadd.s32 s17, s4  }
0x12d: {  	s21 =	simm.s32 $0x0;
	s10 =	spop (v2sf);
	s4 =	smov.u32 @p0 s7  }
0x12e: {  	[tilespmem:s19], [sflag:$0x1] =	stream.linear.gather [hbm4b:s4+s21], $0x2800, $0x38;
	[tilespmem:$0x2D00] =	vst v63  }
0x12f: {  	s30 =	sand.u32 $0x3C00, s21;
	_ =	swait.ge [sflag:s12], $0x2800  }
0x130: {  	s31 =	sand.u32 $0x70, s21;
	s4 =	sadd.s32 s30, s9;
	[sflag:s12] =	ssyncset.done $0x0  }
0x131: {  	s4 =	sadd.s32 s31, s4;
	[sflag:s12] =	ssyncadd.s32 $0xFFFFD800  }
0x132: {  	s7 =	simm.s32 $0x80;
	v5 =	vld [tilespmem:s4+$0x80]  }
0x133: {  	s31 =	simm.s32 $0x10;
	s4 =	sand.u32 $0x3C00, s7  }
0x134: {  	s8 =	sand.u32 $0x70, s31;
	s4 =	sadd.s32 s4, s9  }
0x135: {  	s4 =	sadd.s32 s8, s4  }
0x136: {  	v6 =	vld [tilespmem:s4+$0x80]  }
0x137: {  	s30 =	simm.s32 $0x100;
	v5 =	vmul.f32 $7.000000000e+00, v5  }
0x138: {  	s7 =	simm.s32 $0x20;
	s4 =	sand.u32 $0x3C00, s30  }
0x139: {  	s8 =	sand.u32 $0x70, s7;
	s4 =	sadd.s32 s4, s9;
	v5 =	vmul.f32 $1.442695020e+00, v5  }
0x13a: {  	s4 =	sadd.s32 s8, s4  }
0x13b: {  	(erf) = vpow2.f32 v5;
	v5 =	vmul.f32 $7.000000000e+00, v6;
	v6 =	vld [tilespmem:s4+$0x80]  }
0x13c: {  	s30 =	simm.s32 $0x180  }
0x13d: {  	s19 =	smul.u32 $0x500, s3;
	s3 =	simm.s32 $0x30;
	s4 =	sand.u32 $0x3C00, s30;
	v5 =	vmul.f32 $1.442695020e+00, v5  }
0x13e: {  	s30 =	sand.u32 $0x70, s3;
	s4 =	sadd.s32 s4, s9  }
0x13f: {  	s4 =	sadd.s32 s30, s4;
	(erf) = vpow2.f32 v5  }
0x140: {  	v7 =	vld [tilespmem:s4+$0x80];
	v5 =	vmul.f32 $7.000000000e+00, v6  }
0x141: {  	v8 =	vor.u32 s21, v0;
	s30 =	sadd.s32 $0xFFFE7E60, s19  }
0x142: {  	s30 =	simm.s32 @!p0 $0x0;
	v5 =	vmul.f32 $1.442695020e+00, v5  }
0x143: {  	v6 =	vmov s30  }
0x144: {  	vm3 =	vge.s32 v8, v6;
	v8 =	vpop (erf);
	(erf) = vpow2.f32 v5  }
0x145: {  	v5 =	vmul.f32 $7.000000000e+00, v7;
	v7 =	vor.u32 s31, v0;
	v8 =	vnsel vm3, $0x0, v8  }
0x146: {  	s8 =	simm.s32 $0x200;
	(xrf2) =	vadd.scan.msk.f32 $0xffff, v8  }
0x147: {  	s4 =	sand.u32 $0x3C00, s8;
	s30 =	simm.s32 $0x40  }
0x148: {  	s4 =	sadd.s32 s4, s9;
	s8 =	sand.u32 $0x70, s30;
	vm4 =	vge.s32 v7, v6;
	v7 =	vpop (erf)  }
0x149: {  	s4 =	sadd.s32 s8, s4;
	v7 =	vnsel vm4, $0x0, v7  }
0x14a: {  	v8 =	vld [tilespmem:s4+$0x80];
	(xrf2) =	vadd.scan.msk.f32 $0xffff, v7  }
0x14b: {  	s20 =	sadd.s32 s20, s22;
	s22 =	simm.s32 $0x280  }
0x14c: {  	s8 =	sand.u32 $0x3C00, s22;
	s4 =	sadd.s32 s20, s24;
	s20 =	simm.s32 $0x50;
	v7 =	vor.u32 s7, v0  }
0x14d: {  	s8 =	sadd.s32 s8, s9;
	v5 =	vmul.f32 $1.442695020e+00, v5;
	s4 =	sadd.s32 s4, s23;
	s24 =	sand.u32 $0x70, s20  }
0x14e: {  	s4 =	sadd.s32 s4, s25;
	s8 =	sadd.s32 s24, s8  }
0x14f: {  	(erf) = vpow2.f32 v5;
	s4 =	sadd.s32 s4, s26;
	v5 =	vmul.f32 $7.000000000e+00, v8;
	v8 =	vld [tilespmem:s8+$0x80];
	vm5 =	vge.s32 v7, v6;
	v7 =	vpop (erf)  }
0x150: {  	s25 =	simm.s32 $0x300;
	s4 =	sadd.s32 s4, s28;
	v9, _, _ =	vpop (xrf2)  }
0x151: {  	s26 =	sand.u32 $0x3C00, s25;
	s4 =	sadd.s32 s4, s16;
	v7 =	vnsel vm5, $0x0, v7;
	(v2sf) =	vpush v9, $0xF  }
0x152: {  	s28 =	sadd.f32 $0.0e+00, s15;
	s4 =	sadd.s32 s4, s13;
	s13 =	simm.s32 $0x60;
	v5 =	vmul.f32 $1.442695020e+00, v5;
	(xrf2) =	vadd.scan.msk.f32 $0xffff, v7  }
0x153: {  	s1 =	sadd.s32 s4, s1;
	s31 =	sand.u32 $0x70, s13;
	s4 =	sadd.s32 s26, s9  }
0x154: {  	s1 =	sadd.s32 s1, s2;
	s8 =	sadd.s32 s31, s4;
	(erf) = vpow2.f32 v5;
	v5 =	vmul.f32 $7.000000000e+00, v8;
	v11, _, _ =	vpop (xrf2)  }
0x155: {  	s14 =	sadd.f32 s14, s28;
	s0 =	sadd.s32 s1, s0;
	v8 =	vld [tilespmem:s8+$0x80];
	(v2sf) =	vpush v11, $0xF  }
0x156: {  	s15 =	simm.s32 $0x380;
	s16 =	simm.s32 $0x70;
	s0 =	sadd.s32 s18, s0;
	v5 =	vmul.f32 $1.442695020e+00, v5  }
0x157: {  	s1 =	sadd.f32 s11, s14;
	v7 =	vor.u32 s3, v0;
	s3 =	sand.u32 $0x3C00, s15;
	p0 =	slt.s32 s0, $0x1869F  }
0x158: {  	vm3 =	vmmov vm3;
	s22 =	sand.u32 $0x70, s16;
	v10 =	vpop (erf);
	vm6 =	vge.s32 v7, v6;
	s3 =	sadd.s32 s3, s9;
	s0 =	simm.s32 @!p0 $0x1869F;
	(erf) = vpow2.f32 v5  }
0x159: {  	s1 =	sadd.f32 s5, s1;
	v7 =	vnsel vm6, $0x0, v10;
	v10 =	vor.u32 s30, v0;
	v5 =	vmov s0;
	s0 =	sadd.s32 s22, s3  }
0x15a: {  	vm3 =	vmmov vm3;
	v8 =	vmul.f32 $7.000000000e+00, v8;
	v12 =	vld [tilespmem:s0+$0x80]  }
0x15b: {  	vm7 =	vmmov vm3;
	s24 =	simm.s32 $0x400;
	s18 =	sadd.f32 s10, s1;
	(xrf2) =	vadd.scan.msk.f32 $0xffff, v7  }
0x15c: {  	s23 =	simm.f32 $0.0e+00;
	vm7 =	vmmov vm7;
	s25 =	simm.s32 $0x80;
	vm3 =	vge.s32 v10, v6;
	s3 =	sand.u32 $0x3C00, s24;
	v8 =	vmul.f32 $1.442695020e+00, v8;
	v10, _, _ =	vpop (xrf2)  }
0x15d: {  	vm4 =	vmmov vm4;
	vm7 =	vmmov vm7;
	s28 =	sand.u32 $0x70, s25;
	s26 =	sadd.f32 s23, s18;
	s3 =	sadd.s32 s3, s9;
	v13 =	vpop (erf);
	(v2sf) =	vpush v10, $0xF  }
0x15e: {  	vm4 =	vmmov vm4;
	s3 =	sadd.s32 s28, s3;
	v13 =	vnsel vm3, $0x0, v13;
	(erf) = vpow2.f32 v8  }
0x15f: {  	vm4 =	vmmov vm4;
	v9 =	vadd.f32 s26, v9;
	(xrf2) =	vadd.scan.msk.f32 $0xffff, v13;
	v8 =	vmul.f32 $7.000000000e+00, v12;
	v13 =	vld [tilespmem:s3+$0x80]  }
0x160: {  	vm4 =	vmmov vm4;
	s30 =	simm.s32 $0x480;
	v7 =	vmov s29;
	v12 =	vor.u32 s20, v0;
	s29 =	spop (v2sf)  }
0x161: {  	s31 =	simm.s32 $0x90;
	vm9 =	vlt.f32 v9, v7;
	s3 =	sand.u32 $0x3C00, s30;
	vm8 =	vge.s32 v12, v6;
	v8 =	vmul.f32 $1.442695020e+00, v8;
	v14 =	vpop (erf);
	s0 =	sadd.f32 s29, s23  }
0x162: {  	vm5 =	vmmov vm5;
	s10 =	sand.u32 $0x70, s31;
	vm7 =	vmand vm7, vm9;
	s3 =	sadd.s32 s3, s9;
	v9 =	vnsel vm8, $0x0, v14  }
0x163: {  	vm5 =	vmmov vm5;
	s3 =	sadd.s32 s10, s3;
	(erf) = vpow2.f32 v8;
	v8 =	vsel vm7, $0x1, v3;
	(xrf2) =	vadd.scan.msk.f32 $0xffff, v9;
	s8 =	sadd.f32 s0, s18  }
0x164: {  	vm5 =	vmmov vm5;
	v9 =	vor.u32 s13, v0;
	(xrf0) =	vadd.scan.msk.s32 $0xffff, v8;
	v8 =	vmul.f32 $7.000000000e+00, v13;
	v13 =	vld [tilespmem:s3+$0x80];
	s11 =	spop (v2sf)  }
0x165: {  	vm4 =	vmmov vm4;
	vm5 =	vmmov vm5;
	v12, _, _ =	vpop (xrf2);
	v11 =	vadd.f32 s8, v11;
	s3 =	sadd.f32 s11, s0  }
0x166: {  	vm3 =	vmmov vm3;
	(v2sf) =	vpush v12, $0xF;
	v8 =	vmul.f32 $1.442695020e+00, v8  }
0x167: {  	vm7 =	vmmov vm3;
	vm3 =	vge.s32 v9, v6;
	v9 =	vpop (erf);
	vm9 =	vlt.f32 v11, v7;
	s14 =	sadd.f32 s3, s18  }
0x168: {  	v9 =	vnsel vm3, $0x0, v9;
	(erf) = vpow2.f32 v8;
	vm4 =	vmand vm4, vm9  }
0x169: {  	(xrf2) =	vadd.scan.msk.f32 $0xffff, v9;
	v11 =	vmul.f32 $7.000000000e+00, v13;
	v8 =	vsel vm4, $0x1, v3;
	v10 =	vadd.f32 s14, v10  }
0x16a: {  	vm5 =	vmmov vm5;
	v9 =	vor.u32 s16, v0  }
0x16b: {  	v14, _, _ =	vpop (xrf2);
	vm4 =	vge.s32 v9, v6;
	v9 =	vmul.f32 $1.442695020e+00, v11;
	(xrf0) =	vadd.scan.msk.s32 $0xffff, v8;
	vm9 =	vlt.f32 v10, v7  }
0x16c: {  	(v2sf) =	vpush v14, $0xF;
	s20 =	spop (v2sf);
	v8, _, _ =	vpop (xrf0);
	vm5 =	vmand vm5, vm9  }
0x16d: {  	s3 =	sadd.f32 s20, s3;
	(v2sf) =	vpush v8, $0xF;
	v8 =	vpop (erf);
	(erf) = vpow2.f32 v9;
	v9 =	vsel vm5, $0x1, v3  }
0x16e: {  	s13 =	simm.s32 $0x500;
	(xrf0) =	vadd.scan.msk.s32 $0xffff, v9  }
0x16f: {  	s4 =	sand.u32 $0x3C00, s13;
	s0 =	simm.s32 $0xA0;
	s23 =	sadd.f32 s3, s18  }
0x170: {  	s4 =	sadd.s32 s4, s9;
	s15 =	sand.u32 $0x70, s0;
	v10 =	vnsel vm4, $0x0, v8;
	v8, _, _ =	vpop (xrf2)  }
0x171: {  	s16 =	sadd.s32 s15, s4;
	v11 =	vor.u32 s25, v0;
	(v2sf) =	vpush v8, $0xF;
	v12 =	vadd.f32 s23, v12;
	v9, _, _ =	vpop (xrf0)  }
0x172: {  	vm6 =	vmmov vm6;
	v13 =	vld [tilespmem:s16+$0x80];
	vm5 =	vge.s32 v11, v6;
	(v2sf) =	vpush v9, $0xF;
	v9 =	vpop (erf)  }
0x173: {  	vm6 =	vmmov vm6;
	vm9 =	vlt.f32 v12, v7;
	v12 =	vnsel vm5, $0x0, v9;
	v9, _, _ =	vpop (xrf2)  }
0x174: {  	vm6 =	vmmov vm6;
	s22 =	simm.s32 $0x580;
	(v2sf) =	vpush v9, $0xF;
	v16, _, _ =	vpop (xrf0)  }
0x175: {  	s2 =	simm.s32 $0xB0;
	vm6 =	vmmov vm6;
	s4 =	sand.u32 $0x3C00, s22;
	s26 =	spop (v2sf);
	(xrf2) =	vadd.scan.msk.f32 $0xffff, v10;
	(v2sf) =	vpush v16, $0xF  }
0x176: {  	s24 =	sand.u32 $0x70, s2;
	v5 =	vnsel vm2, $0x0, v5;
	vm6 =	vmmov vm6;
	vm8 =	vmmov vm8;
	s4 =	sadd.s32 s4, s9  }
0x177: {  	vm7 =	vmmov vm7;
	vm8 =	vmmov vm8;
	s25 =	sadd.s32 s24, s4;
	v13 =	vmul.f32 $7.000000000e+00, v13  }
0x178: {  	vm7 =	vmmov vm7;
	vm8 =	vmmov vm8;
	vm3 =	vmmov vm3;
	v15 =	vld [tilespmem:s25+$0x80]  }
0x179: {  	vm7 =	vmmov vm7;
	vm3 =	vmmov vm3;
	s11 =	simm.s32 $0x600;
	v11 =	vmul.f32 $1.442695020e+00, v13;
	s10 =	sadd.f32 s26, s3  }
0x17a: {  	s1 =	simm.s32 $0xC0;
	s28 =	sand.u32 $0x3C00, s11;
	vm4 =	vmmov vm4;
	v13 =	vor.u32 s31, v0;
	vm9 =	vmand vm6, vm9;
	(xrf2) =	vadd.scan.msk.f32 $0xffff, v12  }
0x17b: {  	s30 =	sand.u32 $0x70, s1;
	s3 =	sadd.s32 s28, s9;
	(erf) = vpow2.f32 v11;
	s29 =	sadd.f32 s10, s18;
	vm6 =	vmmov vm8;
	v10 =	vsel vm9, $0x1, v3  }
0x17c: {  	s31 =	sadd.s32 s30, s3;
	vm8 =	vmmov vm3;
	vm3 =	vmmov vm4;
	vm4 =	vge.s32 v13, v6;
	(xrf0) =	vadd.scan.msk.s32 $0xffff, v10  }
0x17d: {  	s3 =	simm.s32 $0xD0;
	vm5 =	vmmov vm5;
	v12 =	vmul.f32 $7.000000000e+00, v15;
	v11 =	vadd.f32 s29, v14;
	v10 =	vld [tilespmem:s31+$0x80];
	s4 =	spop (v2sf);
	v13 =	vpop (erf)  }
.LBB2_4:
0x17e: {  	p0 =	sne.s32 s3, $0x4F0  }
0x17f: {  	v12 =	vmul.f32 $1.442695020e+00, v12;
	v13 =	vnsel vm4, $0x0, v13;
	v14, _, _ =	vpop (xrf2);
	vm9 =	vlt.f32 v11, v7;
	s10 =	sadd.f32 s4, s10;
	s4 =	smov.u32 s3;
	s3 =	sadd.s32 $0x10, s3  }
.Ltmp1:
0x180: {  	s11 =	sadd.s32 $0x80, s11;
	vm9 =	vmand vm7, vm9;
	s5 =	spop (v2sf);
	vm7 =	vmmov vm6;
	vm6 =	vmmov vm8;
	(pc) =	sbr.rel @p0 .LBB2_4-.Ltmp1, $4  }
0x181: {  	s7 =	sand.u32 $0x3C00, s11;
	(erf) = vpow2.f32 v12;
	(xrf2) =	vadd.scan.msk.f32 $0xffff, v13;
	(v2sf) =	vpush v14, $0xF;
	s8 =	sadd.f32 s10, s18;
	v11 =	vsel vm9, $0x1, v3;
	s21 =	sadd.s32 s21, s5  }
0x182: {  	v15 =	vor.u32 s0, v0;
	s0 =	smov.u32 s2;
	vm8 =	vmmov vm3;
	vm3 =	vmmov vm5;
	s5 =	sand.u32 $0x70, s4;
	s7 =	sadd.s32 s7, s9;
	(xrf0) =	vadd.scan.msk.s32 $0xffff, v11;
	v13, _, _ =	vpop (xrf0)  }
0x183: {  	s2 =	smov.u32 s1;
	s1 =	smov.u32 s4;
	s5 =	sadd.s32 s5, s7;
	v12 =	vmul.f32 $7.000000000e+00, v10;
	v11 =	vadd.f32 s8, v8;
	(v2sf) =	vpush v13, $0xF;
	v8 =	vmovc v9;
	v9 =	vmovc v14  }
0x184: {  	vm5 =	vmmov vm4;
	vm4 =	vge.s32 v15, v6;
	v10 =	vld [tilespmem:s5+$0x80];
	v13 =	vpop (erf);
	s4 =	spop (v2sf)  }
0x185: {  	v12 =	vmul.f32 $1.442695020e+00, v12;
	_ =	sdelay $0x1  }
0x186: {  	(erf) = vpow2.f32 v12  }
0x187: {  	s3 =	sadd.f32 s4, s10;
	vm9 =	vlt.f32 v11, v7;
	v11 =	vor.u32 s0, v0  }
0x188: {  	s22 =	spop (v2sf)  }
0x189: {  	s5 =	spop (v2sf);
	s4 =	sadd.f32 s3, s18  }
0x18a: {  	vm9 =	vmand vm7, vm9;
	vm7 =	vge.s32 v11, v6;
	v12 =	vnsel vm4, $0x0, v13;
	s28 =	sadd.f32 s5, s3;
	v11 =	vpop (erf)  }
0x18b: {  	(xrf2) =	vadd.scan.msk.f32 $0xffff, v12;
	v8 =	vadd.f32 s4, v8;
	v11 =	vnsel vm7, $0x0, v11  }
0x18c: {  	s3 =	sadd.f32 s28, s18;
	(xrf2) =	vadd.scan.msk.f32 $0xffff, v11;
	v11 =	vor.u32 s2, v0  }
0x18d: {  	vm6 =	vmmov vm6;
	vm10 =	vlt.f32 v8, v7  }
0x18e: {  	v8 =	vsel vm9, $0x1, v3;
	v9 =	vadd.f32 s3, v9;
	vm6 =	vmand vm6, vm10  }
0x18f: {  	vm8 =	vmmov vm8;
	(xrf0) =	vadd.scan.msk.s32 $0xffff, v8;
	v8 =	vsel vm6, $0x1, v3;
	vm6 =	vge.s32 v11, v6;
	v11 =	vpop (erf)  }
0x190: {  	vm8 =	vmmov vm8;
	vm9 =	vlt.f32 v9, v7;
	(xrf0) =	vadd.scan.msk.s32 $0xffff, v8;
	v8 =	vnsel vm6, $0x0, v11  }
0x191: {  	vm8 =	vmand vm8, vm9;
	v11, _, _ =	vpop (xrf2);
	(xrf2) =	vadd.scan.msk.f32 $0xffff, v8  }
0x192: {  	v9 =	vsel vm8, $0x1, v3;
	(v2sf) =	vpush v11, $0xF  }
0x193: {  	v8, _, _ =	vpop (xrf0)  }
0x194: {  	v10 =	vmul.f32 $7.000000000e+00, v10;
	(xrf0) =	vadd.scan.msk.s32 $0xffff, v9;
	(v2sf) =	vpush v8, $0xF;
	v8, _, _ =	vpop (xrf2)  }
0x195: {  	v9, _, _ =	vpop (xrf0);
	(v2sf) =	vpush v8, $0xF  }
0x196: {  	v10 =	vmul.f32 $1.442695020e+00, v10;
	(v2sf) =	vpush v9, $0xF;
	v9, _, _ =	vpop (xrf2)  }
0x197: {  	v12, _, _ =	vpop (xrf0);
	(v2sf) =	vpush v9, $0xF  }
0x198: {  	(v2sf) =	vpush v12, $0xF;
	v12, _, _ =	vpop (xrf2)  }
0x199: {  	(v2sf) =	vpush v12, $0xF  }
0x19a: {  	(erf) = vpow2.f32 v10;
	v10, _, _ =	vpop (xrf0)  }
0x19b: {  	(v2sf) =	vpush v10, $0xF;
	v10, _, _ =	vpop (xrf2)  }
0x19c: {  	(v2sf) =	vpush v10, $0xF  }
0x19d: {  	s24 =	spop (v2sf)  }
0x19e: {  	s29 =	spop (v2sf)  }
0x19f: {  	s0 =	sadd.f32 s29, s28  }
0x1a0: {  	s23 =	spop (v2sf)  }
0x1a1: {  	vm3 =	vmmov vm3;
	vm5 =	vmmov vm5;
	s2 =	sadd.f32 s0, s18;
	s30 =	spop (v2sf)  }
0x1a2: {  	vm3 =	vmmov vm3;
	vm5 =	vmmov vm5;
	v13 =	vor.u32 s1, v0;
	s0 =	sadd.f32 s30, s0  }
0x1a3: {  	vm4 =	vmmov vm4;
	vm5 =	vmmov vm5;
	vm8 =	vge.s32 v13, v6;
	v6 =	vpop (erf);
	s25 =	spop (v2sf)  }
0x1a4: {  	vm4 =	vmmov vm4;
	v11 =	vadd.f32 s2, v11;
	v6 =	vnsel vm8, $0x0, v6;
	s31 =	sadd.f32 s0, s18;
	s3 =	spop (v2sf)  }
0x1a5: {  	vm3 =	vmmov vm3;
	vm5 =	vmmov vm5;
	vm4 =	vmmov vm4;
	(xrf2) =	vadd.scan.msk.f32 $0xffff, v6;
	s0 =	sadd.f32 s3, s0;
	s26 =	spop (v2sf)  }
0x1a6: {  	vm4 =	vmmov vm4;
	vm7 =	vmmov vm7;
	vm9 =	vlt.f32 v11, v7;
	s4 =	spop (v2sf)  }
0x1a7: {  	vm4 =	vmmov vm4;
	vm3 =	vmand vm3, vm9;
	v6 =	vadd.f32 s31, v8;
	s5 =	sadd.f32 s4, s0;
	s28 =	spop (v2sf)  }
0x1a8: {  	vm7 =	vmmov vm7;
	vm6 =	vmmov vm6;
	v8 =	vsel vm3, $0x1, v3;
	s0 =	sadd.f32 s0, s18;
	s7 =	spop (v2sf)  }
0x1a9: {  	vm3 =	vmmov vm7;
	vm7 =	vmmov vm8;
	vm8 =	vlt.f32 v6, v7;
	s2 =	sadd.f32 s7, s5  }
0x1aa: {  	vm6 =	vmmov vm6;
	vm5 =	vmand vm5, vm8;
	v6 =	vadd.f32 s0, v9;
	s8 =	sadd.f32 s5, s18;
	s29 =	spop (v2sf)  }
0x1ab: {  	vm3 =	vmmov vm3;
	v9 =	vsel vm5, $0x1, v3;
	vm5 =	vmmov vm6;
	s10 =	sadd.f32 s2, s18;
	s11 =	spop (v2sf)  }
0x1ac: {  	vm6 =	vmmov vm7;
	vm7 =	vlt.f32 v6, v7;
	v6 =	vadd.f32 s8, v12;
	s13 =	sadd.f32 s11, s2  }
0x1ad: {  	v11 =	vld [tilespmem:s6+$0x100];
	vm3 =	vmmov vm3;
	vm5 =	vmmov vm5;
	vm4 =	vmand vm4, vm7  }
0x1ae: {  	(xrf0) =	vadd.scan.msk.s32 $0xffff, v8;
	v8 =	vsel vm4, $0x1, v3;
	vm4 =	vlt.f32 v6, v7;
	v6 =	vadd.f32 s10, v10;
	s0 =	sadd.f32 s13, s18  }
0x1af: {  	(xrf0) =	vadd.scan.msk.s32 $0xffff, v9;
	vm6 =	vmmov vm6;
	v9, _, _ =	vpop (xrf2);
	v10 =	vld [tilespmem:s6+$0x110];
	vm3 =	vmand vm3, vm4;
	vm4 =	vmmov vm5  }
0x1b0: {  	(xrf0) =	vadd.scan.msk.s32 $0xffff, v8;
	v8 =	vsel vm3, $0x1, v3;
	vm3 =	vlt.f32 v6, v7;
	v6 =	vadd.f32 s0, v9  }
0x1b1: {  	vm5 =	vmmov vm6;
	(xrf0) =	vadd.scan.msk.s32 $0xffff, v8;
	vm3 =	vmand vm4, vm3;
	v8 =	vld [tilespmem:s6+$0x120]  }
0x1b2: {  	(xrf2) =	vadd.scan.msk.f32 $0xffff, v11;
	vm4 =	vmmov vm5;
	v12 =	vsel vm3, $0x1, v3;
	vm3 =	vlt.f32 v6, v7  }
0x1b3: {  	(xrf0) =	vadd.scan.msk.s32 $0xffff, v12;
	v6 =	vld [tilespmem:s6+$0x130];
	vm3 =	vmand vm4, vm3  }
0x1b4: {  	(xrf2) =	vadd.scan.msk.f32 $0xffff, v10;
	v7 =	vsel vm3, $0x1, v3  }
0x1b5: {  	v12, _, _ =	vpop (xrf0);
	(xrf0) =	vadd.scan.msk.s32 $0xffff, v7;
	v7 =	vld [tilespmem:s6+$0x140]  }
0x1b6: {  	(v2sf) =	vpush v12, $0xF;
	(xrf2) =	vadd.scan.msk.f32 $0xffff, v8  }
0x1b7: {  	v12, _, _ =	vpop (xrf0);
	(v2sf) =	vpush v9, $0xF  }
0x1b8: {  	v9, _, _ =	vpop (xrf0);
	(v2sf) =	vpush v12, $0xF;
	(xrf2) =	vadd.scan.msk.f32 $0xffff, v6  }
0x1b9: {  	(v2sf) =	vpush v9, $0xF;
	v9, _, _ =	vpop (xrf0)  }
0x1ba: {  	vm3 =	veq.s32 v1, v0;
	(v2sf) =	vpush v9, $0xF;
	v9, _, _ =	vpop (xrf0);
	(xrf2) =	vadd.scan.msk.f32 $0xffff, v7  }
0x1bb: {  	v12 =	vnsel vm3, $0x0, v4;
	(v2sf) =	vpush v9, $0xF;
	v9, _, _ =	vpop (xrf0)  }
0x1bc: {  	(v2sf) =	vpush v9, $0xF;
	v9, _, _ =	vpop (xrf2);
	(xrf2) =	vadd.scan.msk.f32 $0xffff, v12  }
0x1bd: {  	(v2sf) =	vpush v9, $0xF  }
0x1be: {  	v12, _, _ =	vpop (xrf2)  }
0x1bf: {  	(v2sf) =	vpush v12, $0xF  }
0x1c0: {  	v13, _, _ =	vpop (xrf2)  }
0x1c1: {  	(v2sf) =	vpush v13, $0xF  }
0x1c2: {  	v14, _, _ =	vpop (xrf2)  }
0x1c3: {  	(v2sf) =	vpush v14, $0xF  }
0x1c4: {  	v15, _, _ =	vpop (xrf2)  }
0x1c5: {  	s16 =	spop (v2sf);
	(v2sf) =	vpush v15, $0xF  }
0x1c6: {  	s14 =	spop (v2sf);
	v16, _, _ =	vpop (xrf2)  }
0x1c7: {  	s13 =	spop (v2sf);
	(v2sf) =	vpush v16, $0xF  }
0x1c8: {  	s1 =	spop (v2sf)  }
0x1c9: {  	s2 =	spop (v2sf)  }
0x1ca: {  	s0 =	spop (v2sf)  }
0x1cb: {  	s31 =	spop (v2sf)  }
0x1cc: {  	s15 =	spop (v2sf)  }
0x1cd: {  	s3 =	sadd.f32 $0.0e+00, s15  }
0x1ce: {  	s18 =	spop (v2sf)  }
0x1cf: {  	s4 =	sadd.f32 s18, s3  }
0x1d0: {  	s20 =	spop (v2sf)  }
0x1d1: {  	s5 =	sadd.f32 s20, s4  }
0x1d2: {  	s7 =	spop (v2sf)  }
0x1d3: {  	s7 =	sadd.f32 s7, s5  }
0x1d4: {  	s8 =	spop (v2sf)  }
0x1d5: {  	s8 =	sadd.f32 s8, s7  }
0x1d6: {  	s30 =	spop (v2sf)  }
0x1d7: {  	s30 =	smul.f32 s8, s30;
	_ =	sdelay $0x1  }
0x1d8: {  	vm3 =	vlt.f32 v9, s30;
	v9 =	vadd.f32 s3, v12  }
0x1d9: {  	v11 =	vnsel vm3, $0x0, v11  }
0x1da: {  	(xrf2) =	vadd.scan.msk.f32 $0xffff, v11;
	vm4 =	vlt.f32 v9, s30;
	v9 =	vadd.f32 s4, v13  }
0x1db: {  	v10 =	vnsel vm4, $0x0, v10  }
0x1dc: {  	v11 =	vsel vm3, $0x1, v3;
	(xrf2) =	vadd.scan.msk.f32 $0xffff, v10;
	vm3 =	vlt.f32 v9, s30;
	v9 =	vadd.f32 s5, v14  }
0x1dd: {  	(xrf0) =	vadd.scan.msk.s32 $0xffff, v11;
	v8 =	vnsel vm3, $0x0, v8  }
0x1de: {  	v10 =	vsel vm4, $0x1, v3;
	(xrf2) =	vadd.scan.msk.f32 $0xffff, v8;
	vm4 =	vlt.f32 v9, s30  }
0x1df: {  	(xrf0) =	vadd.scan.msk.s32 $0xffff, v10;
	v6 =	vnsel vm4, $0x0, v6  }
0x1e0: {  	v8 =	vsel vm3, $0x1, v3;
	(xrf2) =	vadd.scan.msk.f32 $0xffff, v6;
	v6 =	vadd.f32 s7, v15  }
0x1e1: {  	(xrf0) =	vadd.scan.msk.s32 $0xffff, v8  }
0x1e2: {  	v8 =	vsel vm4, $0x1, v3;
	vm3 =	vlt.f32 v6, s30  }
0x1e3: {  	v9, _, _ =	vpop (xrf0);
	(xrf0) =	vadd.scan.msk.s32 $0xffff, v8;
	v8 =	vsel vm3, $0x1, v3  }
0x1e4: {  	(v2sf) =	vpush v9, $0xF;
	v6, _, _ =	vpop (xrf2)  }
0x1e5: {  	(v2sf) =	vpush v6, $0xF;
	v6, _, _ =	vpop (xrf0);
	(xrf0) =	vadd.scan.msk.s32 $0xffff, v8  }
0x1e6: {  	v8, _, _ =	vpop (xrf2);
	(v2sf) =	vpush v6, $0xF  }
0x1e7: {  	v6, _, _ =	vpop (xrf0);
	(v2sf) =	vpush v8, $0xF  }
0x1e8: {  	(v2sf) =	vpush v6, $0xF;
	v6, _, _ =	vpop (xrf2)  }
0x1e9: {  	v7 =	vnsel vm3, $0x0, v7;
	(v2sf) =	vpush v6, $0xF;
	v6, _, _ =	vpop (xrf0)  }
0x1ea: {  	(xrf2) =	vadd.scan.msk.f32 $0xffff, v7;
	(v2sf) =	vpush v6, $0xF;
	v6, _, _ =	vpop (xrf2)  }
0x1eb: {  	(v2sf) =	vpush v6, $0xF;
	v6, _, _ =	vpop (xrf0)  }
0x1ec: {  	(v2sf) =	vpush v6, $0xF;
	_ =	sdelay $0x6  }
0x1ed: {  	s4 =	spop (v2sf)  }
0x1ee: {  	v6, _, _ =	vpop (xrf2);
	s15 =	spop (v2sf)  }
0x1ef: {  	s5 =	spop (v2sf);
	(v2sf) =	vpush v6, $0xF  }
0x1f0: {  	s14 =	spop (v2sf)  }
0x1f1: {  	s7 =	spop (v2sf)  }
0x1f2: {  	s11 =	spop (v2sf)  }
0x1f3: {  	s3 =	sadd.s32 s4, s5;
	s8 =	spop (v2sf)  }
0x1f4: {  	s3 =	sadd.s32 s3, s7;
	s5 =	spop (v2sf)  }
0x1f5: {  	s3 =	sadd.s32 s3, s8;
	s10 =	spop (v2sf)  }
0x1f6: {  	s3 =	sadd.s32 s3, s10  }
0x1f7: {  	p1 =	slt.s32 s3, $0x4E  }
0x1f8: {  	p0 =	sgt.s32 s3, $0x4D;
	s3 =	simm.s32 @!p1 $0x4E  }
0x1f9: {  	s18 =	smul.u32 $0x2800, s3  }
0x1fa: {  	s20 =	rddreg [dreg:$0x5]  }
0x1fb: {  	s4 =	sadd.s32 s20, s18  }
0x1fc: {  	s4 =	sshrl.u32 s4, $0x3  }
0x1fd: {  	s7 =	rddreg [dreg:$0x6];
	s8 =	simm.s32 $0x480;
	s4 =	sadd.s32 s17, s4  }
0x1fe: {  	s20 =	simm.s32 $0x0;
	s10 =	spop (v2sf);
	s4 =	smov.u32 @p0 s7  }
0x1ff: {  	[tilespmem:s8], [sflag:$0x1] =	stream.linear.gather [hbm4b:s4+s20], $0x2800, $0x38;
	[tilespmem:$0x2D00] =	vst v63  }
0x200: {  	s17 =	sand.u32 $0x3C00, s20;
	_ =	swait.ge [sflag:s12], $0x2800  }
0x201: {  	s18 =	sand.u32 $0x70, s20;
	s4 =	sadd.s32 s17, s9;
	[sflag:s12] =	ssyncset.done $0x0  }
0x202: {  	s4 =	sadd.s32 s18, s4;
	[sflag:s12] =	ssyncadd.s32 $0xFFFFD800  }
0x203: {  	s8 =	simm.s32 $0x80;
	v6 =	vld [tilespmem:s4+$0x100]  }
0x204: {  	s7 =	simm.s32 $0x10;
	s4 =	sand.u32 $0x3C00, s8  }
0x205: {  	s17 =	sand.u32 $0x70, s7;
	s4 =	sadd.s32 s4, s9  }
0x206: {  	s4 =	sadd.s32 s17, s4  }
0x207: {  	v7 =	vld [tilespmem:s4+$0x100]  }
0x208: {  	s18 =	simm.s32 $0x100;
	v6 =	vmul.f32 $7.000000000e+00, v6  }
0x209: {  	s8 =	simm.s32 $0x20;
	s4 =	sand.u32 $0x3C00, s18  }
0x20a: {  	s17 =	sand.u32 $0x70, s8;
	s4 =	sadd.s32 s4, s9;
	v6 =	vmul.f32 $1.442695020e+00, v6  }
0x20b: {  	s4 =	sadd.s32 s17, s4  }
0x20c: {  	(erf) = vpow2.f32 v6;
	v6 =	vmul.f32 $7.000000000e+00, v7;
	v7 =	vld [tilespmem:s4+$0x100]  }
0x20d: {  	s17 =	simm.s32 $0x180  }
0x20e: {  	s17 =	sand.u32 $0x3C00, s17;
	s4 =	simm.s32 $0x30;
	v6 =	vmul.f32 $1.442695020e+00, v6  }
0x20f: {  	s18 =	smul.u32 $0x500, s3;
	s3 =	sadd.s32 s17, s9;
	s17 =	sand.u32 $0x70, s4  }
0x210: {  	s3 =	sadd.s32 s17, s3;
	(erf) = vpow2.f32 v6  }
0x211: {  	v8 =	vld [tilespmem:s3+$0x100];
	v7 =	vmul.f32 $7.000000000e+00, v7  }
0x212: {  	v9 =	vor.u32 s20, v0;
	s17 =	sadd.s32 $0xFFFE7E60, s18  }
0x213: {  	s17 =	simm.s32 @!p0 $0x0;
	v7 =	vmul.f32 $1.442695020e+00, v7  }
0x214: {  	v6 =	vmov s17  }
0x215: {  	vm3 =	vge.s32 v9, v6;
	v9 =	vpop (erf);
	(erf) = vpow2.f32 v7  }
0x216: {  	v7 =	vmul.f32 $7.000000000e+00, v8;
	v8 =	vor.u32 s7, v0;
	v9 =	vnsel vm3, $0x0, v9  }
0x217: {  	(xrf2) =	vadd.scan.msk.f32 $0xffff, v9  }
0x218: {  	s17 =	simm.s32 $0x200  }
0x219: {  	[dreg:$0xb] =	wrdreg s18;
	s3 =	simm.s32 $0x40;
	s18 =	sand.u32 $0x3C00, s17;
	vm4 =	vge.s32 v8, v6;
	v8 =	vpop (erf)  }
0x21a: {  	s21 =	sadd.s32 s21, s22;
	s17 =	sadd.s32 s18, s9;
	s18 =	sand.u32 $0x70, s3;
	v8 =	vnsel vm4, $0x0, v8  }
0x21b: {  	s22 =	sadd.s32 s21, s24;
	s17 =	sadd.s32 s18, s17;
	(xrf2) =	vadd.scan.msk.f32 $0xffff, v8  }
0x21c: {  	s7 =	sadd.s32 s22, s23;
	v9 =	vld [tilespmem:s17+$0x100]  }
0x21d: {  	s23 =	simm.s32 $0x280;
	s7 =	sadd.s32 s7, s25;
	v7 =	vmul.f32 $1.442695020e+00, v7;
	v8 =	vor.u32 s8, v0  }
0x21e: {  	s21 =	simm.s32 $0x50;
	s17 =	sand.u32 $0x3C00, s23;
	s7 =	sadd.s32 s7, s26  }
0x21f: {  	s24 =	sand.u32 $0x70, s21;
	s17 =	sadd.s32 s17, s9;
	s7 =	sadd.s32 s7, s28;
	(erf) = vpow2.f32 v7  }
0x220: {  	s17 =	sadd.s32 s24, s17;
	s7 =	sadd.s32 s7, s29;
	vm5 =	vge.s32 v8, v6;
	v8 =	vpop (erf)  }
0x221: {  	s25 =	simm.s32 $0x300;
	s28 =	sadd.f32 $0.0e+00, s15;
	s7 =	sadd.s32 s7, s16;
	v7 =	vmul.f32 $7.000000000e+00, v9;
	v9 =	vld [tilespmem:s17+$0x100];
	v8 =	vnsel vm5, $0x0, v8;
	v10, _, _ =	vpop (xrf2)  }
0x222: {  	s26 =	sand.u32 $0x3C00, s25;
	s7 =	sadd.s32 s7, s13;
	(xrf2) =	vadd.scan.msk.f32 $0xffff, v8;
	v8 =	vor.u32 s4, v0;
	(v2sf) =	vpush v10, $0xF  }
0x223: {  	s16 =	sadd.f32 s14, s28;
	s13 =	simm.s32 $0x60;
	s1 =	sadd.s32 s7, s1;
	v7 =	vmul.f32 $1.442695020e+00, v7  }
0x224: {  	s29 =	sand.u32 $0x70, s13;
	s7 =	sadd.s32 s26, s9;
	s1 =	sadd.s32 s1, s2  }
0x225: {  	s15 =	sadd.s32 s29, s7;
	s0 =	sadd.s32 s1, s0;
	(erf) = vpow2.f32 v7;
	vm6 =	vge.s32 v8, v6;
	v8, _, _ =	vpop (xrf2)  }
0x226: {  	s17 =	simm.s32 $0x380;
	s1 =	sadd.f32 s11, s16;
	s0 =	sadd.s32 s0, s31;
	v7 =	vmul.f32 $7.000000000e+00, v9;
	v9 =	vld [tilespmem:s15+$0x100];
	(v2sf) =	vpush v8, $0xF  }
0x227: {  	s18 =	simm.s32 $0x70;
	s0 =	sadd.s32 s19, s0;
	s4 =	sand.u32 $0x3C00, s17  }
0x228: {  	s19 =	sand.u32 $0x70, s18;
	s1 =	sadd.f32 s5, s1;
	v11 =	vpop (erf);
	s4 =	sadd.s32 s4, s9;
	v7 =	vmul.f32 $1.442695020e+00, v7  }
0x229: {  	v11 =	vnsel vm6, $0x0, v11;
	s22 =	sadd.s32 s19, s4  }
0x22a: {  	p0 =	slt.s32 s0, $0x1869F;
	s19 =	sadd.f32 s10, s1;
	v12 =	vld [tilespmem:s22+$0x100];
	(erf) = vpow2.f32 v7;
	(xrf2) =	vadd.scan.msk.f32 $0xffff, v11;
	v11 =	vor.u32 s3, v0  }
0x22b: {  	vm7 =	veq.s32 v0, $0x1;
	vm3 =	vmmov vm3;
	s23 =	simm.f32 $0.0e+00;
	s0 =	simm.s32 @!p0 $0x1869F;
	v9 =	vmul.f32 $7.000000000e+00, v9  }
0x22c: {  	vm3 =	vmmov vm3;
	s24 =	simm.s32 $0x400;
	vm4 =	vmmov vm4;
	v5 =	vsel vm7, s0, v5;
	s26 =	sadd.f32 s23, s19  }
0x22d: {  	s25 =	simm.s32 $0x80;
	vm7 =	vmmov vm3;
	s3 =	sand.u32 $0x3C00, s24;
	vm3 =	vge.s32 v11, v6;
	v9 =	vmul.f32 $1.442695020e+00, v9;
	v11, _, _ =	vpop (xrf2)  }
0x22e: {  	s28 =	sand.u32 $0x70, s25;
	vm4 =	vmmov vm4;
	s3 =	sadd.s32 s3, s9;
	v10 =	vadd.f32 s26, v10;
	v13 =	vpop (erf);
	(v2sf) =	vpush v11, $0xF  }
0x22f: {  	s3 =	sadd.s32 s28, s3;
	v13 =	vnsel vm3, $0x0, v13;
	(erf) = vpow2.f32 v9;
	v9 =	vmul.f32 $7.000000000e+00, v12  }
0x230: {  	vm4 =	vmmov vm4;
	vm7 =	vmmov vm7;
	v7 =	vmov s30;
	(xrf2) =	vadd.scan.msk.f32 $0xffff, v13;
	v13 =	vld [tilespmem:s3+$0x100]  }
0x231: {  	vm7 =	vmmov vm7;
	s30 =	simm.s32 $0x480;
	vm9 =	vlt.f32 v10, v7;
	v9 =	vmul.f32 $1.442695020e+00, v9;
	s29 =	spop (v2sf)  }
0x232: {  	vm5 =	vmmov vm5;
	s31 =	simm.s32 $0x90;
	v12 =	vor.u32 s21, v0;
	vm7 =	vmand vm7, vm9;
	s3 =	sand.u32 $0x3C00, s30;
	s0 =	sadd.f32 s29, s23  }
0x233: {  	s11 =	sand.u32 $0x70, s31;
	vm8 =	vge.s32 v12, v6;
	s3 =	sadd.s32 s3, s9;
	v14 =	vpop (erf);
	(erf) = vpow2.f32 v9;
	v9 =	vsel vm7, $0x1, v3  }
0x234: {  	vm4 =	vmmov vm4;
	vm5 =	vmmov vm5;
	s3 =	sadd.s32 s11, s3;
	v10 =	vnsel vm8, $0x0, v14;
	(xrf0) =	vadd.scan.msk.s32 $0xffff, v9;
	s10 =	sadd.f32 s0, s19  }
0x235: {  	vm5 =	vmmov vm5;
	(xrf2) =	vadd.scan.msk.f32 $0xffff, v10;
	v10 =	vor.u32 s13, v0;
	v9 =	vmul.f32 $7.000000000e+00, v13;
	v13 =	vld [tilespmem:s3+$0x100];
	s14 =	spop (v2sf)  }
0x236: {  	vm4 =	vmmov vm4;
	vm5 =	vmmov vm5;
	v12, _, _ =	vpop (xrf2);
	v8 =	vadd.f32 s10, v8;
	s3 =	sadd.f32 s14, s0  }
0x237: {  	vm3 =	vmmov vm3;
	(v2sf) =	vpush v12, $0xF;
	v9 =	vmul.f32 $1.442695020e+00, v9  }
0x238: {  	vm7 =	vmmov vm3;
	vm3 =	vge.s32 v10, v6;
	v10 =	vpop (erf);
	vm9 =	vlt.f32 v8, v7;
	s16 =	sadd.f32 s3, s19  }
0x239: {  	v10 =	vnsel vm3, $0x0, v10;
	(erf) = vpow2.f32 v9;
	vm4 =	vmand vm4, vm9  }
0x23a: {  	(xrf2) =	vadd.scan.msk.f32 $0xffff, v10;
	v10 =	vmul.f32 $7.000000000e+00, v13;
	v8 =	vsel vm4, $0x1, v3;
	v11 =	vadd.f32 s16, v11  }
0x23b: {  	vm5 =	vmmov vm5;
	v9 =	vor.u32 s18, v0  }
0x23c: {  	v14, _, _ =	vpop (xrf2);
	vm4 =	vge.s32 v9, v6;
	v9 =	vmul.f32 $1.442695020e+00, v10;
	(xrf0) =	vadd.scan.msk.s32 $0xffff, v8;
	vm9 =	vlt.f32 v11, v7  }
0x23d: {  	(v2sf) =	vpush v14, $0xF;
	s21 =	spop (v2sf);
	v8, _, _ =	vpop (xrf0);
	vm5 =	vmand vm5, vm9  }
0x23e: {  	s3 =	sadd.f32 s21, s3;
	(v2sf) =	vpush v8, $0xF;
	v8 =	vpop (erf);
	(erf) = vpow2.f32 v9;
	v9 =	vsel vm5, $0x1, v3  }
0x23f: {  	s15 =	simm.s32 $0x500;
	(xrf0) =	vadd.scan.msk.s32 $0xffff, v9  }
0x240: {  	s4 =	sand.u32 $0x3C00, s15;
	s0 =	simm.s32 $0xA0;
	s23 =	sadd.f32 s3, s19  }
0x241: {  	s4 =	sadd.s32 s4, s9;
	s17 =	sand.u32 $0x70, s0;
	v10 =	vnsel vm4, $0x0, v8;
	v8, _, _ =	vpop (xrf2)  }
0x242: {  	s18 =	sadd.s32 s17, s4;
	v11 =	vor.u32 s25, v0;
	(v2sf) =	vpush v8, $0xF;
	v12 =	vadd.f32 s23, v12;
	v9, _, _ =	vpop (xrf0)  }
0x243: {  	vm6 =	vmmov vm6;
	v13 =	vld [tilespmem:s18+$0x100];
	vm5 =	vge.s32 v11, v6;
	(v2sf) =	vpush v9, $0xF;
	v9 =	vpop (erf)  }
0x244: {  	vm6 =	vmmov vm6;
	vm9 =	vlt.f32 v12, v7;
	v12 =	vnsel vm5, $0x0, v9;
	v9, _, _ =	vpop (xrf2)  }
0x245: {  	s22 =	simm.s32 $0x580;
	vm6 =	vmmov vm6;
	(v2sf) =	vpush v9, $0xF;
	v63, _, _ =	vpop (xrf0)  }
0x246: {  	s2 =	simm.s32 $0xB0;
	vm6 =	vmmov vm6;
	s4 =	sand.u32 $0x3C00, s22;
	s26 =	spop (v2sf);
	(xrf2) =	vadd.scan.msk.f32 $0xffff, v10;
	(v2sf) =	vpush v63, $0xF  }
0x247: {  	s24 =	sand.u32 $0x70, s2;
	vm6 =	vmmov vm6;
	vm8 =	vmmov vm8;
	s4 =	sadd.s32 s4, s9  }
0x248: {  	vm7 =	vmmov vm7;
	vm8 =	vmmov vm8;
	s25 =	sadd.s32 s24, s4;
	v13 =	vmul.f32 $7.000000000e+00, v13  }
0x249: {  	vm7 =	vmmov vm7;
	vm8 =	vmmov vm8;
	vm3 =	vmmov vm3;
	v15 =	vld [tilespmem:s25+$0x100]  }
0x24a: {  	s11 =	simm.s32 $0x600;
	vm7 =	vmmov vm7;
	vm3 =	vmmov vm3;
	v11 =	vmul.f32 $1.442695020e+00, v13;
	s10 =	sadd.f32 s26, s3  }
0x24b: {  	s1 =	simm.s32 $0xC0;
	s28 =	sand.u32 $0x3C00, s11;
	vm4 =	vmmov vm4;
	v13 =	vor.u32 s31, v0;
	vm9 =	vmand vm6, vm9;
	(xrf2) =	vadd.scan.msk.f32 $0xffff, v12  }
0x24c: {  	s30 =	sand.u32 $0x70, s1;
	s3 =	sadd.s32 s28, s9;
	(erf) = vpow2.f32 v11;
	s29 =	sadd.f32 s10, s19;
	vm6 =	vmmov vm8;
	v10 =	vsel vm9, $0x1, v3  }
0x24d: {  	s31 =	sadd.s32 s30, s3;
	vm8 =	vmmov vm3;
	vm3 =	vmmov vm4;
	vm4 =	vge.s32 v13, v6;
	(xrf0) =	vadd.scan.msk.s32 $0xffff, v10  }
0x24e: {  	s3 =	simm.s32 $0xD0;
	vm5 =	vmmov vm5;
	v12 =	vmul.f32 $7.000000000e+00, v15;
	v11 =	vadd.f32 s29, v14;
	v10 =	vld [tilespmem:s31+$0x100];
	s4 =	spop (v2sf);
	v13 =	vpop (erf)  }
.LBB2_6:
0x24f: {  	p0 =	sne.s32 s3, $0x4F0  }
0x250: {  	v12 =	vmul.f32 $1.442695020e+00, v12;
	v13 =	vnsel vm4, $0x0, v13;
	v14, _, _ =	vpop (xrf2);
	vm9 =	vlt.f32 v11, v7;
	s10 =	sadd.f32 s4, s10;
	s4 =	smov.u32 s3;
	s3 =	sadd.s32 $0x10, s3  }
.Ltmp2:
0x251: {  	s11 =	sadd.s32 $0x80, s11;
	vm9 =	vmand vm7, vm9;
	s5 =	spop (v2sf);
	vm7 =	vmmov vm6;
	vm6 =	vmmov vm8;
	(pc) =	sbr.rel @p0 .LBB2_6-.Ltmp2, $4  }
0x252: {  	s7 =	sand.u32 $0x3C00, s11;
	(erf) = vpow2.f32 v12;
	(xrf2) =	vadd.scan.msk.f32 $0xffff, v13;
	(v2sf) =	vpush v14, $0xF;
	s8 =	sadd.f32 s10, s19;
	v11 =	vsel vm9, $0x1, v3;
	s20 =	sadd.s32 s20, s5  }
0x253: {  	v15 =	vor.u32 s0, v0;
	s0 =	smov.u32 s2;
	vm8 =	vmmov vm3;
	vm3 =	vmmov vm5;
	s5 =	sand.u32 $0x70, s4;
	s7 =	sadd.s32 s7, s9;
	(xrf0) =	vadd.scan.msk.s32 $0xffff, v11;
	v13, _, _ =	vpop (xrf0)  }
0x254: {  	s2 =	smov.u32 s1;
	s1 =	smov.u32 s4;
	s5 =	sadd.s32 s5, s7;
	v12 =	vmul.f32 $7.000000000e+00, v10;
	v11 =	vadd.f32 s8, v8;
	(v2sf) =	vpush v13, $0xF;
	v8 =	vmovc v9;
	v9 =	vmovc v14  }
0x255: {  	vm5 =	vmmov vm4;
	vm4 =	vge.s32 v15, v6;
	v10 =	vld [tilespmem:s5+$0x100];
	v13 =	vpop (erf);
	s4 =	spop (v2sf)  }
0x256: {  	v12 =	vmul.f32 $1.442695020e+00, v12;
	_ =	sdelay $0x1  }
0x257: {  	(erf) = vpow2.f32 v12  }
0x258: {  	s3 =	sadd.f32 s4, s10;
	vm9 =	vlt.f32 v11, v7;
	v11 =	vor.u32 s0, v0  }
0x259: {  	s22 =	spop (v2sf)  }
0x25a: {  	s5 =	spop (v2sf);
	s4 =	sadd.f32 s3, s19  }
0x25b: {  	vm9 =	vmand vm7, vm9;
	vm7 =	vge.s32 v11, v6;
	v12 =	vnsel vm4, $0x0, v13;
	s31 =	sadd.f32 s5, s3;
	v11 =	vpop (erf)  }
0x25c: {  	(xrf2) =	vadd.scan.msk.f32 $0xffff, v12;
	v8 =	vadd.f32 s4, v8;
	v11 =	vnsel vm7, $0x0, v11  }
0x25d: {  	s3 =	sadd.f32 s31, s19;
	(xrf2) =	vadd.scan.msk.f32 $0xffff, v11;
	v11 =	vor.u32 s2, v0  }
0x25e: {  	vm6 =	vmmov vm6;
	vm10 =	vlt.f32 v8, v7  }
0x25f: {  	v8 =	vsel vm9, $0x1, v3;
	v9 =	vadd.f32 s3, v9;
	vm6 =	vmand vm6, vm10  }
0x260: {  	vm8 =	vmmov vm8;
	(xrf0) =	vadd.scan.msk.s32 $0xffff, v8;
	v8 =	vsel vm6, $0x1, v3;
	vm6 =	vge.s32 v11, v6;
	v11 =	vpop (erf)  }
0x261: {  	vm8 =	vmmov vm8;
	vm9 =	vlt.f32 v9, v7;
	(xrf0) =	vadd.scan.msk.s32 $0xffff, v8;
	v8 =	vnsel vm6, $0x0, v11  }
0x262: {  	vm8 =	vmand vm8, vm9;
	v11, _, _ =	vpop (xrf2);
	(xrf2) =	vadd.scan.msk.f32 $0xffff, v8  }
0x263: {  	v9 =	vsel vm8, $0x1, v3;
	(v2sf) =	vpush v11, $0xF  }
0x264: {  	v8, _, _ =	vpop (xrf0)  }
0x265: {  	v10 =	vmul.f32 $7.000000000e+00, v10;
	(xrf0) =	vadd.scan.msk.s32 $0xffff, v9;
	(v2sf) =	vpush v8, $0xF;
	v8, _, _ =	vpop (xrf2)  }
0x266: {  	v9, _, _ =	vpop (xrf0);
	(v2sf) =	vpush v8, $0xF  }
0x267: {  	v10 =	vmul.f32 $1.442695020e+00, v10;
	(v2sf) =	vpush v9, $0xF;
	v9, _, _ =	vpop (xrf2)  }
0x268: {  	v12, _, _ =	vpop (xrf0);
	(v2sf) =	vpush v9, $0xF  }
0x269: {  	(v2sf) =	vpush v12, $0xF;
	v12, _, _ =	vpop (xrf2)  }
0x26a: {  	(v2sf) =	vpush v12, $0xF  }
0x26b: {  	(erf) = vpow2.f32 v10;
	v10, _, _ =	vpop (xrf0)  }
0x26c: {  	(v2sf) =	vpush v10, $0xF;
	v10, _, _ =	vpop (xrf2)  }
0x26d: {  	(v2sf) =	vpush v10, $0xF  }
0x26e: {  	s24 =	spop (v2sf)  }
0x26f: {  	s3 =	spop (v2sf)  }
0x270: {  	s0 =	sadd.f32 s3, s31  }
0x271: {  	s23 =	spop (v2sf)  }
0x272: {  	vm3 =	vmmov vm3;
	vm5 =	vmmov vm5;
	s2 =	sadd.f32 s0, s19;
	s4 =	spop (v2sf)  }
0x273: {  	vm3 =	vmmov vm3;
	vm5 =	vmmov vm5;
	v13 =	vor.u32 s1, v0;
	s0 =	sadd.f32 s4, s0  }
0x274: {  	vm4 =	vmmov vm4;
	vm5 =	vmmov vm5;
	vm8 =	vge.s32 v13, v6;
	v6 =	vpop (erf);
	s25 =	spop (v2sf)  }
0x275: {  	vm4 =	vmmov vm4;
	v11 =	vadd.f32 s2, v11;
	v6 =	vnsel vm8, $0x0, v6;
	s5 =	sadd.f32 s0, s19;
	s7 =	spop (v2sf)  }
0x276: {  	vm3 =	vmmov vm3;
	vm5 =	vmmov vm5;
	vm4 =	vmmov vm4;
	(xrf2) =	vadd.scan.msk.f32 $0xffff, v6;
	s0 =	sadd.f32 s7, s0;
	s26 =	spop (v2sf)  }
0x277: {  	vm4 =	vmmov vm4;
	vm7 =	vmmov vm7;
	vm9 =	vlt.f32 v11, v7;
	s8 =	spop (v2sf)  }
0x278: {  	vm4 =	vmmov vm4;
	vm3 =	vmand vm3, vm9;
	v6 =	vadd.f32 s5, v8;
	s10 =	sadd.f32 s8, s0;
	s28 =	spop (v2sf)  }
0x279: {  	vm7 =	vmmov vm7;
	vm6 =	vmmov vm6;
	v8 =	vsel vm3, $0x1, v3;
	s0 =	sadd.f32 s0, s19;
	s11 =	spop (v2sf)  }
0x27a: {  	vm3 =	vmmov vm7;
	vm7 =	vmmov vm8;
	vm8 =	vlt.f32 v6, v7;
	s2 =	sadd.f32 s11, s10  }
0x27b: {  	vm6 =	vmmov vm6;
	vm5 =	vmand vm5, vm8;
	v6 =	vadd.f32 s0, v9;
	s13 =	sadd.f32 s10, s19;
	s29 =	spop (v2sf)  }
0x27c: {  	vm3 =	vmmov vm3;
	v9 =	vsel vm5, $0x1, v3;
	vm5 =	vmmov vm6;
	s14 =	sadd.f32 s2, s19;
	s15 =	spop (v2sf)  }
0x27d: {  	vm6 =	vmmov vm7;
	vm7 =	vlt.f32 v6, v7;
	v6 =	vadd.f32 s13, v12;
	s16 =	sadd.f32 s15, s2  }
0x27e: {  	v11 =	vld [tilespmem:s6+$0x180];
	vm3 =	vmmov vm3;
	vm5 =	vmmov vm5;
	vm4 =	vmand vm4, vm7  }
0x27f: {  	(xrf0) =	vadd.scan.msk.s32 $0xffff, v8;
	v8 =	vsel vm4, $0x1, v3;
	vm4 =	vlt.f32 v6, v7;
	v6 =	vadd.f32 s14, v10;
	s0 =	sadd.f32 s16, s19  }
0x280: {  	(xrf0) =	vadd.scan.msk.s32 $0xffff, v9;
	vm6 =	vmmov vm6;
	v9, _, _ =	vpop (xrf2);
	v10 =	vld [tilespmem:s6+$0x190];
	vm3 =	vmand vm3, vm4;
	vm4 =	vmmov vm5  }
0x281: {  	(xrf0) =	vadd.scan.msk.s32 $0xffff, v8;
	v8 =	vsel vm3, $0x1, v3;
	vm3 =	vlt.f32 v6, v7;
	v6 =	vadd.f32 s0, v9  }
0x282: {  	vm5 =	vmmov vm6;
	(xrf0) =	vadd.scan.msk.s32 $0xffff, v8;
	vm3 =	vmand vm4, vm3;
	v8 =	vld [tilespmem:s6+$0x1A0]  }
0x283: {  	(xrf2) =	vadd.scan.msk.f32 $0xffff, v11;
	vm4 =	vmmov vm5;
	v12 =	vsel vm3, $0x1, v3;
	vm3 =	vlt.f32 v6, v7  }
0x284: {  	(xrf0) =	vadd.scan.msk.s32 $0xffff, v12;
	v6 =	vld [tilespmem:s6+$0x1B0];
	vm3 =	vmand vm4, vm3  }
0x285: {  	(xrf2) =	vadd.scan.msk.f32 $0xffff, v10;
	v7 =	vsel vm3, $0x1, v3  }
0x286: {  	v12, _, _ =	vpop (xrf0);
	(xrf0) =	vadd.scan.msk.s32 $0xffff, v7;
	v7 =	vld [tilespmem:s6+$0x1C0]  }
0x287: {  	(v2sf) =	vpush v12, $0xF;
	(xrf2) =	vadd.scan.msk.f32 $0xffff, v8  }
0x288: {  	v12, _, _ =	vpop (xrf0);
	(v2sf) =	vpush v9, $0xF  }
0x289: {  	v9, _, _ =	vpop (xrf0);
	(v2sf) =	vpush v12, $0xF;
	(xrf2) =	vadd.scan.msk.f32 $0xffff, v6  }
0x28a: {  	(v2sf) =	vpush v9, $0xF;
	v9, _, _ =	vpop (xrf0)  }
0x28b: {  	vm3 =	veq.s32 v2, v0;
	(v2sf) =	vpush v9, $0xF;
	v9, _, _ =	vpop (xrf0);
	(xrf2) =	vadd.scan.msk.f32 $0xffff, v7  }
0x28c: {  	v4 =	vnsel vm3, $0x0, v4;
	(v2sf) =	vpush v9, $0xF;
	v9, _, _ =	vpop (xrf0)  }
0x28d: {  	(v2sf) =	vpush v9, $0xF;
	v9, _, _ =	vpop (xrf2);
	(xrf2) =	vadd.scan.msk.f32 $0xffff, v4  }
0x28e: {  	(v2sf) =	vpush v9, $0xF  }
0x28f: {  	v4, _, _ =	vpop (xrf2)  }
0x290: {  	(v2sf) =	vpush v4, $0xF  }
0x291: {  	v12, _, _ =	vpop (xrf2)  }
0x292: {  	(v2sf) =	vpush v12, $0xF  }
0x293: {  	v13, _, _ =	vpop (xrf2)  }
0x294: {  	(v2sf) =	vpush v13, $0xF  }
0x295: {  	v14, _, _ =	vpop (xrf2)  }
0x296: {  	s16 =	spop (v2sf);
	(v2sf) =	vpush v14, $0xF  }
0x297: {  	s17 =	spop (v2sf);
	v15, _, _ =	vpop (xrf2)  }
0x298: {  	s13 =	spop (v2sf);
	(v2sf) =	vpush v15, $0xF  }
0x299: {  	s1 =	spop (v2sf)  }
0x29a: {  	s2 =	spop (v2sf)  }
0x29b: {  	s0 =	spop (v2sf)  }
0x29c: {  	s31 =	spop (v2sf)  }
0x29d: {  	s18 =	spop (v2sf)  }
0x29e: {  	s3 =	sadd.f32 $0.0e+00, s18  }
0x29f: {  	s19 =	spop (v2sf)  }
0x2a0: {  	s4 =	sadd.f32 s19, s3  }
0x2a1: {  	s21 =	spop (v2sf)  }
0x2a2: {  	s5 =	sadd.f32 s21, s4  }
0x2a3: {  	s7 =	spop (v2sf)  }
0x2a4: {  	s7 =	sadd.f32 s7, s5  }
0x2a5: {  	s8 =	spop (v2sf)  }
0x2a6: {  	s8 =	sadd.f32 s8, s7  }
0x2a7: {  	s30 =	spop (v2sf)  }
0x2a8: {  	s30 =	smul.f32 s8, s30;
	_ =	sdelay $0x1  }
0x2a9: {  	v4 =	vadd.f32 s3, v4;
	vm3 =	vlt.f32 v9, s30  }
0x2aa: {  	v9 =	vnsel vm3, $0x0, v11  }
0x2ab: {  	vm4 =	vlt.f32 v4, s30;
	v4 =	vadd.f32 s4, v12;
	(xrf2) =	vadd.scan.msk.f32 $0xffff, v9  }
0x2ac: {  	v9 =	vnsel vm4, $0x0, v10  }
0x2ad: {  	v10 =	vsel vm3, $0x1, v3;
	vm3 =	vlt.f32 v4, s30;
	v4 =	vadd.f32 s5, v13;
	(xrf2) =	vadd.scan.msk.f32 $0xffff, v9  }
0x2ae: {  	(xrf0) =	vadd.scan.msk.s32 $0xffff, v10;
	v8 =	vnsel vm3, $0x0, v8  }
0x2af: {  	v9 =	vsel vm4, $0x1, v3;
	(xrf2) =	vadd.scan.msk.f32 $0xffff, v8;
	vm4 =	vlt.f32 v4, s30  }
0x2b0: {  	(xrf0) =	vadd.scan.msk.s32 $0xffff, v9;
	v4 =	vnsel vm4, $0x0, v6  }
0x2b1: {  	v6 =	vsel vm3, $0x1, v3;
	(xrf2) =	vadd.scan.msk.f32 $0xffff, v4;
	v4 =	vadd.f32 s7, v14  }
0x2b2: {  	(xrf0) =	vadd.scan.msk.s32 $0xffff, v6  }
0x2b3: {  	v6 =	vsel vm4, $0x1, v3;
	vm3 =	vlt.f32 v4, s30  }
0x2b4: {  	v8, _, _ =	vpop (xrf0);
	(xrf0) =	vadd.scan.msk.s32 $0xffff, v6;
	v6 =	vsel vm3, $0x1, v3  }
0x2b5: {  	(v2sf) =	vpush v8, $0xF;
	v4, _, _ =	vpop (xrf2)  }
0x2b6: {  	(v2sf) =	vpush v4, $0xF;
	v4, _, _ =	vpop (xrf0);
	(xrf0) =	vadd.scan.msk.s32 $0xffff, v6  }
0x2b7: {  	v6, _, _ =	vpop (xrf2);
	(v2sf) =	vpush v4, $0xF  }
0x2b8: {  	v4, _, _ =	vpop (xrf0);
	(v2sf) =	vpush v6, $0xF  }
0x2b9: {  	(v2sf) =	vpush v4, $0xF;
	v4, _, _ =	vpop (xrf2)  }
0x2ba: {  	v6 =	vnsel vm3, $0x0, v7;
	(v2sf) =	vpush v4, $0xF;
	v4, _, _ =	vpop (xrf0)  }
0x2bb: {  	(xrf2) =	vadd.scan.msk.f32 $0xffff, v6;
	(v2sf) =	vpush v4, $0xF;
	v4, _, _ =	vpop (xrf2)  }
0x2bc: {  	(v2sf) =	vpush v4, $0xF;
	v4, _, _ =	vpop (xrf0)  }
0x2bd: {  	(v2sf) =	vpush v4, $0xF;
	_ =	sdelay $0x6  }
0x2be: {  	s4 =	spop (v2sf)  }
0x2bf: {  	v4, _, _ =	vpop (xrf2);
	s15 =	spop (v2sf)  }
0x2c0: {  	s5 =	spop (v2sf);
	(v2sf) =	vpush v4, $0xF  }
0x2c1: {  	s14 =	spop (v2sf)  }
0x2c2: {  	s7 =	spop (v2sf)  }
0x2c3: {  	s11 =	spop (v2sf)  }
0x2c4: {  	s3 =	sadd.s32 s4, s5;
	s8 =	spop (v2sf)  }
0x2c5: {  	s3 =	sadd.s32 s3, s7;
	s5 =	spop (v2sf)  }
0x2c6: {  	s3 =	sadd.s32 s3, s8;
	s10 =	spop (v2sf)  }
0x2c7: {  	s3 =	sadd.s32 s3, s10  }
0x2c8: {  	p1 =	slt.s32 s3, $0x4E  }
0x2c9: {  	p0 =	sgt.s32 s3, $0x4D;
	s3 =	simm.s32 @!p1 $0x4E  }
0x2ca: {  	s17 =	smul.u32 $0x2800, s3  }
0x2cb: {  	s18 =	rddreg [dreg:$0x5]  }
0x2cc: {  	s4 =	sadd.s32 s18, s17  }
0x2cd: {  	s19 =	rddreg [dreg:$0x3];
	s4 =	sshrl.u32 s4, $0x3  }
0x2ce: {  	s21 =	simm.s32 $0x480;
	s7 =	rddreg [dreg:$0x6];
	s4 =	sadd.s32 s19, s4  }
0x2cf: {  	s19 =	simm.s32 $0x0;
	s10 =	spop (v2sf);
	s4 =	smov.u32 @p0 s7  }
0x2d0: {  	[tilespmem:s21], [sflag:$0x1] =	stream.linear.gather [hbm4b:s4+s19], $0x2800, $0x38;
	[tilespmem:$0x2D00] =	vst v63  }
0x2d1: {  	s8 =	sand.u32 $0x3C00, s19;
	_ =	swait.ge [sflag:s12], $0x2800  }
0x2d2: {  	s17 =	sand.u32 $0x70, s19;
	s4 =	sadd.s32 s8, s9;
	[sflag:s12] =	ssyncset.done $0x0  }
0x2d3: {  	s4 =	sadd.s32 s17, s4;
	[sflag:s12] =	ssyncadd.s32 $0xFFFFD800  }
0x2d4: {  	s18 =	simm.s32 $0x80;
	v4 =	vld [tilespmem:s4+$0x180]  }
0x2d5: {  	s7 =	simm.s32 $0x10;
	s4 =	sand.u32 $0x3C00, s18  }
0x2d6: {  	s21 =	sand.u32 $0x70, s7;
	s4 =	sadd.s32 s4, s9  }
0x2d7: {  	s4 =	sadd.s32 s21, s4  }
0x2d8: {  	v6 =	vld [tilespmem:s4+$0x180]  }
0x2d9: {  	v4 =	vmul.f32 $7.000000000e+00, v4  }
0x2da: {  	s17 =	simm.s32 $0x100  }
0x2db: {  	s8 =	simm.s32 $0x20;
	s4 =	sand.u32 $0x3C00, s17;
	v4 =	vmul.f32 $1.442695020e+00, v4  }
0x2dc: {  	s17 =	sand.u32 $0x70, s8;
	s4 =	sadd.s32 s4, s9  }
0x2dd: {  	s4 =	sadd.s32 s17, s4;
	(erf) = vpow2.f32 v4;
	v4 =	vmul.f32 $7.000000000e+00, v6  }
0x2de: {  	v6 =	vld [tilespmem:s4+$0x180]  }
0x2df: {  	v4 =	vmul.f32 $1.442695020e+00, v4;
	_ =	sdelay $0x1  }
0x2e0: {  	(erf) = vpow2.f32 v4  }
0x2e1: {  	s18 =	simm.s32 $0x180;
	s21 =	smul.u32 $0x500, s3  }
0x2e2: {  	s17 =	sand.u32 $0x3C00, s18;
	v7 =	vmul.f32 $7.000000000e+00, v6  }
0x2e3: {  	v8 =	vor.u32 s19, v0;
	s3 =	sadd.s32 s17, s9;
	s17 =	sadd.s32 $0xFFFE7E60, s21  }
0x2e4: {  	s17 =	simm.s32 @!p0 $0x0;
	s4 =	simm.s32 $0x30;
	v7 =	vmul.f32 $1.442695020e+00, v7  }
0x2e5: {  	s18 =	sand.u32 $0x70, s4;
	v6 =	vmov s17  }
0x2e6: {  	s3 =	sadd.s32 s18, s3;
	vm3 =	vge.s32 v8, v6;
	v8 =	vpop (erf);
	(erf) = vpow2.f32 v7;
	v7 =	vor.u32 s7, v0  }
0x2e7: {  	v4 =	vld [tilespmem:s3+$0x180];
	s17 =	simm.s32 $0x200;
	v8 =	vnsel vm3, $0x0, v8  }
0x2e8: {  	s3 =	simm.s32 $0x40;
	s18 =	sand.u32 $0x3C00, s17;
	(xrf2) =	vadd.scan.msk.f32 $0xffff, v8  }
0x2e9: {  	s17 =	sadd.s32 s18, s9;
	s18 =	sand.u32 $0x70, s3;
	vm4 =	vge.s32 v7, v6;
	v7 =	vpop (erf)  }
0x2ea: {  	s20 =	sadd.s32 s20, s22;
	s17 =	sadd.s32 s18, s17;
	v7 =	vnsel vm4, $0x0, v7  }
0x2eb: {  	s22 =	sadd.s32 s20, s24;
	v8 =	vld [tilespmem:s17+$0x180];
	(xrf2) =	vadd.scan.msk.f32 $0xffff, v7  }
0x2ec: {  	s24 =	simm.s32 $0x280;
	v4 =	vmul.f32 $7.000000000e+00, v4;
	s7 =	sadd.s32 s22, s23  }
0x2ed: {  	s20 =	simm.s32 $0x50;
	s7 =	sadd.s32 s7, s25;
	s17 =	sand.u32 $0x3C00, s24  }
0x2ee: {  	s25 =	sand.u32 $0x70, s20;
	v4 =	vmul.f32 $1.442695020e+00, v4;
	s7 =	sadd.s32 s7, s26;
	s17 =	sadd.s32 s17, s9;
	v7 =	vor.u32 s8, v0  }
0x2ef: {  	s7 =	sadd.s32 s7, s28;
	s17 =	sadd.s32 s25, s17  }
0x2f0: {  	(erf) = vpow2.f32 v4;
	s7 =	sadd.s32 s7, s29;
	v4 =	vmul.f32 $7.000000000e+00, v8;
	v8 =	vld [tilespmem:s17+$0x180]  }
0x2f1: {  	s26 =	simm.s32 $0x300;
	s7 =	sadd.s32 s7, s16;
	vm5 =	vge.s32 v7, v6;
	v7 =	vpop (erf)  }
0x2f2: {  	s28 =	sand.u32 $0x3C00, s26;
	s7 =	sadd.s32 s7, s13;
	s13 =	simm.s32 $0x60;
	v7 =	vnsel vm5, $0x0, v7;
	v9, _, _ =	vpop (xrf2)  }
0x2f3: {  	s1 =	sadd.s32 s7, s1;
	s16 =	sand.u32 $0x70, s13;
	s7 =	sadd.s32 s28, s9;
	v4 =	vmul.f32 $1.442695020e+00, v4;
	(xrf2) =	vadd.scan.msk.f32 $0xffff, v7;
	(v2sf) =	vpush v9, $0xF  }
0x2f4: {  	s1 =	sadd.s32 s1, s2;
	s17 =	sadd.s32 s16, s7  }
0x2f5: {  	s29 =	sadd.f32 $0.0e+00, s15;
	s0 =	sadd.s32 s1, s0;
	(erf) = vpow2.f32 v4;
	v4 =	vmul.f32 $7.000000000e+00, v8;
	v8 =	vld [tilespmem:s17+$0x180];
	v11, _, _ =	vpop (xrf2)  }
0x2f6: {  	s22 =	rddreg [dreg:$0xb];
	s0 =	sadd.s32 s0, s31;
	(v2sf) =	vpush v11, $0xF  }
0x2f7: {  	s18 =	sadd.f32 s14, s29;
	s0 =	sadd.s32 s22, s0;
	v4 =	vmul.f32 $1.442695020e+00, v4  }
0x2f8: {  	s23 =	simm.s32 $0x380;
	s24 =	simm.s32 $0x70;
	v7 =	vor.u32 s4, v0;
	p0 =	slt.s32 s0, $0x1869F  }
0x2f9: {  	vm7 =	veq.s32 v0, $0x2;
	s2 =	sand.u32 $0x3C00, s23;
	s1 =	sadd.f32 s11, s18;
	v10 =	vpop (erf);
	vm6 =	vge.s32 v7, v6;
	s0 =	simm.s32 @!p0 $0x1869F;
	(erf) = vpow2.f32 v4  }
0x2fa: {  	s25 =	sand.u32 $0x70, s24;
	s2 =	sadd.s32 s2, s9;
	v4 =	vsel vm7, s0, v5;
	v5 =	vmul.f32 $7.000000000e+00, v8;
	v8 =	vor.u32 s3, v0  }
0x2fb: {  	vm3 =	vmmov vm3;
	s26 =	sadd.s32 s25, s2;
	s1 =	sadd.f32 s5, s1;
	v7 =	vnsel vm6, $0x0, v10  }
0x2fc: {  	vm3 =	vmmov vm3;
	v10 =	vld [tilespmem:s26+$0x180];
	(xrf2) =	vadd.scan.msk.f32 $0xffff, v7  }
0x2fd: {  	s29 =	simm.s32 $0x400;
	s18 =	sadd.f32 s10, s1;
	vm7 =	vmmov vm3;
	vm3 =	vge.s32 v8, v6;
	v5 =	vmul.f32 $1.442695020e+00, v5;
	v8, _, _ =	vpop (xrf2)  }
0x2fe: {  	vm4 =	vmmov vm4;
	s28 =	simm.f32 $0.0e+00;
	s1 =	sand.u32 $0x3C00, s29;
	v7 =	vmov s30;
	s30 =	simm.s32 $0x80;
	(v2sf) =	vpush v8, $0xF  }
0x2ff: {  	vm4 =	vmmov vm4;
	s1 =	sadd.s32 s1, s9;
	s31 =	sadd.f32 s28, s18;
	s5 =	sand.u32 $0x70, s30;
	v12 =	vpop (erf);
	(erf) = vpow2.f32 v5  }
0x300: {  	vm4 =	vmmov vm4;
	s1 =	sadd.s32 s5, s1;
	v12 =	vnsel vm3, $0x0, v12  }
0x301: {  	vm7 =	vmmov vm7;
	v9 =	vadd.f32 s31, v9;
	v5 =	vmul.f32 $7.000000000e+00, v10;
	(xrf2) =	vadd.scan.msk.f32 $0xffff, v12;
	v12 =	vld [tilespmem:s1+$0x180]  }
0x302: {  	s8 =	simm.s32 $0x480;
	vm4 =	vmmov vm4;
	vm7 =	vmmov vm7;
	v10 =	vor.u32 s20, v0;
	s7 =	spop (v2sf)  }
0x303: {  	s3 =	sand.u32 $0x3C00, s8;
	vm9 =	vlt.f32 v9, v7;
	vm8 =	vge.s32 v10, v6;
	s1 =	simm.s32 $0x90;
	v5 =	vmul.f32 $1.442695020e+00, v5;
	v13 =	vpop (erf);
	s0 =	sadd.f32 s7, s28  }
0x304: {  	vm5 =	vmmov vm5;
	s3 =	sadd.s32 s3, s9;
	vm7 =	vmand vm7, vm9;
	s14 =	sand.u32 $0x70, s1;
	v9 =	vnsel vm8, $0x0, v13  }
0x305: {  	s3 =	sadd.s32 s14, s3;
	(erf) = vpow2.f32 v5;
	v5 =	vsel vm7, $0x1, v3;
	(xrf2) =	vadd.scan.msk.f32 $0xffff, v9;
	v9 =	vor.u32 s13, v0;
	s10 =	sadd.f32 s0, s18;
	s15 =	spop (v2sf)  }
0x306: {  	vm4 =	vmmov vm4;
	vm5 =	vmmov vm5;
	v10, _, _ =	vpop (xrf2);
	(xrf0) =	vadd.scan.msk.s32 $0xffff, v5;
	v5 =	vmul.f32 $7.000000000e+00, v12;
	v12 =	vld [tilespmem:s3+$0x180];
	s3 =	sadd.f32 s15, s0  }
0x307: {  	vm3 =	vmmov vm3;
	(v2sf) =	vpush v10, $0xF;
	v11 =	vadd.f32 s10, v11  }
0x308: {  	vm7 =	vmmov vm3;
	vm3 =	vge.s32 v9, v6;
	v5 =	vmul.f32 $1.442695020e+00, v5;
	v9 =	vpop (erf);
	s17 =	sadd.f32 s3, s18  }
0x309: {  	vm5 =	vmmov vm5;
	v9 =	vnsel vm3, $0x0, v9;
	vm9 =	vlt.f32 v11, v7  }
0x30a: {  	(erf) = vpow2.f32 v5;
	(xrf2) =	vadd.scan.msk.f32 $0xffff, v9;
	vm4 =	vmand vm4, vm9;
	v8 =	vadd.f32 s17, v8  }
0x30b: {  	vm5 =	vmmov vm5;
	v5 =	vsel vm4, $0x1, v3  }
0x30c: {  	vm5 =	vmmov vm5;
	(xrf0) =	vadd.scan.msk.s32 $0xffff, v5;
	vm9 =	vlt.f32 v8, v7  }
0x30d: {  	v11 =	vmul.f32 $7.000000000e+00, v12;
	s22 =	spop (v2sf);
	vm5 =	vmand vm5, vm9  }
0x30e: {  	v13, _, _ =	vpop (xrf2);
	v9 =	vor.u32 s24, v0;
	s3 =	sadd.f32 s22, s3;
	v8 =	vsel vm5, $0x1, v3  }
0x30f: {  	s16 =	simm.s32 $0x500;
	(v2sf) =	vpush v13, $0xF;
	vm4 =	vge.s32 v9, v6;
	v9 =	vmul.f32 $1.442695020e+00, v11;
	v5, _, _ =	vpop (xrf0);
	(xrf0) =	vadd.scan.msk.s32 $0xffff, v8  }
0x310: {  	s4 =	sand.u32 $0x3C00, s16;
	s0 =	simm.s32 $0xA0;
	(v2sf) =	vpush v5, $0xF;
	v5 =	vpop (erf);
	s24 =	sadd.f32 s3, s18  }
0x311: {  	s4 =	sadd.s32 s4, s9;
	s20 =	sand.u32 $0x70, s0;
	(erf) = vpow2.f32 v9;
	v11 =	vnsel vm4, $0x0, v5;
	v5, _, _ =	vpop (xrf2)  }
0x312: {  	s4 =	sadd.s32 s20, s4;
	v9 =	vor.u32 s30, v0;
	(v2sf) =	vpush v5, $0xF;
	v10 =	vadd.f32 s24, v10;
	v8, _, _ =	vpop (xrf0)  }
0x313: {  	s23 =	simm.s32 $0x580;
	vm6 =	vmmov vm6;
	v12 =	vld [tilespmem:s4+$0x180];
	vm5 =	vge.s32 v9, v6;
	(v2sf) =	vpush v8, $0xF;
	v8 =	vpop (erf)  }
0x314: {  	vm6 =	vmmov vm6;
	s5 =	simm.s32 $0xB0;
	s4 =	sand.u32 $0x3C00, s23;
	vm9 =	vlt.f32 v10, v7;
	v10 =	vnsel vm5, $0x0, v8;
	v8, _, _ =	vpop (xrf2)  }
0x315: {  	vm6 =	vmmov vm6;
	s25 =	sand.u32 $0x70, s5;
	s4 =	sadd.s32 s4, s9;
	(v2sf) =	vpush v8, $0xF;
	v15, _, _ =	vpop (xrf0)  }
0x316: {  	vm6 =	vmmov vm6;
	s26 =	sadd.s32 s25, s4;
	s28 =	spop (v2sf);
	(xrf2) =	vadd.scan.msk.f32 $0xffff, v11;
	(v2sf) =	vpush v15, $0xF  }
0x317: {  	vm6 =	vmmov vm6;
	vm8 =	vmmov vm8;
	v14 =	vld [tilespmem:s26+$0x180]  }
0x318: {  	vm7 =	vmmov vm7;
	vm8 =	vmmov vm8;
	v12 =	vmul.f32 $7.000000000e+00, v12  }
0x319: {  	vm7 =	vmmov vm7;
	vm8 =	vmmov vm8;
	vm3 =	vmmov vm3  }
0x31a: {  	s11 =	simm.s32 $0x600;
	vm7 =	vmmov vm7;
	vm3 =	vmmov vm3;
	v9 =	vmul.f32 $1.442695020e+00, v12;
	s10 =	sadd.f32 s28, s3  }
0x31b: {  	s2 =	simm.s32 $0xC0;
	s29 =	sand.u32 $0x3C00, s11;
	vm4 =	vmmov vm4;
	v12 =	vor.u32 s1, v0;
	vm9 =	vmand vm6, vm9;
	(xrf2) =	vadd.scan.msk.f32 $0xffff, v10  }
0x31c: {  	s31 =	sand.u32 $0x70, s2;
	s3 =	sadd.s32 s29, s9;
	v11 =	vmul.f32 $7.000000000e+00, v14;
	(erf) = vpow2.f32 v9;
	s30 =	sadd.f32 s10, s18;
	v9 =	vsel vm9, $0x1, v3  }
0x31d: {  	s3 =	sadd.s32 s31, s3;
	vm6 =	vmmov vm8;
	vm8 =	vmmov vm3;
	vm3 =	vmmov vm4;
	(xrf0) =	vadd.scan.msk.s32 $0xffff, v9  }
0x31e: {  	s1 =	simm.s32 $0xD0;
	vm4 =	vge.s32 v12, v6;
	vm5 =	vmmov vm5;
	v10 =	vadd.f32 s30, v13;
	v9 =	vld [tilespmem:s3+$0x180];
	s3 =	spop (v2sf);
	v12 =	vpop (erf)  }
.LBB2_8:
0x31f: {  	p0 =	sne.s32 s1, $0x4F0  }
0x320: {  	v11 =	vmul.f32 $1.442695020e+00, v11;
	v12 =	vnsel vm4, $0x0, v12;
	v13, _, _ =	vpop (xrf2);
	vm9 =	vlt.f32 v10, v7;
	s10 =	sadd.f32 s3, s10;
	s3 =	smov.u32 s1;
	s1 =	sadd.s32 $0x10, s1  }
.Ltmp3:
0x321: {  	s11 =	sadd.s32 $0x80, s11;
	vm9 =	vmand vm7, vm9;
	s4 =	spop (v2sf);
	vm7 =	vmmov vm6;
	vm6 =	vmmov vm8;
	(pc) =	sbr.rel @p0 .LBB2_8-.Ltmp3, $4  }
0x322: {  	s7 =	sand.u32 $0x3C00, s11;
	(erf) = vpow2.f32 v11;
	(xrf2) =	vadd.scan.msk.f32 $0xffff, v12;
	(v2sf) =	vpush v13, $0xF;
	s8 =	sadd.f32 s10, s18;
	v10 =	vsel vm9, $0x1, v3;
	s19 =	sadd.s32 s19, s4  }
0x323: {  	v14 =	vor.u32 s0, v0;
	s0 =	smov.u32 s5;
	vm8 =	vmmov vm3;
	vm3 =	vmmov vm5;
	s4 =	sand.u32 $0x70, s3;
	s7 =	sadd.s32 s7, s9;
	(xrf0) =	vadd.scan.msk.s32 $0xffff, v10;
	v12, _, _ =	vpop (xrf0)  }
0x324: {  	s5 =	smov.u32 s2;
	s2 =	smov.u32 s3;
	s4 =	sadd.s32 s4, s7;
	v11 =	vmul.f32 $7.000000000e+00, v9;
	v10 =	vadd.f32 s8, v5;
	(v2sf) =	vpush v12, $0xF;
	v5 =	vmovc v8;
	v8 =	vmovc v13  }
0x325: {  	vm5 =	vmmov vm4;
	vm4 =	vge.s32 v14, v6;
	v9 =	vld [tilespmem:s4+$0x180];
	v12 =	vpop (erf);
	s3 =	spop (v2sf)  }
0x326: {  	v11 =	vmul.f32 $1.442695020e+00, v11;
	_ =	sdelay $0x1  }
0x327: {  	(erf) = vpow2.f32 v11;
	_ =	sdelay $0x1  }
0x328: {  	s3 =	sadd.f32 s3, s10  }
0x329: {  	s1 =	spop (v2sf)  }
0x32a: {  	s7 =	spop (v2sf);
	s4 =	sadd.f32 s3, s18  }
0x32b: {  	vm9 =	vlt.f32 v10, v7;
	s3 =	sadd.f32 s7, s3  }
0x32c: {  	v38 =	vnsel vm4, $0x0, v12;
	v39 =	vor.u32 s0, v0;
	vm14 =	vmmov vm6  }
0x32d: {  	vm7 =	vmand vm7, vm9;
	(xrf2) =	vadd.scan.msk.f32 $0xffff, v38;
	vm15 =	vge.s32 v39, v6;
	v5 =	vadd.f32 s4, v5;
	s28 =	sadd.f32 s3, s18;
	v40 =	vpop (erf)  }
0x32e: {  	v42 =	vor.u32 s5, v0;
	v41 =	vsel vm7, $0x1, v3;
	v10 =	vnsel vm15, $0x0, v40  }
0x32f: {  	vm7 =	vge.s32 v42, v6;
	vm10 =	vlt.f32 v5, v7;
	v5 =	vadd.f32 s28, v8;
	(xrf2) =	vadd.scan.msk.f32 $0xffff, v10;
	v43 =	vpop (erf)  }
0x330: {  	vm8 =	vmmov vm8;
	(xrf0) =	vadd.scan.msk.s32 $0xffff, v41;
	vm9 =	vmand vm14, vm10;
	v8 =	vnsel vm7, $0x0, v43  }
0x331: {  	vm8 =	vmmov vm8;
	v44 =	vsel vm9, $0x1, v3;
	vm12 =	vlt.f32 v5, v7;
	(xrf2) =	vadd.scan.msk.f32 $0xffff, v8  }
0x332: {  	(xrf0) =	vadd.scan.msk.s32 $0xffff, v44;
	vm8 =	vmand vm8, vm12  }
0x333: {  	v5, _, _ =	vpop (xrf2);
	v45 =	vsel vm8, $0x1, v3  }
0x334: {  	v46, _, _ =	vpop (xrf0);
	(v2sf) =	vpush v5, $0xF;
	(xrf0) =	vadd.scan.msk.s32 $0xffff, v45  }
0x335: {  	v47, _, _ =	vpop (xrf2);
	(v2sf) =	vpush v46, $0xF  }
0x336: {  	v9 =	vmul.f32 $7.000000000e+00, v9;
	v48, _, _ =	vpop (xrf0);
	(v2sf) =	vpush v47, $0xF  }
0x337: {  	v49, _, _ =	vpop (xrf2);
	(v2sf) =	vpush v48, $0xF  }
0x338: {  	v9 =	vmul.f32 $1.442695020e+00, v9;
	(v2sf) =	vpush v49, $0xF;
	v50, _, _ =	vpop (xrf0)  }
0x339: {  	(v2sf) =	vpush v50, $0xF;
	v51, _, _ =	vpop (xrf2)  }
0x33a: {  	(erf) = vpow2.f32 v9;
	v52, _, _ =	vpop (xrf0);
	(v2sf) =	vpush v51, $0xF  }
0x33b: {  	(v2sf) =	vpush v52, $0xF;
	v53, _, _ =	vpop (xrf2)  }
0x33c: {  	(v2sf) =	vpush v53, $0xF;
	_ =	sdelay $0x3  }
0x33d: {  	s29 =	spop (v2sf)  }
0x33e: {  	s30 =	spop (v2sf)  }
0x33f: {  	v54 =	vor.u32 s2, v0;
	vm3 =	vmmov vm3;
	vm5 =	vmmov vm5;
	s3 =	sadd.f32 s30, s3;
	s31 =	spop (v2sf)  }
0x340: {  	vm13 =	vge.s32 v54, v6;
	vm3 =	vmmov vm3;
	vm5 =	vmmov vm5;
	v55 =	vpop (erf);
	s8 =	spop (v2sf)  }
0x341: {  	vm6 =	vmmov vm15;
	vm14 =	vmmov vm4;
	v6 =	vnsel vm13, $0x0, v55;
	s10 =	spop (v2sf);
	s4 =	sadd.f32 s8, s3  }
0x342: {  	vm3 =	vmmov vm3;
	vm5 =	vmmov vm5;
	vm4 =	vmmov vm14;
	(xrf2) =	vadd.scan.msk.f32 $0xffff, v6;
	s3 =	sadd.f32 s3, s18;
	s15 =	spop (v2sf)  }
0x343: {  	vm6 =	vmmov vm6;
	vm5 =	vmmov vm5;
	vm4 =	vmmov vm4;
	s7 =	sadd.f32 s15, s4;
	s16 =	spop (v2sf)  }
0x344: {  	vm7 =	vmmov vm7;
	vm13 =	vmmov vm13;
	s4 =	sadd.f32 s4, s18;
	v5 =	vadd.f32 s3, v5;
	s8 =	spop (v2sf)  }
0x345: {  	vm4 =	vmmov vm4;
	vm12 =	vmmov vm7;
	vm7 =	vmmov vm13;
	s8 =	sadd.f32 s8, s7;
	s11 =	spop (v2sf)  }
0x346: {  	vm11 =	vmmov vm7;
	s7 =	sadd.f32 s7, s18;
	v56 =	vadd.f32 s4, v47;
	vm15 =	vlt.f32 v5, v7;
	s13 =	spop (v2sf)  }
0x347: {  	vm4 =	vmmov vm4;
	vm13 =	vmmov vm11;
	vm3 =	vmand vm3, vm15;
	s14 =	sadd.f32 s13, s8;
	s17 =	spop (v2sf)  }
0x348: {  	vm15 =	vmmov vm12;
	v57 =	vadd.f32 s7, v49;
	vm14 =	vlt.f32 v56, v7;
	s8 =	sadd.f32 s8, s18;
	s15 =	spop (v2sf)  }
0x349: {  	v5 =	vsel vm3, $0x1, v3;
	vm3 =	vmmov vm6;
	vm5 =	vmand vm5, vm14;
	s15 =	sadd.f32 s15, s14  }
0x34a: {  	vm3 =	vmmov vm3;
	v60 =	vsel vm5, $0x1, v3;
	v10 =	vadd.f32 s8, v51;
	s14 =	sadd.f32 s14, s18  }
0x34b: {  	vm9 =	vlt.f32 v57, v7;
	vm3 =	vmmov vm3;
	vm5 =	vmmov vm15;
	s18 =	sadd.f32 s15, s18  }
0x34c: {  	v58, _, _ =	vpop (xrf2);
	(xrf0) =	vadd.scan.msk.s32 $0xffff, v5;
	vm4 =	vmand vm4, vm9;
	vm10 =	vlt.f32 v10, v7;
	v9 =	vadd.f32 s14, v53  }
0x34d: {  	vm12 =	vmmov vm5;
	vm3 =	vmand vm3, vm10;
	v59 =	vadd.f32 s18, v58  }
0x34e: {  	(xrf0) =	vadd.scan.msk.s32 $0xffff, v60;
	v5 =	vsel vm4, $0x1, v3;
	v61 =	vsel vm3, $0x1, v3;
	vm3 =	vlt.f32 v9, v7  }
0x34f: {  	vm14 =	vmmov vm13;
	(xrf0) =	vadd.scan.msk.s32 $0xffff, v5;
	vm3 =	vmand vm12, vm3;
	vm15 =	vlt.f32 v59, v7  }
0x350: {  	(xrf0) =	vadd.scan.msk.s32 $0xffff, v61;
	v5 =	vsel vm3, $0x1, v3;
	vm3 =	vmand vm14, vm15  }
0x351: {  	(xrf0) =	vadd.scan.msk.s32 $0xffff, v5;
	v5 =	vsel vm3, $0x1, v3  }
0x352: {  	v62, _, _ =	vpop (xrf0);
	(xrf0) =	vadd.scan.msk.s32 $0xffff, v5  }
0x353: {  	(v2sf) =	vpush v62, $0xF  }
0x354: {  	(v2sf) =	vpush v58, $0xF;
	v5, _, _ =	vpop (xrf0)  }
0x355: {  	v63, _, _ =	vpop (xrf0);
	(v2sf) =	vpush v5, $0xF  }
0x356: {  	v5, _, _ =	vpop (xrf0);
	(v2sf) =	vpush v63, $0xF  }
0x357: {  	(v2sf) =	vpush v5, $0xF;
	v5, _, _ =	vpop (xrf0)  }
0x358: {  	(v2sf) =	vpush v5, $0xF;
	v5, _, _ =	vpop (xrf0)  }
0x359: {  	(v2sf) =	vpush v5, $0xF;
	_ =	sdelay $0x3  }
0x35a: {  	s1 =	sadd.s32 s19, s1  }
0x35b: {  	s0 =	sadd.s32 s1, s29  }
0x35c: {  	s0 =	sadd.s32 s0, s31  }
0x35d: {  	s0 =	sadd.s32 s0, s10  }
0x35e: {  	s0 =	sadd.s32 s0, s16  }
0x35f: {  	s0 =	sadd.s32 s0, s11;
	s19 =	spop (v2sf)  }
0x360: {  	s0 =	sadd.s32 s0, s17;
	s20 =	spop (v2sf)  }
0x361: {  	s0 =	sadd.s32 s0, s19;
	s22 =	spop (v2sf)  }
0x362: {  	s0 =	sadd.s32 s0, s22;
	s23 =	spop (v2sf)  }
0x363: {  	s0 =	sadd.s32 s0, s23;
	s24 =	spop (v2sf)  }
0x364: {  	s0 =	sadd.s32 s0, s24;
	s25 =	spop (v2sf)  }
0x365: {  	s0 =	sadd.s32 s0, s25;
	s26 =	spop (v2sf)  }
0x366: {  	s0 =	sadd.s32 s0, s26  }
0x367: {  	s0 =	sadd.s32 s21, s0  }
0x368: {  	p0 =	slt.s32 s0, $0x1869F  }
0x369: {  	vm3 =	veq.s32 v0, $0x3;
	s0 =	simm.s32 @!p0 $0x1869F  }
0x36a: {  	v4 =	vsel vm3, s0, v4  }
0x36b: {  	s29 =	simm.s32 $0x2C80;
	s28 =	rddreg [dreg:$0x7];
	s8 =	simm.s32 $0x0;
	[tilespmem:$0x2C80] =	vst v4  }
0x36c: {  	[hbm4b:s28+s8] =	stream.linear.scatter [tilespmem:s29], [sflag:$0x1], $0x10, $0x38;
	[tilespmem:$0x2D00] =	vst v63  }
0x36d: {  	_ =	swait.ge [sflag:s12], $0x10  }
0x36e: {  	s30 =	rddreg [dreg:$0xa]  }
0x36f: {  	s31 =	rddreg [dreg:$0x8];
	s1 =	sadd.s32 $0x1, s30  }
0x370: {  	p0 =	sne.s32 s1, s31  }
.Ltmp4:
0x371: {  	_ = 	snop;
	(pc) =	sbr.rel @p0 .LBB2_1-.Ltmp4, $3  }
0x372: {  	_ =	sdelay $0x1  }
0x373: {  	[sflag:s12] =	ssyncset.done $0x0  }
0x374: {  	s17 =	rddreg [dreg:$0x3];
	[sflag:s12] =	ssyncadd.s32 $0xFFFFFFF0  }
0x375: {  	_ =	sfence.sel $0x180000  }
0x376: {  	[bflag:$0x0] =	sbarrier.arrive $0xFFFF  }
0x377: {  	_ =	strace $0x90000047  }
0x378: {  	s0 =	stileid.u32;
	[bflag:$0x2] =	sbarrier.arrive $0xFFFF  }
0x379: {  	p0 =	sne.s32 s0, $0x0;
	s0 =	rddreg [dreg:$0x2]  }
0x37a: {  	s0 =	sadd.s32 @!p0 $0x100000, s0  }
0x37b: {  	[sflag:s0] =	ssyncadd.tile.s32 @!p0 $0x1;
	_ =	shalt  }
.Lfunc_end2:
_tile_overlayer_lowered:
.L_overlay_start_2:
0x37c: {  	(tag) =	ssettag $0x2  }
0x37d: {  	s0 =	rddreg [dreg:$0x0];
	s2 =	stileid.u32  }
0x37e: {  	s1 =	rddreg [dreg:$0x1];
	p0 =	sne.s32 s2, $0x0  }
0x37f: {  	s3 =	rddreg [dreg:$0x2];
	[bflag:$0x3] =	sbarrier.arrive $0xFFFF;
	s2 =	simm.s32 @!p0 $0x1C01  }
0x380: {  	[timem:s3], [sflag:s2] =	dma.local @!p0 [hbm:s0], s1  }
0x381: {  	s0 =	simm.s32 @!p0 $0x1  }
0x382: {  	_ =	swait.ge @!p0 [sflag:s0], s1  }
0x383: {  	s1 =	ssub.s32 @!p0 $0x0, s1;
	[sflag:s0] =	ssyncset.done @!p0 $0x0  }
0x384: {  	[sflag:s0] =	ssyncadd.s32 @!p0 s1  }
0x385: {  	[bflag:$0x3] =	sbarrier.arrive $0xFFFF  }
0x386: {  	_ =	shalt  }

</sc_bundles>
